<compile_context>
chip_gen: v7x
topology: tpu7x:2x2x1
jax: 0.10.2.dev20260603
libtpu: 0.0.44.dev20260713+nightly
codegen_flags: <defaults>
</compile_context>

<pallas_src>
import functools
import jax
import jax.numpy as jnp
from jax import lax
from jax.experimental import pallas as pl
from jax.experimental.pallas import tpu as pltpu
from jax.experimental.pallas import tpu_sc as plsc

N = 10000
E = 160000
D = 256
H = 256

NC = 2
NS = 16
CHUNK = 128
EP = 163840
CPT = EP // NS // CHUNK
NPAD = 10240
RPT = NPAD // NS
CA = 256
CPTA = EP // NS // CA


def _sc_mesh():
    return plsc.VectorSubcoreMesh(core_axis_name="c", subcore_axis_name="s",
                                  num_cores=NC, num_subcores=NS)


P = 64


def _aggr_body(xf_hbm, src_hbm, dst_hbm, zrow_hbm, iota_hbm,
               aL_hbm, aR_hbm, deg_hbm,
               aggr_sh, deg_sh, src_v, dst_v, rows0, rows1,
               deg_l, rep_v, iota_v, sg0, sg1):
    cid = lax.axis_index("c")
    sid = lax.axis_index("s")

    pltpu.sync_copy(src_hbm.at[sid], src_v)
    pltpu.sync_copy(dst_hbm.at[sid], dst_v)
    pltpu.sync_copy(iota_hbm, iota_v)

    zero16 = jnp.zeros((16,), jnp.float32)

    def zdeg(i, _):
        deg_l[pl.ds(i * 16, 16)] = zero16
        return 0
    lax.fori_loop(0, RPT, zdeg, 0)

    def zrep(i, _):
        rep_v[i] = zero16
        return 0
    lax.fori_loop(0, CHUNK, zrep, 0)

    @pl.when(jnp.logical_and(cid == 0, sid == 0))
    def _():
        for j in range(RPT // CHUNK):
            pltpu.sync_copy(rep_v, deg_sh.at[pl.ds(j * CHUNK, CHUNK)])

    sl = pl.ds(sid * RPT, RPT)
    ones16 = jnp.ones((16,), jnp.float32)

    def hist(c):
        for j in range(CA // 16):
            d16 = dst_v[c, pl.ds(j * 16, 16)]
            plsc.addupdate_scatter(deg_l, [d16], ones16)

    def bump(delta):
        d16 = jnp.zeros((16,), jnp.int32) + delta

        def bb(c, _):
            for j in range(CA // 16):
                sl2 = pl.ds(j * 16, 16)
                src_v[c, sl2] = src_v[c, sl2] + d16
            return 0
        lax.fori_loop(0, CPTA, bb, 0)

    def run_pass(out_hbm, with_deg):
        def G(c, buf, sem):
            return pltpu.make_async_copy(xf_hbm.at[src_v.at[c]], buf, sem)

        pltpu.sync_copy(zrow_hbm, aggr_sh.at[sl])
        plsc.subcore_barrier()
        G(0, rows0, sg0).start()

        def body(o, _):
            c0 = 2 * o
            G(c0 + 1, rows1, sg1).start()
            if with_deg:
                hist(c0)
            G(c0, rows0, sg0).wait()
            pltpu.sync_copy(rows0, aggr_sh.at[dst_v.at[c0]], add=True)

            @pl.when(c0 + 2 < CPTA)
            def _():
                G(c0 + 2, rows0, sg0).start()
            if with_deg:
                hist(c0 + 1)
            G(c0 + 1, rows1, sg1).wait()
            pltpu.sync_copy(rows1, aggr_sh.at[dst_v.at[c0 + 1]], add=True)
            return 0
        lax.fori_loop(0, CPTA // 2, body, 0)
        plsc.subcore_barrier()
        pltpu.sync_copy(aggr_sh.at[sl], out_hbm.at[sl])

    bump(cid)

    @pl.when(cid == 0)
    def _():
        run_pass(aL_hbm, True)

    @pl.when(cid == 1)
    def _():
        run_pass(aR_hbm, False)

    @pl.when(cid == 0)
    def _():
        for j in range(RPT // CHUNK):
            def rbody(i, _):
                rep_v[i] = deg_l[pl.ds(j * CHUNK * 16 + i * 16, 16)]
                return 0
            lax.fori_loop(0, CHUNK, rbody, 0)
            pltpu.sync_copy(rep_v, deg_sh.at[iota_v.at[j]], add=True)
        plsc.subcore_barrier()
        pltpu.sync_copy(deg_sh.at[pl.ds(sid * (RPT // 16), RPT // 16)],
                        deg_hbm.at[pl.ds(sid * (RPT // 16), RPT // 16)])


def _make_aggr_kernel():
    return pl.kernel(
        _aggr_body,
        out_type=(
            jax.ShapeDtypeStruct((NPAD, 2 * P), jnp.bfloat16),
            jax.ShapeDtypeStruct((NPAD, 2 * P), jnp.bfloat16),
            jax.ShapeDtypeStruct((NPAD // 16, 16), jnp.float32),
        ),
        mesh=_sc_mesh(),
        scratch_types=[
            pltpu.VMEM_SHARED((NPAD, 2 * P), jnp.bfloat16),
            pltpu.VMEM_SHARED((NPAD // 16, 16), jnp.float32),
            pltpu.VMEM((CPTA, CA), jnp.int32),
            pltpu.VMEM((CPTA, CA), jnp.int32),
            pltpu.VMEM((CA, 2 * P), jnp.bfloat16),
            pltpu.VMEM((CA, 2 * P), jnp.bfloat16),
            pltpu.VMEM((NPAD,), jnp.float32),
            pltpu.VMEM((CHUNK, 16), jnp.float32),
            pltpu.VMEM((RPT // CHUNK, CHUNK), jnp.int32),
            pltpu.SemaphoreType.DMA,
            pltpu.SemaphoreType.DMA,
        ],
        compiler_params=pltpu.CompilerParams(needs_layout_passes=False, use_tc_tiling_on_sc=False),
    )


BN = 512


def _dense_body(aL_ref, aR_ref, x_ref, deg_ref, w1l0_ref, w1l1_ref,
                w1r_ref, b1_ref, w2_ref, b2_ref, s_ref):
    inv = 1.0 / jnp.maximum(deg_ref[...], 1.0)
    f32 = jnp.float32
    aL = aL_ref[...].astype(f32) * inv
    aR = aR_ref[...].astype(f32) * inv
    h = (jnp.dot(aL, w1l0_ref[...], preferred_element_type=f32)
         + jnp.dot(aR, w1l1_ref[...], preferred_element_type=f32)
         + jnp.dot(x_ref[...], w1r_ref[...], preferred_element_type=f32)
         + b1_ref[...])
    h = jnp.maximum(h, 0.0)
    s_ref[...] = (jnp.dot(h, w2_ref[...], preferred_element_type=f32)
                  + b2_ref[...])


def _make_dense_kernel():
    nb = NPAD // BN
    return pl.pallas_call(
        _dense_body,
        grid=(nb,),
        in_specs=[
            pl.BlockSpec((BN, 2 * P), lambda i: (i, 0)),
            pl.BlockSpec((BN, 2 * P), lambda i: (i, 0)),
            pl.BlockSpec((BN, D), lambda i: (i, 0)),
            pl.BlockSpec((BN, 1), lambda i: (i, 0)),
            pl.BlockSpec((2 * P, H), lambda i: (0, 0)),
            pl.BlockSpec((2 * P, H), lambda i: (0, 0)),
            pl.BlockSpec((D, H), lambda i: (0, 0)),
            pl.BlockSpec((1, H), lambda i: (0, 0)),
            pl.BlockSpec((H, 2), lambda i: (0, 0)),
            pl.BlockSpec((1, 2), lambda i: (0, 0)),
        ],
        out_specs=pl.BlockSpec((BN, 2), lambda i: (i, 0)),
        out_shape=jax.ShapeDtypeStruct((NPAD, 2), jnp.float32),
    )


def _seg2_body(s_hbm, src_hbm, dst_hbm, deg_hbm, iota_hbm,
               out_hbm,
               t_sh, s_v, src_v, dst_v, deg_v, t_l, rep_v, tb_v, out_v,
               iota_v):
    cid = lax.axis_index("c")
    sid = lax.axis_index("s")

    pltpu.sync_copy(s_hbm, s_v)
    pltpu.sync_copy(src_hbm.at[sid], src_v)
    pltpu.sync_copy(dst_hbm.at[sid], dst_v)
    pltpu.sync_copy(deg_hbm, deg_v)
    pltpu.sync_copy(iota_hbm, iota_v)

    zero16 = jnp.zeros((16,), jnp.float32)

    def zt(i, _):
        t_l[pl.ds(i * 16, 16)] = zero16
        return 0
    lax.fori_loop(0, RPT, zt, 0)

    def zrep(i, _):
        rep_v[i] = zero16
        return 0
    lax.fori_loop(0, CHUNK, zrep, 0)

    @pl.when(sid == 0)
    def _():
        for j in range(RPT // CHUNK):
            pltpu.sync_copy(rep_v, t_sh.at[pl.ds(j * CHUNK, CHUNK)])

    plsc.subcore_barrier()

    def body(c, _):
        for j in range(CHUNK // 16):
            s16 = src_v[c, pl.ds(j * 16, 16)]
            d16 = dst_v[c, pl.ds(j * 16, 16)]
            v = plsc.load_gather(s_v, [s16])
            plsc.addupdate_scatter(t_l, [d16], v)
        return 0
    lax.fori_loop(0, CPT, body, 0)

    for j in range(RPT // CHUNK):
        def rbody(i, _):
            rep_v[i] = t_l[pl.ds(j * CHUNK * 16 + i * 16, 16)]
            return 0
        lax.fori_loop(0, CHUNK, rbody, 0)
        pltpu.sync_copy(rep_v, t_sh.at[iota_v.at[j]], add=True)

    plsc.subcore_barrier()

    @pl.when(cid == 0)
    def _():
        pltpu.sync_copy(t_sh.at[pl.ds(sid * (RPT // 16), RPT // 16)], tb_v)
        base = sid * RPT
        i16 = lax.iota(jnp.int32, 16)

        def fbody(j, _):
            tt = tb_v[j]
            dd = deg_v[pl.ds(base + j * 16, 16)]
            s1 = plsc.load_gather(
                s_v, [lax.shift_left(i16 + (base + j * 16), 1) + 1])
            out_v[pl.ds(j * 16, 16)] = tt / jnp.maximum(dd, 1.0) + s1
            return 0
        lax.fori_loop(0, RPT // 16, fbody, 0)
        pltpu.sync_copy(out_v, out_hbm.at[pl.ds(base, RPT)])


def _make_seg2_kernel():
    return pl.kernel(
        _seg2_body,
        out_type=jax.ShapeDtypeStruct((NPAD,), jnp.float32),
        mesh=_sc_mesh(),
        scratch_types=[
            pltpu.VMEM_SHARED((NPAD // 16, 16), jnp.float32),
            pltpu.VMEM((NPAD * 2,), jnp.float32),
            pltpu.VMEM((CPT, CHUNK), jnp.int32),
            pltpu.VMEM((CPT, CHUNK), jnp.int32),
            pltpu.VMEM((NPAD,), jnp.float32),
            pltpu.VMEM((NPAD,), jnp.float32),
            pltpu.VMEM((CHUNK, 16), jnp.float32),
            pltpu.VMEM((RPT // 16, 16), jnp.float32),
            pltpu.VMEM((RPT,), jnp.float32),
            pltpu.VMEM((RPT // CHUNK, CHUNK), jnp.int32),
        ],
        compiler_params=pltpu.CompilerParams(needs_layout_passes=False, use_tc_tiling_on_sc=False),
    )


@jax.jit
def kernel(x, edge_index, W1_l, W1_r, b1, W2_l, W2_r, b2):
    npad = EP - E
    pad_src = (jnp.arange(npad, dtype=jnp.int32) * 37) % N
    pad_dst = N + (jnp.arange(npad, dtype=jnp.int32) % (NPAD - N))
    src = jnp.concatenate([edge_index[0].astype(jnp.int32), pad_src]) * 2
    dst = jnp.concatenate([edge_index[1].astype(jnp.int32), pad_dst])
    src3 = src.reshape(NS, CPT, CHUNK)
    dst3 = dst.reshape(NS, CPT, CHUNK)

    xf = x.astype(jnp.bfloat16).reshape(2 * N, 2 * P)
    zrow = jnp.zeros((RPT, 2 * P), jnp.bfloat16)
    iota = jnp.arange(NPAD // 16, dtype=jnp.int32).reshape(RPT // CHUNK, CHUNK)

    srcA = src.reshape(NS, CPTA, CA)
    dstA = dst.reshape(NS, CPTA, CA)
    aL, aR, deg2 = _make_aggr_kernel()(xf, srcA, dstA, zrow, iota)
    deg = deg2.reshape(NPAD, 1)

    w2 = jnp.concatenate([W2_l, W2_r], axis=0).T
    b2v = jnp.stack([jnp.zeros((), jnp.float32), b2[0]]).reshape(1, 2)
    w1lT = W1_l.T
    s = _make_dense_kernel()(
        aL, aR, x, deg, w1lT[:2 * P], w1lT[2 * P:], W1_r.T,
        b1.reshape(1, H), w2, b2v)

    outf = _make_seg2_kernel()(s.reshape(NPAD * 2), src3, dst3,
                               deg.reshape(NPAD), iota)
    return outf[:N].reshape(N, 1)

# --- scband reference (transcript-rebuilt; emitter-appended) ---
"""Pipeline reference for scband-stock-graph-sage-19310172963564 (READ-ONLY COPY).

The authoritative reference and input builder live on the scoring server;
editing this copy changes nothing except your own understanding.
"""

import jax, jax.numpy as jnp
import numpy as np

N = 10000
E = 160000
D = 256
H = 256
O = 1


def setup_inputs(seed: int = 0) -> dict:
    key = jax.random.key(seed)
    ks = jax.random.split(key, 9)
    x = jax.random.normal(ks[0], (N, D), dtype=jnp.float32)
    edge_index = jax.random.randint(ks[1], (2, E), 0, N, dtype=jnp.int32)
    # SAGEConv params: lin_l acts on aggregated neighbor features (with bias),
    # lin_r acts on root/self features (no bias), matching PyG defaults.
    W1_l = jax.random.normal(ks[2], (H, D), dtype=jnp.float32) * (1.0 / np.sqrt(D))
    W1_r = jax.random.normal(ks[3], (H, D), dtype=jnp.float32) * (1.0 / np.sqrt(D))
    b1 = jnp.zeros((H,), dtype=jnp.float32)
    W2_l = jax.random.normal(ks[4], (O, H), dtype=jnp.float32) * (1.0 / np.sqrt(H))
    W2_r = jax.random.normal(ks[5], (O, H), dtype=jnp.float32) * (1.0 / np.sqrt(H))
    b2 = jnp.zeros((O,), dtype=jnp.float32)
    return {"x": x, "edge_index": edge_index, "W1_l": W1_l, "W1_r": W1_r, "b1": b1,
            "W2_l": W2_l, "W2_r": W2_r, "b2": b2}


def _sage_conv(x, edge_index, W_l, W_r, b):
    src = edge_index[0]
    dst = edge_index[1]
    msgs = jnp.take(x, src, axis=0)                      # gather source node features
    aggr = jax.ops.segment_sum(msgs, dst, num_segments=N)  # scatter-add to dst
    deg = jax.ops.segment_sum(jnp.ones((E, 1), dtype=jnp.float32), dst, num_segments=N)
    aggr = aggr / jnp.maximum(deg, 1.0)                  # mean aggregation
    return aggr @ W_l.T + b + x @ W_r.T


def reference(x, edge_index, W1_l, W1_r, b1, W2_l, W2_r, b2):
    h = jax.nn.relu(_sage_conv(x, edge_index, W1_l, W1_r, b1))
    out = _sage_conv(h, edge_index, W2_l, W2_r, b2)
    return out

if __name__ == "__main__":
    import jax
    _d = setup_inputs()
    print(jax.jit(kernel)(*tuple(_d.values())))

</pallas_src>

<mosaic_0001>
#map = affine_map<(d0, d1) -> (0, 0)>
#map1 = affine_map<(d0, d1) -> (0, 0, 0)>
module attributes {stable_mosaic.version = 14 : i64} {
  func.func @_aggr_body(%arg0: i32, %arg1: i32, %arg2: memref<20000x128xbf16, #tpu.memory_space<hbm>>, %arg3: memref<16x40x256xi32, #tpu.memory_space<hbm>>, %arg4: memref<16x40x256xi32, #tpu.memory_space<hbm>>, %arg5: memref<640x128xbf16, #tpu.memory_space<hbm>>, %arg6: memref<5x128xi32, #tpu.memory_space<hbm>>, %arg7: memref<10240x128xbf16, #tpu.memory_space<hbm>>, %arg8: memref<10240x128xbf16, #tpu.memory_space<hbm>>, %arg9: memref<640x16xf32, #tpu.memory_space<hbm>>, %arg10: memref<10240x128xbf16, #tpu.memory_space<vmem_shared>>, %arg11: memref<640x16xf32, #tpu.memory_space<vmem_shared>>, %arg12: memref<40x256xi32, #tpu.memory_space<vmem>>, %arg13: memref<40x256xi32, #tpu.memory_space<vmem>>, %arg14: memref<256x128xbf16, #tpu.memory_space<vmem>>, %arg15: memref<256x128xbf16, #tpu.memory_space<vmem>>, %arg16: memref<10240xf32, #tpu.memory_space<vmem>>, %arg17: memref<128x16xf32, #tpu.memory_space<vmem>>, %arg18: memref<5x128xi32, #tpu.memory_space<vmem>>, %arg19: memref<!tpu.dma_semaphore, #tpu.memory_space<semaphore_mem>>, %arg20: memref<!tpu.dma_semaphore, #tpu.memory_space<semaphore_mem>>) attributes {dimension_semantics = [#tpu.dimension_semantics<core_parallel>, #tpu.dimension_semantics<subcore_parallel>], iteration_bounds = array<i64: 2, 16>, scalar_prefetch = 0 : i64, scratch_operands = 11 : i64, tpu.core_type = #tpu.core_type<sc_vector_subcore>, window_params = [{transform_indices = #map}, {transform_indices = #map1}, {transform_indices = #map1}, {transform_indices = #map}, {transform_indices = #map}, {transform_indices = #map}, {transform_indices = #map}, {transform_indices = #map}]} {
    "tpu.region"() ({
      %run_scoped3A = tpu.sem_alloc : memref<!tpu.dma_semaphore, #tpu.memory_space<semaphore_mem>>
      %dma_start3A = arith.constant 0 : i32
      %dma_start3A_46 = arith.constant 0 : i32
      %dma_start3A_47 = tpu.memref_slice %arg3[%arg1, %dma_start3A, %dma_start3A_46] : memref<16x40x256xi32, #tpu.memory_space<hbm>> -> memref<1x40x256xi32, #tpu.memory_space<hbm>>
      %dma_start3A_48 = tpu.memref_squeeze %dma_start3A_47 : memref<1x40x256xi32, #tpu.memory_space<hbm>> -> memref<40x256xi32, #tpu.memory_space<hbm>>
      %dma_start3A_49 = arith.constant 0 : i32
      %dma_start3A_50 = arith.constant 0 : i32
      %dma_start3A_51 = tpu.memref_slice %arg3[%arg1, %dma_start3A_49, %dma_start3A_50] : memref<16x40x256xi32, #tpu.memory_space<hbm>> -> memref<1x40x256xi32, #tpu.memory_space<hbm>>
      %dma_start3A_52 = tpu.memref_squeeze %dma_start3A_51 : memref<1x40x256xi32, #tpu.memory_space<hbm>> -> memref<40x256xi32, #tpu.memory_space<hbm>>
      tpu.enqueue_dma source(%dma_start3A_52 : memref<40x256xi32, #tpu.memory_space<hbm>>) target(%arg12 : memref<40x256xi32, #tpu.memory_space<vmem>>) target_semaphore(%run_scoped3A : memref<!tpu.dma_semaphore, #tpu.memory_space<semaphore_mem>>)
      %dma_wait3A = arith.constant 0 : i32
      %dma_wait3A_53 = arith.constant 0 : i32
      %dma_wait3A_54 = tpu.memref_slice %arg3[%arg1, %dma_wait3A, %dma_wait3A_53] : memref<16x40x256xi32, #tpu.memory_space<hbm>> -> memref<1x40x256xi32, #tpu.memory_space<hbm>>
      %dma_wait3A_55 = tpu.memref_squeeze %dma_wait3A_54 : memref<1x40x256xi32, #tpu.memory_space<hbm>> -> memref<40x256xi32, #tpu.memory_space<hbm>>
      %dma_wait3A_56 = arith.constant 0 : i32
      %dma_wait3A_57 = arith.constant 0 : i32
      %dma_wait3A_58 = tpu.memref_slice %arg3[%arg1, %dma_wait3A_56, %dma_wait3A_57] : memref<16x40x256xi32, #tpu.memory_space<hbm>> -> memref<1x40x256xi32, #tpu.memory_space<hbm>>
      %dma_wait3A_59 = tpu.memref_squeeze %dma_wait3A_58 : memref<1x40x256xi32, #tpu.memory_space<hbm>> -> memref<40x256xi32, #tpu.memory_space<hbm>>
      tpu.wait_dma2 semaphore(%run_scoped3A : memref<!tpu.dma_semaphore, #tpu.memory_space<semaphore_mem>>) src(%dma_wait3A_59 : memref<40x256xi32, #tpu.memory_space<hbm>>) dst(%arg12 : memref<40x256xi32, #tpu.memory_space<vmem>>)
      tpu.yield
    }) : () -> ()
    "tpu.region"() ({
      %run_scoped3A = tpu.sem_alloc : memref<!tpu.dma_semaphore, #tpu.memory_space<semaphore_mem>>
      %dma_start3A = arith.constant 0 : i32
      %dma_start3A_46 = arith.constant 0 : i32
      %dma_start3A_47 = tpu.memref_slice %arg4[%arg1, %dma_start3A, %dma_start3A_46] : memref<16x40x256xi32, #tpu.memory_space<hbm>> -> memref<1x40x256xi32, #tpu.memory_space<hbm>>
      %dma_start3A_48 = tpu.memref_squeeze %dma_start3A_47 : memref<1x40x256xi32, #tpu.memory_space<hbm>> -> memref<40x256xi32, #tpu.memory_space<hbm>>
      %dma_start3A_49 = arith.constant 0 : i32
      %dma_start3A_50 = arith.constant 0 : i32
      %dma_start3A_51 = tpu.memref_slice %arg4[%arg1, %dma_start3A_49, %dma_start3A_50] : memref<16x40x256xi32, #tpu.memory_space<hbm>> -> memref<1x40x256xi32, #tpu.memory_space<hbm>>
      %dma_start3A_52 = tpu.memref_squeeze %dma_start3A_51 : memref<1x40x256xi32, #tpu.memory_space<hbm>> -> memref<40x256xi32, #tpu.memory_space<hbm>>
      tpu.enqueue_dma source(%dma_start3A_52 : memref<40x256xi32, #tpu.memory_space<hbm>>) target(%arg13 : memref<40x256xi32, #tpu.memory_space<vmem>>) target_semaphore(%run_scoped3A : memref<!tpu.dma_semaphore, #tpu.memory_space<semaphore_mem>>)
      %dma_wait3A = arith.constant 0 : i32
      %dma_wait3A_53 = arith.constant 0 : i32
      %dma_wait3A_54 = tpu.memref_slice %arg4[%arg1, %dma_wait3A, %dma_wait3A_53] : memref<16x40x256xi32, #tpu.memory_space<hbm>> -> memref<1x40x256xi32, #tpu.memory_space<hbm>>
      %dma_wait3A_55 = tpu.memref_squeeze %dma_wait3A_54 : memref<1x40x256xi32, #tpu.memory_space<hbm>> -> memref<40x256xi32, #tpu.memory_space<hbm>>
      %dma_wait3A_56 = arith.constant 0 : i32
      %dma_wait3A_57 = arith.constant 0 : i32
      %dma_wait3A_58 = tpu.memref_slice %arg4[%arg1, %dma_wait3A_56, %dma_wait3A_57] : memref<16x40x256xi32, #tpu.memory_space<hbm>> -> memref<1x40x256xi32, #tpu.memory_space<hbm>>
      %dma_wait3A_59 = tpu.memref_squeeze %dma_wait3A_58 : memref<1x40x256xi32, #tpu.memory_space<hbm>> -> memref<40x256xi32, #tpu.memory_space<hbm>>
      tpu.wait_dma2 semaphore(%run_scoped3A : memref<!tpu.dma_semaphore, #tpu.memory_space<semaphore_mem>>) src(%dma_wait3A_59 : memref<40x256xi32, #tpu.memory_space<hbm>>) dst(%arg13 : memref<40x256xi32, #tpu.memory_space<vmem>>)
      tpu.yield
    }) : () -> ()
    "tpu.region"() ({
      %run_scoped3A = tpu.sem_alloc : memref<!tpu.dma_semaphore, #tpu.memory_space<semaphore_mem>>
      tpu.enqueue_dma source(%arg6 : memref<5x128xi32, #tpu.memory_space<hbm>>) target(%arg18 : memref<5x128xi32, #tpu.memory_space<vmem>>) target_semaphore(%run_scoped3A : memref<!tpu.dma_semaphore, #tpu.memory_space<semaphore_mem>>)
      tpu.wait_dma2 semaphore(%run_scoped3A : memref<!tpu.dma_semaphore, #tpu.memory_space<semaphore_mem>>) src(%arg6 : memref<5x128xi32, #tpu.memory_space<hbm>>) dst(%arg18 : memref<5x128xi32, #tpu.memory_space<vmem>>)
      tpu.yield
    }) : () -> ()
    %broadcast_in_dim3A = arith.constant 0.000000e+00 : f32
    %broadcast_in_dim3A_0 = vector.broadcast %broadcast_in_dim3A : f32 to vector<16xf32>
    %scan3A = arith.constant 0 : i32
    %scan3A_1 = arith.constant 0 : i32
    %scan3A_2 = arith.constant 640 : i32
    %scan3A_3 = arith.addi %scan3A_1, %scan3A_2 : i32
    %scan3A_4 = arith.constant 1 : i32
    %scan3A_5 = scf.for %scan3A_46 = %scan3A_1 to %scan3A_3 step %scan3A_4 iter_args(%scan3A_47 = %scan3A) -> (i32)  : i32 {
      %mul3A_48 = arith.constant 16 : i32
      %mul3A_49 = arith.muli %scan3A_46, %mul3A_48 : i32
      %swap3A = arith.index_cast %mul3A_49 : i32 to index
      %swap3A_50 = tpu.vector_load %arg16[%swap3A] {strides = array<i32>} : memref<10240xf32, #tpu.memory_space<vmem>>, vector<16xf32>,
      tpu.vector_store %arg16[%swap3A], %broadcast_in_dim3A_0 {strides = array<i32>} : memref<10240xf32, #tpu.memory_space<vmem>>, vector<16xf32>,
      %scan3A_51 = arith.constant 0 : i32
      scf.yield %scan3A_51 : i32
    }
    %scan3A_6 = arith.constant 640 : i32
    %scan3A_7 = arith.constant 0 : i32
    %scan3A_8 = arith.constant 0 : i32
    %scan3A_9 = arith.constant 128 : i32
    %scan3A_10 = arith.addi %scan3A_8, %scan3A_9 : i32
    %scan3A_11 = arith.constant 1 : i32
    %scan3A_12 = scf.for %scan3A_46 = %scan3A_8 to %scan3A_10 step %scan3A_11 iter_args(%scan3A_47 = %scan3A_7) -> (i32)  : i32 {
      %swap3A = arith.index_cast %scan3A_46 : i32 to index
      %swap3A_48 = arith.constant 0 : index
      %swap3A_49 = tpu.vector_load %arg17[%swap3A, %swap3A_48] {strides = array<i32>} : memref<128x16xf32, #tpu.memory_space<vmem>>, vector<16xf32>,
      tpu.vector_store %arg17[%swap3A, %swap3A_48], %broadcast_in_dim3A_0 {strides = array<i32>} : memref<128x16xf32, #tpu.memory_space<vmem>>, vector<16xf32>,
      %scan3A_50 = arith.constant 0 : i32
      scf.yield %scan3A_50 : i32
    }
    %scan3A_13 = arith.constant 128 : i32
    %eq3A = arith.constant 0 : i32
    %eq3A_14 = arith.cmpi eq, %arg0, %eq3A : i32
    %eq3A_15 = arith.constant 0 : i32
    %eq3A_16 = arith.cmpi eq, %arg1, %eq3A_15 : i32
    %and3A = arith.andi %eq3A_14, %eq3A_16 : i1
    %convert_element_type3A = arith.extui %and3A : i1 to i32
    %cond3A = arith.constant 0 : i32
    %cond3A_17 = arith.cmpi ne, %convert_element_type3A, %cond3A : i32
    scf.if %cond3A_17 {
      "tpu.region"() ({
        %run_scoped3A = tpu.sem_alloc : memref<!tpu.dma_semaphore, #tpu.memory_space<semaphore_mem>>
        %dma_start3A = arith.constant 0 : i32
        %dma_start3A_46 = arith.constant 0 : i32
        %dma_start3A_47 = tpu.memref_slice %arg11[%dma_start3A, %dma_start3A_46] : memref<640x16xf32, #tpu.memory_space<vmem_shared>> -> memref<128x16xf32, #tpu.memory_space<vmem_shared>>
        %dma_start3A_48 = arith.constant 0 : i32
        %dma_start3A_49 = arith.constant 0 : i32
        %dma_start3A_50 = tpu.memref_slice %arg11[%dma_start3A_48, %dma_start3A_49] : memref<640x16xf32, #tpu.memory_space<vmem_shared>> -> memref<128x16xf32, #tpu.memory_space<vmem_shared>>
        tpu.enqueue_dma source(%arg17 : memref<128x16xf32, #tpu.memory_space<vmem>>) target(%dma_start3A_50 : memref<128x16xf32, #tpu.memory_space<vmem_shared>>) target_semaphore(%run_scoped3A : memref<!tpu.dma_semaphore, #tpu.memory_space<semaphore_mem>>)
        %dma_wait3A = arith.constant 0 : i32
        %dma_wait3A_51 = arith.constant 0 : i32
        %dma_wait3A_52 = tpu.memref_slice %arg11[%dma_wait3A, %dma_wait3A_51] : memref<640x16xf32, #tpu.memory_space<vmem_shared>> -> memref<128x16xf32, #tpu.memory_space<vmem_shared>>
        %dma_wait3A_53 = arith.constant 0 : i32
        %dma_wait3A_54 = arith.constant 0 : i32
        %dma_wait3A_55 = tpu.memref_slice %arg11[%dma_wait3A_53, %dma_wait3A_54] : memref<640x16xf32, #tpu.memory_space<vmem_shared>> -> memref<128x16xf32, #tpu.memory_space<vmem_shared>>
        tpu.wait_dma2 semaphore(%run_scoped3A : memref<!tpu.dma_semaphore, #tpu.memory_space<semaphore_mem>>) src(%arg17 : memref<128x16xf32, #tpu.memory_space<vmem>>) dst(%dma_wait3A_55 : memref<128x16xf32, #tpu.memory_space<vmem_shared>>)
        tpu.yield
      }) : () -> ()
      "tpu.region"() ({
        %run_scoped3A = tpu.sem_alloc : memref<!tpu.dma_semaphore, #tpu.memory_space<semaphore_mem>>
        %dma_start3A = arith.constant 128 : i32
        %dma_start3A_46 = arith.constant 0 : i32
        %dma_start3A_47 = tpu.memref_slice %arg11[%dma_start3A, %dma_start3A_46] : memref<640x16xf32, #tpu.memory_space<vmem_shared>> -> memref<128x16xf32, #tpu.memory_space<vmem_shared>>
        %dma_start3A_48 = arith.constant 128 : i32
        %dma_start3A_49 = arith.constant 0 : i32
        %dma_start3A_50 = tpu.memref_slice %arg11[%dma_start3A_48, %dma_start3A_49] : memref<640x16xf32, #tpu.memory_space<vmem_shared>> -> memref<128x16xf32, #tpu.memory_space<vmem_shared>>
        tpu.enqueue_dma source(%arg17 : memref<128x16xf32, #tpu.memory_space<vmem>>) target(%dma_start3A_50 : memref<128x16xf32, #tpu.memory_space<vmem_shared>>) target_semaphore(%run_scoped3A : memref<!tpu.dma_semaphore, #tpu.memory_space<semaphore_mem>>)
        %dma_wait3A = arith.constant 128 : i32
        %dma_wait3A_51 = arith.constant 0 : i32
        %dma_wait3A_52 = tpu.memref_slice %arg11[%dma_wait3A, %dma_wait3A_51] : memref<640x16xf32, #tpu.memory_space<vmem_shared>> -> memref<128x16xf32, #tpu.memory_space<vmem_shared>>
        %dma_wait3A_53 = arith.constant 128 : i32
        %dma_wait3A_54 = arith.constant 0 : i32
        %dma_wait3A_55 = tpu.memref_slice %arg11[%dma_wait3A_53, %dma_wait3A_54] : memref<640x16xf32, #tpu.memory_space<vmem_shared>> -> memref<128x16xf32, #tpu.memory_space<vmem_shared>>
        tpu.wait_dma2 semaphore(%run_scoped3A : memref<!tpu.dma_semaphore, #tpu.memory_space<semaphore_mem>>) src(%arg17 : memref<128x16xf32, #tpu.memory_space<vmem>>) dst(%dma_wait3A_55 : memref<128x16xf32, #tpu.memory_space<vmem_shared>>)
        tpu.yield
      }) : () -> ()
      "tpu.region"() ({
        %run_scoped3A = tpu.sem_alloc : memref<!tpu.dma_semaphore, #tpu.memory_space<semaphore_mem>>
        %dma_start3A = arith.constant 256 : i32
        %dma_start3A_46 = arith.constant 0 : i32
        %dma_start3A_47 = tpu.memref_slice %arg11[%dma_start3A, %dma_start3A_46] : memref<640x16xf32, #tpu.memory_space<vmem_shared>> -> memref<128x16xf32, #tpu.memory_space<vmem_shared>>
        %dma_start3A_48 = arith.constant 256 : i32
        %dma_start3A_49 = arith.constant 0 : i32
        %dma_start3A_50 = tpu.memref_slice %arg11[%dma_start3A_48, %dma_start3A_49] : memref<640x16xf32, #tpu.memory_space<vmem_shared>> -> memref<128x16xf32, #tpu.memory_space<vmem_shared>>
        tpu.enqueue_dma source(%arg17 : memref<128x16xf32, #tpu.memory_space<vmem>>) target(%dma_start3A_50 : memref<128x16xf32, #tpu.memory_space<vmem_shared>>) target_semaphore(%run_scoped3A : memref<!tpu.dma_semaphore, #tpu.memory_space<semaphore_mem>>)
        %dma_wait3A = arith.constant 256 : i32
        %dma_wait3A_51 = arith.constant 0 : i32
        %dma_wait3A_52 = tpu.memref_slice %arg11[%dma_wait3A, %dma_wait3A_51] : memref<640x16xf32, #tpu.memory_space<vmem_shared>> -> memref<128x16xf32, #tpu.memory_space<vmem_shared>>
        %dma_wait3A_53 = arith.constant 256 : i32
        %dma_wait3A_54 = arith.constant 0 : i32
        %dma_wait3A_55 = tpu.memref_slice %arg11[%dma_wait3A_53, %dma_wait3A_54] : memref<640x16xf32, #tpu.memory_space<vmem_shared>> -> memref<128x16xf32, #tpu.memory_space<vmem_shared>>
        tpu.wait_dma2 semaphore(%run_scoped3A : memref<!tpu.dma_semaphore, #tpu.memory_space<semaphore_mem>>) src(%arg17 : memref<128x16xf32, #tpu.memory_space<vmem>>) dst(%dma_wait3A_55 : memref<128x16xf32, #tpu.memory_space<vmem_shared>>)
        tpu.yield
      }) : () -> ()
      "tpu.region"() ({
        %run_scoped3A = tpu.sem_alloc : memref<!tpu.dma_semaphore, #tpu.memory_space<semaphore_mem>>
        %dma_start3A = arith.constant 384 : i32
        %dma_start3A_46 = arith.constant 0 : i32
        %dma_start3A_47 = tpu.memref_slice %arg11[%dma_start3A, %dma_start3A_46] : memref<640x16xf32, #tpu.memory_space<vmem_shared>> -> memref<128x16xf32, #tpu.memory_space<vmem_shared>>
        %dma_start3A_48 = arith.constant 384 : i32
        %dma_start3A_49 = arith.constant 0 : i32
        %dma_start3A_50 = tpu.memref_slice %arg11[%dma_start3A_48, %dma_start3A_49] : memref<640x16xf32, #tpu.memory_space<vmem_shared>> -> memref<128x16xf32, #tpu.memory_space<vmem_shared>>
        tpu.enqueue_dma source(%arg17 : memref<128x16xf32, #tpu.memory_space<vmem>>) target(%dma_start3A_50 : memref<128x16xf32, #tpu.memory_space<vmem_shared>>) target_semaphore(%run_scoped3A : memref<!tpu.dma_semaphore, #tpu.memory_space<semaphore_mem>>)
        %dma_wait3A = arith.constant 384 : i32
        %dma_wait3A_51 = arith.constant 0 : i32
        %dma_wait3A_52 = tpu.memref_slice %arg11[%dma_wait3A, %dma_wait3A_51] : memref<640x16xf32, #tpu.memory_space<vmem_shared>> -> memref<128x16xf32, #tpu.memory_space<vmem_shared>>
        %dma_wait3A_53 = arith.constant 384 : i32
        %dma_wait3A_54 = arith.constant 0 : i32
        %dma_wait3A_55 = tpu.memref_slice %arg11[%dma_wait3A_53, %dma_wait3A_54] : memref<640x16xf32, #tpu.memory_space<vmem_shared>> -> memref<128x16xf32, #tpu.memory_space<vmem_shared>>
        tpu.wait_dma2 semaphore(%run_scoped3A : memref<!tpu.dma_semaphore, #tpu.memory_space<semaphore_mem>>) src(%arg17 : memref<128x16xf32, #tpu.memory_space<vmem>>) dst(%dma_wait3A_55 : memref<128x16xf32, #tpu.memory_space<vmem_shared>>)
        tpu.yield
      }) : () -> ()
      "tpu.region"() ({
        %run_scoped3A = tpu.sem_alloc : memref<!tpu.dma_semaphore, #tpu.memory_space<semaphore_mem>>
        %dma_start3A = arith.constant 512 : i32
        %dma_start3A_46 = arith.constant 0 : i32
        %dma_start3A_47 = tpu.memref_slice %arg11[%dma_start3A, %dma_start3A_46] : memref<640x16xf32, #tpu.memory_space<vmem_shared>> -> memref<128x16xf32, #tpu.memory_space<vmem_shared>>
        %dma_start3A_48 = arith.constant 512 : i32
        %dma_start3A_49 = arith.constant 0 : i32
        %dma_start3A_50 = tpu.memref_slice %arg11[%dma_start3A_48, %dma_start3A_49] : memref<640x16xf32, #tpu.memory_space<vmem_shared>> -> memref<128x16xf32, #tpu.memory_space<vmem_shared>>
        tpu.enqueue_dma source(%arg17 : memref<128x16xf32, #tpu.memory_space<vmem>>) target(%dma_start3A_50 : memref<128x16xf32, #tpu.memory_space<vmem_shared>>) target_semaphore(%run_scoped3A : memref<!tpu.dma_semaphore, #tpu.memory_space<semaphore_mem>>)
        %dma_wait3A = arith.constant 512 : i32
        %dma_wait3A_51 = arith.constant 0 : i32
        %dma_wait3A_52 = tpu.memref_slice %arg11[%dma_wait3A, %dma_wait3A_51] : memref<640x16xf32, #tpu.memory_space<vmem_shared>> -> memref<128x16xf32, #tpu.memory_space<vmem_shared>>
        %dma_wait3A_53 = arith.constant 512 : i32
        %dma_wait3A_54 = arith.constant 0 : i32
        %dma_wait3A_55 = tpu.memref_slice %arg11[%dma_wait3A_53, %dma_wait3A_54] : memref<640x16xf32, #tpu.memory_space<vmem_shared>> -> memref<128x16xf32, #tpu.memory_space<vmem_shared>>
        tpu.wait_dma2 semaphore(%run_scoped3A : memref<!tpu.dma_semaphore, #tpu.memory_space<semaphore_mem>>) src(%arg17 : memref<128x16xf32, #tpu.memory_space<vmem>>) dst(%dma_wait3A_55 : memref<128x16xf32, #tpu.memory_space<vmem_shared>>)
        tpu.yield
      }) : () -> ()
    } else {
    }
    %mul3A = arith.constant 640 : i32
    %mul3A_18 = arith.muli %arg1, %mul3A : i32
    %broadcast_in_dim3A_19 = arith.constant 1.000000e+00 : f32
    %broadcast_in_dim3A_20 = vector.broadcast %broadcast_in_dim3A_19 : f32 to vector<16xf32>
    %broadcast_in_dim3A_21 = arith.constant 0 : i32
    %broadcast_in_dim3A_22 = vector.broadcast %broadcast_in_dim3A_21 : i32 to vector<16xi32>
    %add3A = vector.broadcast %arg0 : i32 to vector<16xi32>
    %add3A_23 = arith.addi %broadcast_in_dim3A_22, %add3A : vector<16xi32>
    %scan3A_24 = arith.constant 0 : i32
    %scan3A_25 = arith.constant 0 : i32
    %scan3A_26 = arith.constant 40 : i32
    %scan3A_27 = arith.addi %scan3A_25, %scan3A_26 : i32
    %scan3A_28 = arith.constant 1 : i32
    %scan3A_29 = scf.for %scan3A_46 = %scan3A_25 to %scan3A_27 step %scan3A_28 iter_args(%scan3A_47 = %scan3A_24) -> (i32)  : i32 {
      %get3A = arith.index_cast %scan3A_46 : i32 to index
      %get3A_48 = arith.constant 0 : index
      %get3A_49 = tpu.vector_load %arg12[%get3A, %get3A_48] {strides = array<i32>} : memref<40x256xi32, #tpu.memory_space<vmem>>, vector<16xi32>,
      %add3A_50 = arith.addi %get3A_49, %add3A_23 : vector<16xi32>
      %swap3A = arith.index_cast %scan3A_46 : i32 to index
      %swap3A_51 = arith.constant 0 : index
      %swap3A_52 = tpu.vector_load %arg12[%swap3A, %swap3A_51] {strides = array<i32>} : memref<40x256xi32, #tpu.memory_space<vmem>>, vector<16xi32>,
      tpu.vector_store %arg12[%swap3A, %swap3A_51], %add3A_50 {strides = array<i32>} : memref<40x256xi32, #tpu.memory_space<vmem>>, vector<16xi32>,
      %get3A_53 = arith.index_cast %scan3A_46 : i32 to index
      %get3A_54 = arith.constant 16 : index
      %get3A_55 = tpu.vector_load %arg12[%get3A_53, %get3A_54] {strides = array<i32>} : memref<40x256xi32, #tpu.memory_space<vmem>>, vector<16xi32>,
      %add3A_56 = arith.addi %get3A_55, %add3A_23 : vector<16xi32>
      %swap3A_57 = arith.index_cast %scan3A_46 : i32 to index
      %swap3A_58 = arith.constant 16 : index
      %swap3A_59 = tpu.vector_load %arg12[%swap3A_57, %swap3A_58] {strides = array<i32>} : memref<40x256xi32, #tpu.memory_space<vmem>>, vector<16xi32>,
      tpu.vector_store %arg12[%swap3A_57, %swap3A_58], %add3A_56 {strides = array<i32>} : memref<40x256xi32, #tpu.memory_space<vmem>>, vector<16xi32>,
      %get3A_60 = arith.index_cast %scan3A_46 : i32 to index
      %get3A_61 = arith.constant 32 : index
      %get3A_62 = tpu.vector_load %arg12[%get3A_60, %get3A_61] {strides = array<i32>} : memref<40x256xi32, #tpu.memory_space<vmem>>, vector<16xi32>,
      %add3A_63 = arith.addi %get3A_62, %add3A_23 : vector<16xi32>
      %swap3A_64 = arith.index_cast %scan3A_46 : i32 to index
      %swap3A_65 = arith.constant 32 : index
      %swap3A_66 = tpu.vector_load %arg12[%swap3A_64, %swap3A_65] {strides = array<i32>} : memref<40x256xi32, #tpu.memory_space<vmem>>, vector<16xi32>,
      tpu.vector_store %arg12[%swap3A_64, %swap3A_65], %add3A_63 {strides = array<i32>} : memref<40x256xi32, #tpu.memory_space<vmem>>, vector<16xi32>,
      %get3A_67 = arith.index_cast %scan3A_46 : i32 to index
      %get3A_68 = arith.constant 48 : index
      %get3A_69 = tpu.vector_load %arg12[%get3A_67, %get3A_68] {strides = array<i32>} : memref<40x256xi32, #tpu.memory_space<vmem>>, vector<16xi32>,
      %add3A_70 = arith.addi %get3A_69, %add3A_23 : vector<16xi32>
      %swap3A_71 = arith.index_cast %scan3A_46 : i32 to index
      %swap3A_72 = arith.constant 48 : index
      %swap3A_73 = tpu.vector_load %arg12[%swap3A_71, %swap3A_72] {strides = array<i32>} : memref<40x256xi32, #tpu.memory_space<vmem>>, vector<16xi32>,
      tpu.vector_store %arg12[%swap3A_71, %swap3A_72], %add3A_70 {strides = array<i32>} : memref<40x256xi32, #tpu.memory_space<vmem>>, vector<16xi32>,
      %get3A_74 = arith.index_cast %scan3A_46 : i32 to index
      %get3A_75 = arith.constant 64 : index
      %get3A_76 = tpu.vector_load %arg12[%get3A_74, %get3A_75] {strides = array<i32>} : memref<40x256xi32, #tpu.memory_space<vmem>>, vector<16xi32>,
      %add3A_77 = arith.addi %get3A_76, %add3A_23 : vector<16xi32>
      %swap3A_78 = arith.index_cast %scan3A_46 : i32 to index
      %swap3A_79 = arith.constant 64 : index
      %swap3A_80 = tpu.vector_load %arg12[%swap3A_78, %swap3A_79] {strides = array<i32>} : memref<40x256xi32, #tpu.memory_space<vmem>>, vector<16xi32>,
      tpu.vector_store %arg12[%swap3A_78, %swap3A_79], %add3A_77 {strides = array<i32>} : memref<40x256xi32, #tpu.memory_space<vmem>>, vector<16xi32>,
      %get3A_81 = arith.index_cast %scan3A_46 : i32 to index
      %get3A_82 = arith.constant 80 : index
      %get3A_83 = tpu.vector_load %arg12[%get3A_81, %get3A_82] {strides = array<i32>} : memref<40x256xi32, #tpu.memory_space<vmem>>, vector<16xi32>,
      %add3A_84 = arith.addi %get3A_83, %add3A_23 : vector<16xi32>
      %swap3A_85 = arith.index_cast %scan3A_46 : i32 to index
      %swap3A_86 = arith.constant 80 : index
      %swap3A_87 = tpu.vector_load %arg12[%swap3A_85, %swap3A_86] {strides = array<i32>} : memref<40x256xi32, #tpu.memory_space<vmem>>, vector<16xi32>,
      tpu.vector_store %arg12[%swap3A_85, %swap3A_86], %add3A_84 {strides = array<i32>} : memref<40x256xi32, #tpu.memory_space<vmem>>, vector<16xi32>,
      %get3A_88 = arith.index_cast %scan3A_46 : i32 to index
      %get3A_89 = arith.constant 96 : index
      %get3A_90 = tpu.vector_load %arg12[%get3A_88, %get3A_89] {strides = array<i32>} : memref<40x256xi32, #tpu.memory_space<vmem>>, vector<16xi32>,
      %add3A_91 = arith.addi %get3A_90, %add3A_23 : vector<16xi32>
      %swap3A_92 = arith.index_cast %scan3A_46 : i32 to index
      %swap3A_93 = arith.constant 96 : index
      %swap3A_94 = tpu.vector_load %arg12[%swap3A_92, %swap3A_93] {strides = array<i32>} : memref<40x256xi32, #tpu.memory_space<vmem>>, vector<16xi32>,
      tpu.vector_store %arg12[%swap3A_92, %swap3A_93], %add3A_91 {strides = array<i32>} : memref<40x256xi32, #tpu.memory_space<vmem>>, vector<16xi32>,
      %get3A_95 = arith.index_cast %scan3A_46 : i32 to index
      %get3A_96 = arith.constant 112 : index
      %get3A_97 = tpu.vector_load %arg12[%get3A_95, %get3A_96] {strides = array<i32>} : memref<40x256xi32, #tpu.memory_space<vmem>>, vector<16xi32>,
      %add3A_98 = arith.addi %get3A_97, %add3A_23 : vector<16xi32>
      %swap3A_99 = arith.index_cast %scan3A_46 : i32 to index
      %swap3A_100 = arith.constant 112 : index
      %swap3A_101 = tpu.vector_load %arg12[%swap3A_99, %swap3A_100] {strides = array<i32>} : memref<40x256xi32, #tpu.memory_space<vmem>>, vector<16xi32>,
      tpu.vector_store %arg12[%swap3A_99, %swap3A_100], %add3A_98 {strides = array<i32>} : memref<40x256xi32, #tpu.memory_space<vmem>>, vector<16xi32>,
      %get3A_102 = arith.index_cast %scan3A_46 : i32 to index
      %get3A_103 = arith.constant 128 : index
      %get3A_104 = tpu.vector_load %arg12[%get3A_102, %get3A_103] {strides = array<i32>} : memref<40x256xi32, #tpu.memory_space<vmem>>, vector<16xi32>,
      %add3A_105 = arith.addi %get3A_104, %add3A_23 : vector<16xi32>
      %swap3A_106 = arith.index_cast %scan3A_46 : i32 to index
      %swap3A_107 = arith.constant 128 : index
      %swap3A_108 = tpu.vector_load %arg12[%swap3A_106, %swap3A_107] {strides = array<i32>} : memref<40x256xi32, #tpu.memory_space<vmem>>, vector<16xi32>,
      tpu.vector_store %arg12[%swap3A_106, %swap3A_107], %add3A_105 {strides = array<i32>} : memref<40x256xi32, #tpu.memory_space<vmem>>, vector<16xi32>,
      %get3A_109 = arith.index_cast %scan3A_46 : i32 to index
      %get3A_110 = arith.constant 144 : index
      %get3A_111 = tpu.vector_load %arg12[%get3A_109, %get3A_110] {strides = array<i32>} : memref<40x256xi32, #tpu.memory_space<vmem>>, vector<16xi32>,
      %add3A_112 = arith.addi %get3A_111, %add3A_23 : vector<16xi32>
      %swap3A_113 = arith.index_cast %scan3A_46 : i32 to index
      %swap3A_114 = arith.constant 144 : index
      %swap3A_115 = tpu.vector_load %arg12[%swap3A_113, %swap3A_114] {strides = array<i32>} : memref<40x256xi32, #tpu.memory_space<vmem>>, vector<16xi32>,
      tpu.vector_store %arg12[%swap3A_113, %swap3A_114], %add3A_112 {strides = array<i32>} : memref<40x256xi32, #tpu.memory_space<vmem>>, vector<16xi32>,
      %get3A_116 = arith.index_cast %scan3A_46 : i32 to index
      %get3A_117 = arith.constant 160 : index
      %get3A_118 = tpu.vector_load %arg12[%get3A_116, %get3A_117] {strides = array<i32>} : memref<40x256xi32, #tpu.memory_space<vmem>>, vector<16xi32>,
      %add3A_119 = arith.addi %get3A_118, %add3A_23 : vector<16xi32>
      %swap3A_120 = arith.index_cast %scan3A_46 : i32 to index
      %swap3A_121 = arith.constant 160 : index
      %swap3A_122 = tpu.vector_load %arg12[%swap3A_120, %swap3A_121] {strides = array<i32>} : memref<40x256xi32, #tpu.memory_space<vmem>>, vector<16xi32>,
      tpu.vector_store %arg12[%swap3A_120, %swap3A_121], %add3A_119 {strides = array<i32>} : memref<40x256xi32, #tpu.memory_space<vmem>>, vector<16xi32>,
      %get3A_123 = arith.index_cast %scan3A_46 : i32 to index
      %get3A_124 = arith.constant 176 : index
      %get3A_125 = tpu.vector_load %arg12[%get3A_123, %get3A_124] {strides = array<i32>} : memref<40x256xi32, #tpu.memory_space<vmem>>, vector<16xi32>,
      %add3A_126 = arith.addi %get3A_125, %add3A_23 : vector<16xi32>
      %swap3A_127 = arith.index_cast %scan3A_46 : i32 to index
      %swap3A_128 = arith.constant 176 : index
      %swap3A_129 = tpu.vector_load %arg12[%swap3A_127, %swap3A_128] {strides = array<i32>} : memref<40x256xi32, #tpu.memory_space<vmem>>, vector<16xi32>,
      tpu.vector_store %arg12[%swap3A_127, %swap3A_128], %add3A_126 {strides = array<i32>} : memref<40x256xi32, #tpu.memory_space<vmem>>, vector<16xi32>,
      %get3A_130 = arith.index_cast %scan3A_46 : i32 to index
      %get3A_131 = arith.constant 192 : index
      %get3A_132 = tpu.vector_load %arg12[%get3A_130, %get3A_131] {strides = array<i32>} : memref<40x256xi32, #tpu.memory_space<vmem>>, vector<16xi32>,
      %add3A_133 = arith.addi %get3A_132, %add3A_23 : vector<16xi32>
      %swap3A_134 = arith.index_cast %scan3A_46 : i32 to index
      %swap3A_135 = arith.constant 192 : index
      %swap3A_136 = tpu.vector_load %arg12[%swap3A_134, %swap3A_135] {strides = array<i32>} : memref<40x256xi32, #tpu.memory_space<vmem>>, vector<16xi32>,
      tpu.vector_store %arg12[%swap3A_134, %swap3A_135], %add3A_133 {strides = array<i32>} : memref<40x256xi32, #tpu.memory_space<vmem>>, vector<16xi32>,
      %get3A_137 = arith.index_cast %scan3A_46 : i32 to index
      %get3A_138 = arith.constant 208 : index
      %get3A_139 = tpu.vector_load %arg12[%get3A_137, %get3A_138] {strides = array<i32>} : memref<40x256xi32, #tpu.memory_space<vmem>>, vector<16xi32>,
      %add3A_140 = arith.addi %get3A_139, %add3A_23 : vector<16xi32>
      %swap3A_141 = arith.index_cast %scan3A_46 : i32 to index
      %swap3A_142 = arith.constant 208 : index
      %swap3A_143 = tpu.vector_load %arg12[%swap3A_141, %swap3A_142] {strides = array<i32>} : memref<40x256xi32, #tpu.memory_space<vmem>>, vector<16xi32>,
      tpu.vector_store %arg12[%swap3A_141, %swap3A_142], %add3A_140 {strides = array<i32>} : memref<40x256xi32, #tpu.memory_space<vmem>>, vector<16xi32>,
      %get3A_144 = arith.index_cast %scan3A_46 : i32 to index
      %get3A_145 = arith.constant 224 : index
      %get3A_146 = tpu.vector_load %arg12[%get3A_144, %get3A_145] {strides = array<i32>} : memref<40x256xi32, #tpu.memory_space<vmem>>, vector<16xi32>,
      %add3A_147 = arith.addi %get3A_146, %add3A_23 : vector<16xi32>
      %swap3A_148 = arith.index_cast %scan3A_46 : i32 to index
      %swap3A_149 = arith.constant 224 : index
      %swap3A_150 = tpu.vector_load %arg12[%swap3A_148, %swap3A_149] {strides = array<i32>} : memref<40x256xi32, #tpu.memory_space<vmem>>, vector<16xi32>,
      tpu.vector_store %arg12[%swap3A_148, %swap3A_149], %add3A_147 {strides = array<i32>} : memref<40x256xi32, #tpu.memory_space<vmem>>, vector<16xi32>,
      %get3A_151 = arith.index_cast %scan3A_46 : i32 to index
      %get3A_152 = arith.constant 240 : index
      %get3A_153 = tpu.vector_load %arg12[%get3A_151, %get3A_152] {strides = array<i32>} : memref<40x256xi32, #tpu.memory_space<vmem>>, vector<16xi32>,
      %add3A_154 = arith.addi %get3A_153, %add3A_23 : vector<16xi32>
      %swap3A_155 = arith.index_cast %scan3A_46 : i32 to index
      %swap3A_156 = arith.constant 240 : index
      %swap3A_157 = tpu.vector_load %arg12[%swap3A_155, %swap3A_156] {strides = array<i32>} : memref<40x256xi32, #tpu.memory_space<vmem>>, vector<16xi32>,
      tpu.vector_store %arg12[%swap3A_155, %swap3A_156], %add3A_154 {strides = array<i32>} : memref<40x256xi32, #tpu.memory_space<vmem>>, vector<16xi32>,
      %scan3A_158 = arith.constant 0 : i32
      scf.yield %scan3A_158 : i32
    }
    %scan3A_30 = arith.constant 40 : i32
    %eq3A_31 = arith.constant 0 : i32
    %eq3A_32 = arith.cmpi eq, %arg0, %eq3A_31 : i32
    %convert_element_type3A_33 = arith.extui %eq3A_32 : i1 to i32
    %cond3A_34 = arith.constant 0 : i32
    %cond3A_35 = arith.cmpi ne, %convert_element_type3A_33, %cond3A_34 : i32
    scf.if %cond3A_35 {
      "tpu.region"() ({
        %run_scoped3A = tpu.sem_alloc : memref<!tpu.dma_semaphore, #tpu.memory_space<semaphore_mem>>
        %dma_start3A_60 = arith.constant 0 : i32
        %dma_start3A_61 = tpu.memref_slice %arg10[%mul3A_18, %dma_start3A_60] : memref<10240x128xbf16, #tpu.memory_space<vmem_shared>> -> memref<640x128xbf16, #tpu.memory_space<vmem_shared>>
        tpu.enqueue_dma source(%arg5 : memref<640x128xbf16, #tpu.memory_space<hbm>>) target(%dma_start3A_61 : memref<640x128xbf16, #tpu.memory_space<vmem_shared>>) target_semaphore(%run_scoped3A : memref<!tpu.dma_semaphore, #tpu.memory_space<semaphore_mem>>)
        %dma_wait3A = arith.constant 0 : i32
        %dma_wait3A_62 = tpu.memref_slice %arg10[%mul3A_18, %dma_wait3A] : memref<10240x128xbf16, #tpu.memory_space<vmem_shared>> -> memref<640x128xbf16, #tpu.memory_space<vmem_shared>>
        tpu.wait_dma2 semaphore(%run_scoped3A : memref<!tpu.dma_semaphore, #tpu.memory_space<semaphore_mem>>) src(%arg5 : memref<640x128xbf16, #tpu.memory_space<hbm>>) dst(%dma_wait3A_62 : memref<640x128xbf16, #tpu.memory_space<vmem_shared>>)
        tpu.yield
      }) : () -> ()
      %barrier3A = arith.constant 0 : index
      tpu.barrier barrier_id(%barrier3A)
      %dma_start3A = arith.constant 0 : i32
      %dma_start3A_46 = arith.constant 0 : i32
      %dma_start3A_47 = tpu.memref_slice %arg12[%dma_start3A, %dma_start3A_46] : memref<40x256xi32, #tpu.memory_space<vmem>> -> memref<1x256xi32, #tpu.memory_space<vmem>>
      %dma_start3A_48 = tpu.memref_squeeze %dma_start3A_47 : memref<1x256xi32, #tpu.memory_space<vmem>> -> memref<256xi32, #tpu.memory_space<vmem>>
      %dma_start3A_49 = arith.constant 0 : i32
      %dma_start3A_50 = arith.constant 0 : i32
      %dma_start3A_51 = tpu.memref_slice %arg2[%dma_start3A_49, %dma_start3A_50] : memref<20000x128xbf16, #tpu.memory_space<hbm>> -> memref<20000x128xbf16, #tpu.memory_space<hbm>>
      tpu.enqueue_indirect_dma source(%dma_start3A_51 : memref<20000x128xbf16, #tpu.memory_space<hbm>>) target(%arg14 : memref<256x128xbf16, #tpu.memory_space<vmem>>) offsets(%dma_start3A_48 : memref<256xi32, #tpu.memory_space<vmem>>) semaphore(%arg19 : memref<!tpu.dma_semaphore, #tpu.memory_space<semaphore_mem>>)
      %scan3A_52 = arith.constant 0 : i32
      %scan3A_53 = arith.constant 0 : i32
      %scan3A_54 = arith.constant 20 : i32
      %scan3A_55 = arith.addi %scan3A_53, %scan3A_54 : i32
      %scan3A_56 = arith.constant 1 : i32
      %scan3A_57 = scf.for %scan3A_60 = %scan3A_53 to %scan3A_55 step %scan3A_56 iter_args(%scan3A_61 = %scan3A_52) -> (i32)  : i32 {
        %mul3A_62 = arith.constant 2 : i32
        %mul3A_63 = arith.muli %mul3A_62, %scan3A_60 : i32
        %add3A_64 = arith.constant 1 : i32
        %add3A_65 = arith.addi %mul3A_63, %add3A_64 : i32
        %dma_start3A_66 = arith.constant 0 : i32
        %dma_start3A_67 = tpu.memref_slice %arg12[%add3A_65, %dma_start3A_66] : memref<40x256xi32, #tpu.memory_space<vmem>> -> memref<1x256xi32, #tpu.memory_space<vmem>>
        %dma_start3A_68 = tpu.memref_squeeze %dma_start3A_67 : memref<1x256xi32, #tpu.memory_space<vmem>> -> memref<256xi32, #tpu.memory_space<vmem>>
        %dma_start3A_69 = arith.constant 0 : i32
        %dma_start3A_70 = arith.constant 0 : i32
        %dma_start3A_71 = tpu.memref_slice %arg2[%dma_start3A_69, %dma_start3A_70] : memref<20000x128xbf16, #tpu.memory_space<hbm>> -> memref<20000x128xbf16, #tpu.memory_space<hbm>>
        tpu.enqueue_indirect_dma source(%dma_start3A_71 : memref<20000x128xbf16, #tpu.memory_space<hbm>>) target(%arg15 : memref<256x128xbf16, #tpu.memory_space<vmem>>) offsets(%dma_start3A_68 : memref<256xi32, #tpu.memory_space<vmem>>) semaphore(%arg20 : memref<!tpu.dma_semaphore, #tpu.memory_space<semaphore_mem>>)
        %get3A = arith.index_cast %mul3A_63 : i32 to index
        %get3A_72 = arith.constant 0 : index
        %get3A_73 = tpu.vector_load %arg13[%get3A, %get3A_72] {strides = array<i32>} : memref<40x256xi32, #tpu.memory_space<vmem>>, vector<16xi32>,
        tpu.vector_store_idx %arg16[%get3A_73], %broadcast_in_dim3A_20 {add = true} : memref<10240xf32, #tpu.memory_space<vmem>>[vector<16xi32>], vector<16xf32>,
        %get3A_74 = arith.index_cast %mul3A_63 : i32 to index
        %get3A_75 = arith.constant 16 : index
        %get3A_76 = tpu.vector_load %arg13[%get3A_74, %get3A_75] {strides = array<i32>} : memref<40x256xi32, #tpu.memory_space<vmem>>, vector<16xi32>,
        tpu.vector_store_idx %arg16[%get3A_76], %broadcast_in_dim3A_20 {add = true} : memref<10240xf32, #tpu.memory_space<vmem>>[vector<16xi32>], vector<16xf32>,
        %get3A_77 = arith.index_cast %mul3A_63 : i32 to index
        %get3A_78 = arith.constant 32 : index
        %get3A_79 = tpu.vector_load %arg13[%get3A_77, %get3A_78] {strides = array<i32>} : memref<40x256xi32, #tpu.memory_space<vmem>>, vector<16xi32>,
        tpu.vector_store_idx %arg16[%get3A_79], %broadcast_in_dim3A_20 {add = true} : memref<10240xf32, #tpu.memory_space<vmem>>[vector<16xi32>], vector<16xf32>,
        %get3A_80 = arith.index_cast %mul3A_63 : i32 to index
        %get3A_81 = arith.constant 48 : index
        %get3A_82 = tpu.vector_load %arg13[%get3A_80, %get3A_81] {strides = array<i32>} : memref<40x256xi32, #tpu.memory_space<vmem>>, vector<16xi32>,
        tpu.vector_store_idx %arg16[%get3A_82], %broadcast_in_dim3A_20 {add = true} : memref<10240xf32, #tpu.memory_space<vmem>>[vector<16xi32>], vector<16xf32>,
        %get3A_83 = arith.index_cast %mul3A_63 : i32 to index
        %get3A_84 = arith.constant 64 : index
        %get3A_85 = tpu.vector_load %arg13[%get3A_83, %get3A_84] {strides = array<i32>} : memref<40x256xi32, #tpu.memory_space<vmem>>, vector<16xi32>,
        tpu.vector_store_idx %arg16[%get3A_85], %broadcast_in_dim3A_20 {add = true} : memref<10240xf32, #tpu.memory_space<vmem>>[vector<16xi32>], vector<16xf32>,
        %get3A_86 = arith.index_cast %mul3A_63 : i32 to index
        %get3A_87 = arith.constant 80 : index
        %get3A_88 = tpu.vector_load %arg13[%get3A_86, %get3A_87] {strides = array<i32>} : memref<40x256xi32, #tpu.memory_space<vmem>>, vector<16xi32>,
        tpu.vector_store_idx %arg16[%get3A_88], %broadcast_in_dim3A_20 {add = true} : memref<10240xf32, #tpu.memory_space<vmem>>[vector<16xi32>], vector<16xf32>,
        %get3A_89 = arith.index_cast %mul3A_63 : i32 to index
        %get3A_90 = arith.constant 96 : index
        %get3A_91 = tpu.vector_load %arg13[%get3A_89, %get3A_90] {strides = array<i32>} : memref<40x256xi32, #tpu.memory_space<vmem>>, vector<16xi32>,
        tpu.vector_store_idx %arg16[%get3A_91], %broadcast_in_dim3A_20 {add = true} : memref<10240xf32, #tpu.memory_space<vmem>>[vector<16xi32>], vector<16xf32>,
        %get3A_92 = arith.index_cast %mul3A_63 : i32 to index
        %get3A_93 = arith.constant 112 : index
        %get3A_94 = tpu.vector_load %arg13[%get3A_92, %get3A_93] {strides = array<i32>} : memref<40x256xi32, #tpu.memory_space<vmem>>, vector<16xi32>,
        tpu.vector_store_idx %arg16[%get3A_94], %broadcast_in_dim3A_20 {add = true} : memref<10240xf32, #tpu.memory_space<vmem>>[vector<16xi32>], vector<16xf32>,
        %get3A_95 = arith.index_cast %mul3A_63 : i32 to index
        %get3A_96 = arith.constant 128 : index
        %get3A_97 = tpu.vector_load %arg13[%get3A_95, %get3A_96] {strides = array<i32>} : memref<40x256xi32, #tpu.memory_space<vmem>>, vector<16xi32>,
        tpu.vector_store_idx %arg16[%get3A_97], %broadcast_in_dim3A_20 {add = true} : memref<10240xf32, #tpu.memory_space<vmem>>[vector<16xi32>], vector<16xf32>,
        %get3A_98 = arith.index_cast %mul3A_63 : i32 to index
        %get3A_99 = arith.constant 144 : index
        %get3A_100 = tpu.vector_load %arg13[%get3A_98, %get3A_99] {strides = array<i32>} : memref<40x256xi32, #tpu.memory_space<vmem>>, vector<16xi32>,
        tpu.vector_store_idx %arg16[%get3A_100], %broadcast_in_dim3A_20 {add = true} : memref<10240xf32, #tpu.memory_space<vmem>>[vector<16xi32>], vector<16xf32>,
        %get3A_101 = arith.index_cast %mul3A_63 : i32 to index
        %get3A_102 = arith.constant 160 : index
        %get3A_103 = tpu.vector_load %arg13[%get3A_101, %get3A_102] {strides = array<i32>} : memref<40x256xi32, #tpu.memory_space<vmem>>, vector<16xi32>,
        tpu.vector_store_idx %arg16[%get3A_103], %broadcast_in_dim3A_20 {add = true} : memref<10240xf32, #tpu.memory_space<vmem>>[vector<16xi32>], vector<16xf32>,
        %get3A_104 = arith.index_cast %mul3A_63 : i32 to index
        %get3A_105 = arith.constant 176 : index
        %get3A_106 = tpu.vector_load %arg13[%get3A_104, %get3A_105] {strides = array<i32>} : memref<40x256xi32, #tpu.memory_space<vmem>>, vector<16xi32>,
        tpu.vector_store_idx %arg16[%get3A_106], %broadcast_in_dim3A_20 {add = true} : memref<10240xf32, #tpu.memory_space<vmem>>[vector<16xi32>], vector<16xf32>,
        %get3A_107 = arith.index_cast %mul3A_63 : i32 to index
        %get3A_108 = arith.constant 192 : index
        %get3A_109 = tpu.vector_load %arg13[%get3A_107, %get3A_108] {strides = array<i32>} : memref<40x256xi32, #tpu.memory_space<vmem>>, vector<16xi32>,
        tpu.vector_store_idx %arg16[%get3A_109], %broadcast_in_dim3A_20 {add = true} : memref<10240xf32, #tpu.memory_space<vmem>>[vector<16xi32>], vector<16xf32>,
        %get3A_110 = arith.index_cast %mul3A_63 : i32 to index
        %get3A_111 = arith.constant 208 : index
        %get3A_112 = tpu.vector_load %arg13[%get3A_110, %get3A_111] {strides = array<i32>} : memref<40x256xi32, #tpu.memory_space<vmem>>, vector<16xi32>,
        tpu.vector_store_idx %arg16[%get3A_112], %broadcast_in_dim3A_20 {add = true} : memref<10240xf32, #tpu.memory_space<vmem>>[vector<16xi32>], vector<16xf32>,
        %get3A_113 = arith.index_cast %mul3A_63 : i32 to index
        %get3A_114 = arith.constant 224 : index
        %get3A_115 = tpu.vector_load %arg13[%get3A_113, %get3A_114] {strides = array<i32>} : memref<40x256xi32, #tpu.memory_space<vmem>>, vector<16xi32>,
        tpu.vector_store_idx %arg16[%get3A_115], %broadcast_in_dim3A_20 {add = true} : memref<10240xf32, #tpu.memory_space<vmem>>[vector<16xi32>], vector<16xf32>,
        %get3A_116 = arith.index_cast %mul3A_63 : i32 to index
        %get3A_117 = arith.constant 240 : index
        %get3A_118 = tpu.vector_load %arg13[%get3A_116, %get3A_117] {strides = array<i32>} : memref<40x256xi32, #tpu.memory_space<vmem>>, vector<16xi32>,
        tpu.vector_store_idx %arg16[%get3A_118], %broadcast_in_dim3A_20 {add = true} : memref<10240xf32, #tpu.memory_space<vmem>>[vector<16xi32>], vector<16xf32>,
        %dma_wait3A = arith.constant 0 : i32
        %dma_wait3A_119 = tpu.memref_slice %arg12[%mul3A_63, %dma_wait3A] : memref<40x256xi32, #tpu.memory_space<vmem>> -> memref<1x256xi32, #tpu.memory_space<vmem>>
        %dma_wait3A_120 = tpu.memref_squeeze %dma_wait3A_119 : memref<1x256xi32, #tpu.memory_space<vmem>> -> memref<256xi32, #tpu.memory_space<vmem>>
        %dma_wait3A_121 = arith.constant 0 : i32
        %dma_wait3A_122 = arith.constant 0 : i32
        %dma_wait3A_123 = tpu.memref_slice %arg2[%dma_wait3A_121, %dma_wait3A_122] : memref<20000x128xbf16, #tpu.memory_space<hbm>> -> memref<20000x128xbf16, #tpu.memory_space<hbm>>
        tpu.wait_indirect_dma semaphore(%arg19 : memref<!tpu.dma_semaphore, #tpu.memory_space<semaphore_mem>>) src(%dma_wait3A_123 : memref<20000x128xbf16, #tpu.memory_space<hbm>>) dst(%arg14 : memref<256x128xbf16, #tpu.memory_space<vmem>>)
        "tpu.region"() ({
          %run_scoped3A = tpu.sem_alloc : memref<!tpu.dma_semaphore, #tpu.memory_space<semaphore_mem>>
          %dma_start3A_191 = arith.constant 0 : i32
          %dma_start3A_192 = tpu.memref_slice %arg13[%mul3A_63, %dma_start3A_191] : memref<40x256xi32, #tpu.memory_space<vmem>> -> memref<1x256xi32, #tpu.memory_space<vmem>>
          %dma_start3A_193 = tpu.memref_squeeze %dma_start3A_192 : memref<1x256xi32, #tpu.memory_space<vmem>> -> memref<256xi32, #tpu.memory_space<vmem>>
          %dma_start3A_194 = arith.constant 0 : i32
          %dma_start3A_195 = arith.constant 0 : i32
          %dma_start3A_196 = tpu.memref_slice %arg10[%dma_start3A_194, %dma_start3A_195] : memref<10240x128xbf16, #tpu.memory_space<vmem_shared>> -> memref<10240x128xbf16, #tpu.memory_space<vmem_shared>>
          tpu.enqueue_indirect_dma source(%arg14 : memref<256x128xbf16, #tpu.memory_space<vmem>>) target(%dma_start3A_196 : memref<10240x128xbf16, #tpu.memory_space<vmem_shared>>) offsets(%dma_start3A_193 : memref<256xi32, #tpu.memory_space<vmem>>) semaphore(%run_scoped3A : memref<!tpu.dma_semaphore, #tpu.memory_space<semaphore_mem>>) {add = true}
          %dma_wait3A_197 = arith.constant 0 : i32
          %dma_wait3A_198 = tpu.memref_slice %arg13[%mul3A_63, %dma_wait3A_197] : memref<40x256xi32, #tpu.memory_space<vmem>> -> memref<1x256xi32, #tpu.memory_space<vmem>>
          %dma_wait3A_199 = tpu.memref_squeeze %dma_wait3A_198 : memref<1x256xi32, #tpu.memory_space<vmem>> -> memref<256xi32, #tpu.memory_space<vmem>>
          %dma_wait3A_200 = arith.constant 0 : i32
          %dma_wait3A_201 = arith.constant 0 : i32
          %dma_wait3A_202 = tpu.memref_slice %arg10[%dma_wait3A_200, %dma_wait3A_201] : memref<10240x128xbf16, #tpu.memory_space<vmem_shared>> -> memref<10240x128xbf16, #tpu.memory_space<vmem_shared>>
          tpu.wait_indirect_dma semaphore(%run_scoped3A : memref<!tpu.dma_semaphore, #tpu.memory_space<semaphore_mem>>) src(%arg14 : memref<256x128xbf16, #tpu.memory_space<vmem>>) dst(%dma_wait3A_202 : memref<10240x128xbf16, #tpu.memory_space<vmem_shared>>)
          tpu.yield
        }) : () -> ()
        %add3A_124 = arith.constant 2 : i32
        %add3A_125 = arith.addi %mul3A_63, %add3A_124 : i32
        %lt3A = arith.constant 40 : i32
        %lt3A_126 = arith.cmpi slt, %add3A_125, %lt3A : i32
        %convert_element_type3A_127 = arith.extui %lt3A_126 : i1 to i32
        %cond3A_128 = arith.constant 0 : i32
        %cond3A_129 = arith.cmpi ne, %convert_element_type3A_127, %cond3A_128 : i32
        scf.if %cond3A_129 {
          %add3A_191 = arith.constant 2 : i32
          %add3A_192 = arith.addi %mul3A_63, %add3A_191 : i32
          %dma_start3A_193 = arith.constant 0 : i32
          %dma_start3A_194 = tpu.memref_slice %arg12[%add3A_192, %dma_start3A_193] : memref<40x256xi32, #tpu.memory_space<vmem>> -> memref<1x256xi32, #tpu.memory_space<vmem>>
          %dma_start3A_195 = tpu.memref_squeeze %dma_start3A_194 : memref<1x256xi32, #tpu.memory_space<vmem>> -> memref<256xi32, #tpu.memory_space<vmem>>
          %dma_start3A_196 = arith.constant 0 : i32
          %dma_start3A_197 = arith.constant 0 : i32
          %dma_start3A_198 = tpu.memref_slice %arg2[%dma_start3A_196, %dma_start3A_197] : memref<20000x128xbf16, #tpu.memory_space<hbm>> -> memref<20000x128xbf16, #tpu.memory_space<hbm>>
          tpu.enqueue_indirect_dma source(%dma_start3A_198 : memref<20000x128xbf16, #tpu.memory_space<hbm>>) target(%arg14 : memref<256x128xbf16, #tpu.memory_space<vmem>>) offsets(%dma_start3A_195 : memref<256xi32, #tpu.memory_space<vmem>>) semaphore(%arg19 : memref<!tpu.dma_semaphore, #tpu.memory_space<semaphore_mem>>)
        } else {
        }
        %add3A_130 = arith.constant 1 : i32
        %add3A_131 = arith.addi %mul3A_63, %add3A_130 : i32
        %get3A_132 = arith.index_cast %add3A_131 : i32 to index
        %get3A_133 = arith.constant 0 : index
        %get3A_134 = tpu.vector_load %arg13[%get3A_132, %get3A_133] {strides = array<i32>} : memref<40x256xi32, #tpu.memory_space<vmem>>, vector<16xi32>,
        tpu.vector_store_idx %arg16[%get3A_134], %broadcast_in_dim3A_20 {add = true} : memref<10240xf32, #tpu.memory_space<vmem>>[vector<16xi32>], vector<16xf32>,
        %get3A_135 = arith.index_cast %add3A_131 : i32 to index
        %get3A_136 = arith.constant 16 : index
        %get3A_137 = tpu.vector_load %arg13[%get3A_135, %get3A_136] {strides = array<i32>} : memref<40x256xi32, #tpu.memory_space<vmem>>, vector<16xi32>,
        tpu.vector_store_idx %arg16[%get3A_137], %broadcast_in_dim3A_20 {add = true} : memref<10240xf32, #tpu.memory_space<vmem>>[vector<16xi32>], vector<16xf32>,
        %get3A_138 = arith.index_cast %add3A_131 : i32 to index
        %get3A_139 = arith.constant 32 : index
        %get3A_140 = tpu.vector_load %arg13[%get3A_138, %get3A_139] {strides = array<i32>} : memref<40x256xi32, #tpu.memory_space<vmem>>, vector<16xi32>,
        tpu.vector_store_idx %arg16[%get3A_140], %broadcast_in_dim3A_20 {add = true} : memref<10240xf32, #tpu.memory_space<vmem>>[vector<16xi32>], vector<16xf32>,
        %get3A_141 = arith.index_cast %add3A_131 : i32 to index
        %get3A_142 = arith.constant 48 : index
        %get3A_143 = tpu.vector_load %arg13[%get3A_141, %get3A_142] {strides = array<i32>} : memref<40x256xi32, #tpu.memory_space<vmem>>, vector<16xi32>,
        tpu.vector_store_idx %arg16[%get3A_143], %broadcast_in_dim3A_20 {add = true} : memref<10240xf32, #tpu.memory_space<vmem>>[vector<16xi32>], vector<16xf32>,
        %get3A_144 = arith.index_cast %add3A_131 : i32 to index
        %get3A_145 = arith.constant 64 : index
        %get3A_146 = tpu.vector_load %arg13[%get3A_144, %get3A_145] {strides = array<i32>} : memref<40x256xi32, #tpu.memory_space<vmem>>, vector<16xi32>,
        tpu.vector_store_idx %arg16[%get3A_146], %broadcast_in_dim3A_20 {add = true} : memref<10240xf32, #tpu.memory_space<vmem>>[vector<16xi32>], vector<16xf32>,
        %get3A_147 = arith.index_cast %add3A_131 : i32 to index
        %get3A_148 = arith.constant 80 : index
        %get3A_149 = tpu.vector_load %arg13[%get3A_147, %get3A_148] {strides = array<i32>} : memref<40x256xi32, #tpu.memory_space<vmem>>, vector<16xi32>,
        tpu.vector_store_idx %arg16[%get3A_149], %broadcast_in_dim3A_20 {add = true} : memref<10240xf32, #tpu.memory_space<vmem>>[vector<16xi32>], vector<16xf32>,
        %get3A_150 = arith.index_cast %add3A_131 : i32 to index
        %get3A_151 = arith.constant 96 : index
        %get3A_152 = tpu.vector_load %arg13[%get3A_150, %get3A_151] {strides = array<i32>} : memref<40x256xi32, #tpu.memory_space<vmem>>, vector<16xi32>,
        tpu.vector_store_idx %arg16[%get3A_152], %broadcast_in_dim3A_20 {add = true} : memref<10240xf32, #tpu.memory_space<vmem>>[vector<16xi32>], vector<16xf32>,
        %get3A_153 = arith.index_cast %add3A_131 : i32 to index
        %get3A_154 = arith.constant 112 : index
        %get3A_155 = tpu.vector_load %arg13[%get3A_153, %get3A_154] {strides = array<i32>} : memref<40x256xi32, #tpu.memory_space<vmem>>, vector<16xi32>,
        tpu.vector_store_idx %arg16[%get3A_155], %broadcast_in_dim3A_20 {add = true} : memref<10240xf32, #tpu.memory_space<vmem>>[vector<16xi32>], vector<16xf32>,
        %get3A_156 = arith.index_cast %add3A_131 : i32 to index
        %get3A_157 = arith.constant 128 : index
        %get3A_158 = tpu.vector_load %arg13[%get3A_156, %get3A_157] {strides = array<i32>} : memref<40x256xi32, #tpu.memory_space<vmem>>, vector<16xi32>,
        tpu.vector_store_idx %arg16[%get3A_158], %broadcast_in_dim3A_20 {add = true} : memref<10240xf32, #tpu.memory_space<vmem>>[vector<16xi32>], vector<16xf32>,
        %get3A_159 = arith.index_cast %add3A_131 : i32 to index
        %get3A_160 = arith.constant 144 : index
        %get3A_161 = tpu.vector_load %arg13[%get3A_159, %get3A_160] {strides = array<i32>} : memref<40x256xi32, #tpu.memory_space<vmem>>, vector<16xi32>,
        tpu.vector_store_idx %arg16[%get3A_161], %broadcast_in_dim3A_20 {add = true} : memref<10240xf32, #tpu.memory_space<vmem>>[vector<16xi32>], vector<16xf32>,
        %get3A_162 = arith.index_cast %add3A_131 : i32 to index
        %get3A_163 = arith.constant 160 : index
        %get3A_164 = tpu.vector_load %arg13[%get3A_162, %get3A_163] {strides = array<i32>} : memref<40x256xi32, #tpu.memory_space<vmem>>, vector<16xi32>,
        tpu.vector_store_idx %arg16[%get3A_164], %broadcast_in_dim3A_20 {add = true} : memref<10240xf32, #tpu.memory_space<vmem>>[vector<16xi32>], vector<16xf32>,
        %get3A_165 = arith.index_cast %add3A_131 : i32 to index
        %get3A_166 = arith.constant 176 : index
        %get3A_167 = tpu.vector_load %arg13[%get3A_165, %get3A_166] {strides = array<i32>} : memref<40x256xi32, #tpu.memory_space<vmem>>, vector<16xi32>,
        tpu.vector_store_idx %arg16[%get3A_167], %broadcast_in_dim3A_20 {add = true} : memref<10240xf32, #tpu.memory_space<vmem>>[vector<16xi32>], vector<16xf32>,
        %get3A_168 = arith.index_cast %add3A_131 : i32 to index
        %get3A_169 = arith.constant 192 : index
        %get3A_170 = tpu.vector_load %arg13[%get3A_168, %get3A_169] {strides = array<i32>} : memref<40x256xi32, #tpu.memory_space<vmem>>, vector<16xi32>,
        tpu.vector_store_idx %arg16[%get3A_170], %broadcast_in_dim3A_20 {add = true} : memref<10240xf32, #tpu.memory_space<vmem>>[vector<16xi32>], vector<16xf32>,
        %get3A_171 = arith.index_cast %add3A_131 : i32 to index
        %get3A_172 = arith.constant 208 : index
        %get3A_173 = tpu.vector_load %arg13[%get3A_171, %get3A_172] {strides = array<i32>} : memref<40x256xi32, #tpu.memory_space<vmem>>, vector<16xi32>,
        tpu.vector_store_idx %arg16[%get3A_173], %broadcast_in_dim3A_20 {add = true} : memref<10240xf32, #tpu.memory_space<vmem>>[vector<16xi32>], vector<16xf32>,
        %get3A_174 = arith.index_cast %add3A_131 : i32 to index
        %get3A_175 = arith.constant 224 : index
        %get3A_176 = tpu.vector_load %arg13[%get3A_174, %get3A_175] {strides = array<i32>} : memref<40x256xi32, #tpu.memory_space<vmem>>, vector<16xi32>,
        tpu.vector_store_idx %arg16[%get3A_176], %broadcast_in_dim3A_20 {add = true} : memref<10240xf32, #tpu.memory_space<vmem>>[vector<16xi32>], vector<16xf32>,
        %get3A_177 = arith.index_cast %add3A_131 : i32 to index
        %get3A_178 = arith.constant 240 : index
        %get3A_179 = tpu.vector_load %arg13[%get3A_177, %get3A_178] {strides = array<i32>} : memref<40x256xi32, #tpu.memory_space<vmem>>, vector<16xi32>,
        tpu.vector_store_idx %arg16[%get3A_179], %broadcast_in_dim3A_20 {add = true} : memref<10240xf32, #tpu.memory_space<vmem>>[vector<16xi32>], vector<16xf32>,
        %add3A_180 = arith.constant 1 : i32
        %add3A_181 = arith.addi %mul3A_63, %add3A_180 : i32
        %dma_wait3A_182 = arith.constant 0 : i32
        %dma_wait3A_183 = tpu.memref_slice %arg12[%add3A_181, %dma_wait3A_182] : memref<40x256xi32, #tpu.memory_space<vmem>> -> memref<1x256xi32, #tpu.memory_space<vmem>>
        %dma_wait3A_184 = tpu.memref_squeeze %dma_wait3A_183 : memref<1x256xi32, #tpu.memory_space<vmem>> -> memref<256xi32, #tpu.memory_space<vmem>>
        %dma_wait3A_185 = arith.constant 0 : i32
        %dma_wait3A_186 = arith.constant 0 : i32
        %dma_wait3A_187 = tpu.memref_slice %arg2[%dma_wait3A_185, %dma_wait3A_186] : memref<20000x128xbf16, #tpu.memory_space<hbm>> -> memref<20000x128xbf16, #tpu.memory_space<hbm>>
        tpu.wait_indirect_dma semaphore(%arg20 : memref<!tpu.dma_semaphore, #tpu.memory_space<semaphore_mem>>) src(%dma_wait3A_187 : memref<20000x128xbf16, #tpu.memory_space<hbm>>) dst(%arg15 : memref<256x128xbf16, #tpu.memory_space<vmem>>)
        %add3A_188 = arith.constant 1 : i32
        %add3A_189 = arith.addi %mul3A_63, %add3A_188 : i32
        "tpu.region"() ({
          %run_scoped3A = tpu.sem_alloc : memref<!tpu.dma_semaphore, #tpu.memory_space<semaphore_mem>>
          %dma_start3A_191 = arith.constant 0 : i32
          %dma_start3A_192 = tpu.memref_slice %arg13[%add3A_189, %dma_start3A_191] : memref<40x256xi32, #tpu.memory_space<vmem>> -> memref<1x256xi32, #tpu.memory_space<vmem>>
          %dma_start3A_193 = tpu.memref_squeeze %dma_start3A_192 : memref<1x256xi32, #tpu.memory_space<vmem>> -> memref<256xi32, #tpu.memory_space<vmem>>
          %dma_start3A_194 = arith.constant 0 : i32
          %dma_start3A_195 = arith.constant 0 : i32
          %dma_start3A_196 = tpu.memref_slice %arg10[%dma_start3A_194, %dma_start3A_195] : memref<10240x128xbf16, #tpu.memory_space<vmem_shared>> -> memref<10240x128xbf16, #tpu.memory_space<vmem_shared>>
          tpu.enqueue_indirect_dma source(%arg15 : memref<256x128xbf16, #tpu.memory_space<vmem>>) target(%dma_start3A_196 : memref<10240x128xbf16, #tpu.memory_space<vmem_shared>>) offsets(%dma_start3A_193 : memref<256xi32, #tpu.memory_space<vmem>>) semaphore(%run_scoped3A : memref<!tpu.dma_semaphore, #tpu.memory_space<semaphore_mem>>) {add = true}
          %dma_wait3A_197 = arith.constant 0 : i32
          %dma_wait3A_198 = tpu.memref_slice %arg13[%add3A_189, %dma_wait3A_197] : memref<40x256xi32, #tpu.memory_space<vmem>> -> memref<1x256xi32, #tpu.memory_space<vmem>>
          %dma_wait3A_199 = tpu.memref_squeeze %dma_wait3A_198 : memref<1x256xi32, #tpu.memory_space<vmem>> -> memref<256xi32, #tpu.memory_space<vmem>>
          %dma_wait3A_200 = arith.constant 0 : i32
          %dma_wait3A_201 = arith.constant 0 : i32
          %dma_wait3A_202 = tpu.memref_slice %arg10[%dma_wait3A_200, %dma_wait3A_201] : memref<10240x128xbf16, #tpu.memory_space<vmem_shared>> -> memref<10240x128xbf16, #tpu.memory_space<vmem_shared>>
          tpu.wait_indirect_dma semaphore(%run_scoped3A : memref<!tpu.dma_semaphore, #tpu.memory_space<semaphore_mem>>) src(%arg15 : memref<256x128xbf16, #tpu.memory_space<vmem>>) dst(%dma_wait3A_202 : memref<10240x128xbf16, #tpu.memory_space<vmem_shared>>)
          tpu.yield
        }) : () -> ()
        %scan3A_190 = arith.constant 0 : i32
        scf.yield %scan3A_190 : i32
      }
      %scan3A_58 = arith.constant 20 : i32
      %barrier3A_59 = arith.constant 0 : index
      tpu.barrier barrier_id(%barrier3A_59)
      "tpu.region"() ({
        %run_scoped3A = tpu.sem_alloc : memref<!tpu.dma_semaphore, #tpu.memory_space<semaphore_mem>>
        %dma_start3A_60 = arith.constant 0 : i32
        %dma_start3A_61 = tpu.memref_slice %arg7[%mul3A_18, %dma_start3A_60] : memref<10240x128xbf16, #tpu.memory_space<hbm>> -> memref<640x128xbf16, #tpu.memory_space<hbm>>
        %dma_start3A_62 = arith.constant 0 : i32
        %dma_start3A_63 = tpu.memref_slice %arg10[%mul3A_18, %dma_start3A_62] : memref<10240x128xbf16, #tpu.memory_space<vmem_shared>> -> memref<640x128xbf16, #tpu.memory_space<vmem_shared>>
        tpu.enqueue_dma source(%dma_start3A_63 : memref<640x128xbf16, #tpu.memory_space<vmem_shared>>) target(%dma_start3A_61 : memref<640x128xbf16, #tpu.memory_space<hbm>>) target_semaphore(%run_scoped3A : memref<!tpu.dma_semaphore, #tpu.memory_space<semaphore_mem>>)
        %dma_wait3A = arith.constant 0 : i32
        %dma_wait3A_64 = tpu.memref_slice %arg7[%mul3A_18, %dma_wait3A] : memref<10240x128xbf16, #tpu.memory_space<hbm>> -> memref<640x128xbf16, #tpu.memory_space<hbm>>
        %dma_wait3A_65 = arith.constant 0 : i32
        %dma_wait3A_66 = tpu.memref_slice %arg10[%mul3A_18, %dma_wait3A_65] : memref<10240x128xbf16, #tpu.memory_space<vmem_shared>> -> memref<640x128xbf16, #tpu.memory_space<vmem_shared>>
        tpu.wait_dma2 semaphore(%run_scoped3A : memref<!tpu.dma_semaphore, #tpu.memory_space<semaphore_mem>>) src(%dma_wait3A_66 : memref<640x128xbf16, #tpu.memory_space<vmem_shared>>) dst(%dma_wait3A_64 : memref<640x128xbf16, #tpu.memory_space<hbm>>)
        tpu.yield
      }) : () -> ()
    } else {
    }
    %eq3A_36 = arith.constant 1 : i32
    %eq3A_37 = arith.cmpi eq, %arg0, %eq3A_36 : i32
    %convert_element_type3A_38 = arith.extui %eq3A_37 : i1 to i32
    %cond3A_39 = arith.constant 0 : i32
    %cond3A_40 = arith.cmpi ne, %convert_element_type3A_38, %cond3A_39 : i32
    scf.if %cond3A_40 {
      "tpu.region"() ({
        %run_scoped3A = tpu.sem_alloc : memref<!tpu.dma_semaphore, #tpu.memory_space<semaphore_mem>>
        %dma_start3A_60 = arith.constant 0 : i32
        %dma_start3A_61 = tpu.memref_slice %arg10[%mul3A_18, %dma_start3A_60] : memref<10240x128xbf16, #tpu.memory_space<vmem_shared>> -> memref<640x128xbf16, #tpu.memory_space<vmem_shared>>
        tpu.enqueue_dma source(%arg5 : memref<640x128xbf16, #tpu.memory_space<hbm>>) target(%dma_start3A_61 : memref<640x128xbf16, #tpu.memory_space<vmem_shared>>) target_semaphore(%run_scoped3A : memref<!tpu.dma_semaphore, #tpu.memory_space<semaphore_mem>>)
        %dma_wait3A = arith.constant 0 : i32
        %dma_wait3A_62 = tpu.memref_slice %arg10[%mul3A_18, %dma_wait3A] : memref<10240x128xbf16, #tpu.memory_space<vmem_shared>> -> memref<640x128xbf16, #tpu.memory_space<vmem_shared>>
        tpu.wait_dma2 semaphore(%run_scoped3A : memref<!tpu.dma_semaphore, #tpu.memory_space<semaphore_mem>>) src(%arg5 : memref<640x128xbf16, #tpu.memory_space<hbm>>) dst(%dma_wait3A_62 : memref<640x128xbf16, #tpu.memory_space<vmem_shared>>)
        tpu.yield
      }) : () -> ()
      %barrier3A = arith.constant 0 : index
      tpu.barrier barrier_id(%barrier3A)
      %dma_start3A = arith.constant 0 : i32
      %dma_start3A_46 = arith.constant 0 : i32
      %dma_start3A_47 = tpu.memref_slice %arg12[%dma_start3A, %dma_start3A_46] : memref<40x256xi32, #tpu.memory_space<vmem>> -> memref<1x256xi32, #tpu.memory_space<vmem>>
      %dma_start3A_48 = tpu.memref_squeeze %dma_start3A_47 : memref<1x256xi32, #tpu.memory_space<vmem>> -> memref<256xi32, #tpu.memory_space<vmem>>
      %dma_start3A_49 = arith.constant 0 : i32
      %dma_start3A_50 = arith.constant 0 : i32
      %dma_start3A_51 = tpu.memref_slice %arg2[%dma_start3A_49, %dma_start3A_50] : memref<20000x128xbf16, #tpu.memory_space<hbm>> -> memref<20000x128xbf16, #tpu.memory_space<hbm>>
      tpu.enqueue_indirect_dma source(%dma_start3A_51 : memref<20000x128xbf16, #tpu.memory_space<hbm>>) target(%arg14 : memref<256x128xbf16, #tpu.memory_space<vmem>>) offsets(%dma_start3A_48 : memref<256xi32, #tpu.memory_space<vmem>>) semaphore(%arg19 : memref<!tpu.dma_semaphore, #tpu.memory_space<semaphore_mem>>)
      %scan3A_52 = arith.constant 0 : i32
      %scan3A_53 = arith.constant 0 : i32
      %scan3A_54 = arith.constant 20 : i32
      %scan3A_55 = arith.addi %scan3A_53, %scan3A_54 : i32
      %scan3A_56 = arith.constant 1 : i32
      %scan3A_57 = scf.for %scan3A_60 = %scan3A_53 to %scan3A_55 step %scan3A_56 iter_args(%scan3A_61 = %scan3A_52) -> (i32)  : i32 {
        %mul3A_62 = arith.constant 2 : i32
        %mul3A_63 = arith.muli %mul3A_62, %scan3A_60 : i32
        %add3A_64 = arith.constant 1 : i32
        %add3A_65 = arith.addi %mul3A_63, %add3A_64 : i32
        %dma_start3A_66 = arith.constant 0 : i32
        %dma_start3A_67 = tpu.memref_slice %arg12[%add3A_65, %dma_start3A_66] : memref<40x256xi32, #tpu.memory_space<vmem>> -> memref<1x256xi32, #tpu.memory_space<vmem>>
        %dma_start3A_68 = tpu.memref_squeeze %dma_start3A_67 : memref<1x256xi32, #tpu.memory_space<vmem>> -> memref<256xi32, #tpu.memory_space<vmem>>
        %dma_start3A_69 = arith.constant 0 : i32
        %dma_start3A_70 = arith.constant 0 : i32
        %dma_start3A_71 = tpu.memref_slice %arg2[%dma_start3A_69, %dma_start3A_70] : memref<20000x128xbf16, #tpu.memory_space<hbm>> -> memref<20000x128xbf16, #tpu.memory_space<hbm>>
        tpu.enqueue_indirect_dma source(%dma_start3A_71 : memref<20000x128xbf16, #tpu.memory_space<hbm>>) target(%arg15 : memref<256x128xbf16, #tpu.memory_space<vmem>>) offsets(%dma_start3A_68 : memref<256xi32, #tpu.memory_space<vmem>>) semaphore(%arg20 : memref<!tpu.dma_semaphore, #tpu.memory_space<semaphore_mem>>)
        %dma_wait3A = arith.constant 0 : i32
        %dma_wait3A_72 = tpu.memref_slice %arg12[%mul3A_63, %dma_wait3A] : memref<40x256xi32, #tpu.memory_space<vmem>> -> memref<1x256xi32, #tpu.memory_space<vmem>>
        %dma_wait3A_73 = tpu.memref_squeeze %dma_wait3A_72 : memref<1x256xi32, #tpu.memory_space<vmem>> -> memref<256xi32, #tpu.memory_space<vmem>>
        %dma_wait3A_74 = arith.constant 0 : i32
        %dma_wait3A_75 = arith.constant 0 : i32
        %dma_wait3A_76 = tpu.memref_slice %arg2[%dma_wait3A_74, %dma_wait3A_75] : memref<20000x128xbf16, #tpu.memory_space<hbm>> -> memref<20000x128xbf16, #tpu.memory_space<hbm>>
        tpu.wait_indirect_dma semaphore(%arg19 : memref<!tpu.dma_semaphore, #tpu.memory_space<semaphore_mem>>) src(%dma_wait3A_76 : memref<20000x128xbf16, #tpu.memory_space<hbm>>) dst(%arg14 : memref<256x128xbf16, #tpu.memory_space<vmem>>)
        "tpu.region"() ({
          %run_scoped3A = tpu.sem_alloc : memref<!tpu.dma_semaphore, #tpu.memory_space<semaphore_mem>>
          %dma_start3A_94 = arith.constant 0 : i32
          %dma_start3A_95 = tpu.memref_slice %arg13[%mul3A_63, %dma_start3A_94] : memref<40x256xi32, #tpu.memory_space<vmem>> -> memref<1x256xi32, #tpu.memory_space<vmem>>
          %dma_start3A_96 = tpu.memref_squeeze %dma_start3A_95 : memref<1x256xi32, #tpu.memory_space<vmem>> -> memref<256xi32, #tpu.memory_space<vmem>>
          %dma_start3A_97 = arith.constant 0 : i32
          %dma_start3A_98 = arith.constant 0 : i32
          %dma_start3A_99 = tpu.memref_slice %arg10[%dma_start3A_97, %dma_start3A_98] : memref<10240x128xbf16, #tpu.memory_space<vmem_shared>> -> memref<10240x128xbf16, #tpu.memory_space<vmem_shared>>
          tpu.enqueue_indirect_dma source(%arg14 : memref<256x128xbf16, #tpu.memory_space<vmem>>) target(%dma_start3A_99 : memref<10240x128xbf16, #tpu.memory_space<vmem_shared>>) offsets(%dma_start3A_96 : memref<256xi32, #tpu.memory_space<vmem>>) semaphore(%run_scoped3A : memref<!tpu.dma_semaphore, #tpu.memory_space<semaphore_mem>>) {add = true}
          %dma_wait3A_100 = arith.constant 0 : i32
          %dma_wait3A_101 = tpu.memref_slice %arg13[%mul3A_63, %dma_wait3A_100] : memref<40x256xi32, #tpu.memory_space<vmem>> -> memref<1x256xi32, #tpu.memory_space<vmem>>
          %dma_wait3A_102 = tpu.memref_squeeze %dma_wait3A_101 : memref<1x256xi32, #tpu.memory_space<vmem>> -> memref<256xi32, #tpu.memory_space<vmem>>
          %dma_wait3A_103 = arith.constant 0 : i32
          %dma_wait3A_104 = arith.constant 0 : i32
          %dma_wait3A_105 = tpu.memref_slice %arg10[%dma_wait3A_103, %dma_wait3A_104] : memref<10240x128xbf16, #tpu.memory_space<vmem_shared>> -> memref<10240x128xbf16, #tpu.memory_space<vmem_shared>>
          tpu.wait_indirect_dma semaphore(%run_scoped3A : memref<!tpu.dma_semaphore, #tpu.memory_space<semaphore_mem>>) src(%arg14 : memref<256x128xbf16, #tpu.memory_space<vmem>>) dst(%dma_wait3A_105 : memref<10240x128xbf16, #tpu.memory_space<vmem_shared>>)
          tpu.yield
        }) : () -> ()
        %add3A_77 = arith.constant 2 : i32
        %add3A_78 = arith.addi %mul3A_63, %add3A_77 : i32
        %lt3A = arith.constant 40 : i32
        %lt3A_79 = arith.cmpi slt, %add3A_78, %lt3A : i32
        %convert_element_type3A_80 = arith.extui %lt3A_79 : i1 to i32
        %cond3A_81 = arith.constant 0 : i32
        %cond3A_82 = arith.cmpi ne, %convert_element_type3A_80, %cond3A_81 : i32
        scf.if %cond3A_82 {
          %add3A_94 = arith.constant 2 : i32
          %add3A_95 = arith.addi %mul3A_63, %add3A_94 : i32
          %dma_start3A_96 = arith.constant 0 : i32
          %dma_start3A_97 = tpu.memref_slice %arg12[%add3A_95, %dma_start3A_96] : memref<40x256xi32, #tpu.memory_space<vmem>> -> memref<1x256xi32, #tpu.memory_space<vmem>>
          %dma_start3A_98 = tpu.memref_squeeze %dma_start3A_97 : memref<1x256xi32, #tpu.memory_space<vmem>> -> memref<256xi32, #tpu.memory_space<vmem>>
          %dma_start3A_99 = arith.constant 0 : i32
          %dma_start3A_100 = arith.constant 0 : i32
          %dma_start3A_101 = tpu.memref_slice %arg2[%dma_start3A_99, %dma_start3A_100] : memref<20000x128xbf16, #tpu.memory_space<hbm>> -> memref<20000x128xbf16, #tpu.memory_space<hbm>>
          tpu.enqueue_indirect_dma source(%dma_start3A_101 : memref<20000x128xbf16, #tpu.memory_space<hbm>>) target(%arg14 : memref<256x128xbf16, #tpu.memory_space<vmem>>) offsets(%dma_start3A_98 : memref<256xi32, #tpu.memory_space<vmem>>) semaphore(%arg19 : memref<!tpu.dma_semaphore, #tpu.memory_space<semaphore_mem>>)
        } else {
        }
        %add3A_83 = arith.constant 1 : i32
        %add3A_84 = arith.addi %mul3A_63, %add3A_83 : i32
        %dma_wait3A_85 = arith.constant 0 : i32
        %dma_wait3A_86 = tpu.memref_slice %arg12[%add3A_84, %dma_wait3A_85] : memref<40x256xi32, #tpu.memory_space<vmem>> -> memref<1x256xi32, #tpu.memory_space<vmem>>
        %dma_wait3A_87 = tpu.memref_squeeze %dma_wait3A_86 : memref<1x256xi32, #tpu.memory_space<vmem>> -> memref<256xi32, #tpu.memory_space<vmem>>
        %dma_wait3A_88 = arith.constant 0 : i32
        %dma_wait3A_89 = arith.constant 0 : i32
        %dma_wait3A_90 = tpu.memref_slice %arg2[%dma_wait3A_88, %dma_wait3A_89] : memref<20000x128xbf16, #tpu.memory_space<hbm>> -> memref<20000x128xbf16, #tpu.memory_space<hbm>>
        tpu.wait_indirect_dma semaphore(%arg20 : memref<!tpu.dma_semaphore, #tpu.memory_space<semaphore_mem>>) src(%dma_wait3A_90 : memref<20000x128xbf16, #tpu.memory_space<hbm>>) dst(%arg15 : memref<256x128xbf16, #tpu.memory_space<vmem>>)
        %add3A_91 = arith.constant 1 : i32
        %add3A_92 = arith.addi %mul3A_63, %add3A_91 : i32
        "tpu.region"() ({
          %run_scoped3A = tpu.sem_alloc : memref<!tpu.dma_semaphore, #tpu.memory_space<semaphore_mem>>
          %dma_start3A_94 = arith.constant 0 : i32
          %dma_start3A_95 = tpu.memref_slice %arg13[%add3A_92, %dma_start3A_94] : memref<40x256xi32, #tpu.memory_space<vmem>> -> memref<1x256xi32, #tpu.memory_space<vmem>>
          %dma_start3A_96 = tpu.memref_squeeze %dma_start3A_95 : memref<1x256xi32, #tpu.memory_space<vmem>> -> memref<256xi32, #tpu.memory_space<vmem>>
          %dma_start3A_97 = arith.constant 0 : i32
          %dma_start3A_98 = arith.constant 0 : i32
          %dma_start3A_99 = tpu.memref_slice %arg10[%dma_start3A_97, %dma_start3A_98] : memref<10240x128xbf16, #tpu.memory_space<vmem_shared>> -> memref<10240x128xbf16, #tpu.memory_space<vmem_shared>>
          tpu.enqueue_indirect_dma source(%arg15 : memref<256x128xbf16, #tpu.memory_space<vmem>>) target(%dma_start3A_99 : memref<10240x128xbf16, #tpu.memory_space<vmem_shared>>) offsets(%dma_start3A_96 : memref<256xi32, #tpu.memory_space<vmem>>) semaphore(%run_scoped3A : memref<!tpu.dma_semaphore, #tpu.memory_space<semaphore_mem>>) {add = true}
          %dma_wait3A_100 = arith.constant 0 : i32
          %dma_wait3A_101 = tpu.memref_slice %arg13[%add3A_92, %dma_wait3A_100] : memref<40x256xi32, #tpu.memory_space<vmem>> -> memref<1x256xi32, #tpu.memory_space<vmem>>
          %dma_wait3A_102 = tpu.memref_squeeze %dma_wait3A_101 : memref<1x256xi32, #tpu.memory_space<vmem>> -> memref<256xi32, #tpu.memory_space<vmem>>
          %dma_wait3A_103 = arith.constant 0 : i32
          %dma_wait3A_104 = arith.constant 0 : i32
          %dma_wait3A_105 = tpu.memref_slice %arg10[%dma_wait3A_103, %dma_wait3A_104] : memref<10240x128xbf16, #tpu.memory_space<vmem_shared>> -> memref<10240x128xbf16, #tpu.memory_space<vmem_shared>>
          tpu.wait_indirect_dma semaphore(%run_scoped3A : memref<!tpu.dma_semaphore, #tpu.memory_space<semaphore_mem>>) src(%arg15 : memref<256x128xbf16, #tpu.memory_space<vmem>>) dst(%dma_wait3A_105 : memref<10240x128xbf16, #tpu.memory_space<vmem_shared>>)
          tpu.yield
        }) : () -> ()
        %scan3A_93 = arith.constant 0 : i32
        scf.yield %scan3A_93 : i32
      }
      %scan3A_58 = arith.constant 20 : i32
      %barrier3A_59 = arith.constant 0 : index
      tpu.barrier barrier_id(%barrier3A_59)
      "tpu.region"() ({
        %run_scoped3A = tpu.sem_alloc : memref<!tpu.dma_semaphore, #tpu.memory_space<semaphore_mem>>
        %dma_start3A_60 = arith.constant 0 : i32
        %dma_start3A_61 = tpu.memref_slice %arg8[%mul3A_18, %dma_start3A_60] : memref<10240x128xbf16, #tpu.memory_space<hbm>> -> memref<640x128xbf16, #tpu.memory_space<hbm>>
        %dma_start3A_62 = arith.constant 0 : i32
        %dma_start3A_63 = tpu.memref_slice %arg10[%mul3A_18, %dma_start3A_62] : memref<10240x128xbf16, #tpu.memory_space<vmem_shared>> -> memref<640x128xbf16, #tpu.memory_space<vmem_shared>>
        tpu.enqueue_dma source(%dma_start3A_63 : memref<640x128xbf16, #tpu.memory_space<vmem_shared>>) target(%dma_start3A_61 : memref<640x128xbf16, #tpu.memory_space<hbm>>) target_semaphore(%run_scoped3A : memref<!tpu.dma_semaphore, #tpu.memory_space<semaphore_mem>>)
        %dma_wait3A = arith.constant 0 : i32
        %dma_wait3A_64 = tpu.memref_slice %arg8[%mul3A_18, %dma_wait3A] : memref<10240x128xbf16, #tpu.memory_space<hbm>> -> memref<640x128xbf16, #tpu.memory_space<hbm>>
        %dma_wait3A_65 = arith.constant 0 : i32
        %dma_wait3A_66 = tpu.memref_slice %arg10[%mul3A_18, %dma_wait3A_65] : memref<10240x128xbf16, #tpu.memory_space<vmem_shared>> -> memref<640x128xbf16, #tpu.memory_space<vmem_shared>>
        tpu.wait_dma2 semaphore(%run_scoped3A : memref<!tpu.dma_semaphore, #tpu.memory_space<semaphore_mem>>) src(%dma_wait3A_66 : memref<640x128xbf16, #tpu.memory_space<vmem_shared>>) dst(%dma_wait3A_64 : memref<640x128xbf16, #tpu.memory_space<hbm>>)
        tpu.yield
      }) : () -> ()
    } else {
    }
    %eq3A_41 = arith.constant 0 : i32
    %eq3A_42 = arith.cmpi eq, %arg0, %eq3A_41 : i32
    %convert_element_type3A_43 = arith.extui %eq3A_42 : i1 to i32
    %cond3A_44 = arith.constant 0 : i32
    %cond3A_45 = arith.cmpi ne, %convert_element_type3A_43, %cond3A_44 : i32
    scf.if %cond3A_45 {
      %scan3A_46 = arith.constant 0 : i32
      %scan3A_47 = arith.constant 0 : i32
      %scan3A_48 = arith.constant 128 : i32
      %scan3A_49 = arith.addi %scan3A_47, %scan3A_48 : i32
      %scan3A_50 = arith.constant 1 : i32
      %scan3A_51 = scf.for %scan3A_89 = %scan3A_47 to %scan3A_49 step %scan3A_50 iter_args(%scan3A_90 = %scan3A_46) -> (i32)  : i32 {
        %mul3A_91 = arith.constant 16 : i32
        %mul3A_92 = arith.muli %scan3A_89, %mul3A_91 : i32
        %add3A_93 = arith.constant 0 : i32
        %add3A_94 = arith.addi %add3A_93, %mul3A_92 : i32
        %get3A = arith.index_cast %add3A_94 : i32 to index
        %get3A_95 = tpu.vector_load %arg16[%get3A] {strides = array<i32>} : memref<10240xf32, #tpu.memory_space<vmem>>, vector<16xf32>,
        %swap3A = arith.index_cast %scan3A_89 : i32 to index
        %swap3A_96 = arith.constant 0 : index
        %swap3A_97 = tpu.vector_load %arg17[%swap3A, %swap3A_96] {strides = array<i32>} : memref<128x16xf32, #tpu.memory_space<vmem>>, vector<16xf32>,
        tpu.vector_store %arg17[%swap3A, %swap3A_96], %get3A_95 {strides = array<i32>} : memref<128x16xf32, #tpu.memory_space<vmem>>, vector<16xf32>,
        %scan3A_98 = arith.constant 0 : i32
        scf.yield %scan3A_98 : i32
      }
      %scan3A_52 = arith.constant 128 : i32
      %run_scoped3A = arith.constant 0 : i32
      "tpu.region"() ({
        %run_scoped3A_89 = tpu.sem_alloc : memref<!tpu.dma_semaphore, #tpu.memory_space<semaphore_mem>>
        %dma_start3A = arith.constant 0 : i32
        %dma_start3A_90 = tpu.memref_slice %arg18[%run_scoped3A, %dma_start3A] : memref<5x128xi32, #tpu.memory_space<vmem>> -> memref<1x128xi32, #tpu.memory_space<vmem>>
        %dma_start3A_91 = tpu.memref_squeeze %dma_start3A_90 : memref<1x128xi32, #tpu.memory_space<vmem>> -> memref<128xi32, #tpu.memory_space<vmem>>
        %dma_start3A_92 = arith.constant 0 : i32
        %dma_start3A_93 = arith.constant 0 : i32
        %dma_start3A_94 = tpu.memref_slice %arg11[%dma_start3A_92, %dma_start3A_93] : memref<640x16xf32, #tpu.memory_space<vmem_shared>> -> memref<640x16xf32, #tpu.memory_space<vmem_shared>>
        tpu.enqueue_indirect_dma source(%arg17 : memref<128x16xf32, #tpu.memory_space<vmem>>) target(%dma_start3A_94 : memref<640x16xf32, #tpu.memory_space<vmem_shared>>) offsets(%dma_start3A_91 : memref<128xi32, #tpu.memory_space<vmem>>) semaphore(%run_scoped3A_89 : memref<!tpu.dma_semaphore, #tpu.memory_space<semaphore_mem>>) {add = true}
        %dma_wait3A = arith.constant 0 : i32
        %dma_wait3A_95 = tpu.memref_slice %arg18[%run_scoped3A, %dma_wait3A] : memref<5x128xi32, #tpu.memory_space<vmem>> -> memref<1x128xi32, #tpu.memory_space<vmem>>
        %dma_wait3A_96 = tpu.memref_squeeze %dma_wait3A_95 : memref<1x128xi32, #tpu.memory_space<vmem>> -> memref<128xi32, #tpu.memory_space<vmem>>
        %dma_wait3A_97 = arith.constant 0 : i32
        %dma_wait3A_98 = arith.constant 0 : i32
        %dma_wait3A_99 = tpu.memref_slice %arg11[%dma_wait3A_97, %dma_wait3A_98] : memref<640x16xf32, #tpu.memory_space<vmem_shared>> -> memref<640x16xf32, #tpu.memory_space<vmem_shared>>
        tpu.wait_indirect_dma semaphore(%run_scoped3A_89 : memref<!tpu.dma_semaphore, #tpu.memory_space<semaphore_mem>>) src(%arg17 : memref<128x16xf32, #tpu.memory_space<vmem>>) dst(%dma_wait3A_99 : memref<640x16xf32, #tpu.memory_space<vmem_shared>>)
        tpu.yield
      }) : () -> ()
      %scan3A_53 = arith.constant 0 : i32
      %scan3A_54 = arith.constant 0 : i32
      %scan3A_55 = arith.constant 128 : i32
      %scan3A_56 = arith.addi %scan3A_54, %scan3A_55 : i32
      %scan3A_57 = arith.constant 1 : i32
      %scan3A_58 = scf.for %scan3A_89 = %scan3A_54 to %scan3A_56 step %scan3A_57 iter_args(%scan3A_90 = %scan3A_53) -> (i32)  : i32 {
        %mul3A_91 = arith.constant 16 : i32
        %mul3A_92 = arith.muli %scan3A_89, %mul3A_91 : i32
        %add3A_93 = arith.constant 2048 : i32
        %add3A_94 = arith.addi %add3A_93, %mul3A_92 : i32
        %get3A = arith.index_cast %add3A_94 : i32 to index
        %get3A_95 = tpu.vector_load %arg16[%get3A] {strides = array<i32>} : memref<10240xf32, #tpu.memory_space<vmem>>, vector<16xf32>,
        %swap3A = arith.index_cast %scan3A_89 : i32 to index
        %swap3A_96 = arith.constant 0 : index
        %swap3A_97 = tpu.vector_load %arg17[%swap3A, %swap3A_96] {strides = array<i32>} : memref<128x16xf32, #tpu.memory_space<vmem>>, vector<16xf32>,
        tpu.vector_store %arg17[%swap3A, %swap3A_96], %get3A_95 {strides = array<i32>} : memref<128x16xf32, #tpu.memory_space<vmem>>, vector<16xf32>,
        %scan3A_98 = arith.constant 0 : i32
        scf.yield %scan3A_98 : i32
      }
      %scan3A_59 = arith.constant 128 : i32
      %run_scoped3A_60 = arith.constant 1 : i32
      "tpu.region"() ({
        %run_scoped3A_89 = tpu.sem_alloc : memref<!tpu.dma_semaphore, #tpu.memory_space<semaphore_mem>>
        %dma_start3A = arith.constant 0 : i32
        %dma_start3A_90 = tpu.memref_slice %arg18[%run_scoped3A_60, %dma_start3A] : memref<5x128xi32, #tpu.memory_space<vmem>> -> memref<1x128xi32, #tpu.memory_space<vmem>>
        %dma_start3A_91 = tpu.memref_squeeze %dma_start3A_90 : memref<1x128xi32, #tpu.memory_space<vmem>> -> memref<128xi32, #tpu.memory_space<vmem>>
        %dma_start3A_92 = arith.constant 0 : i32
        %dma_start3A_93 = arith.constant 0 : i32
        %dma_start3A_94 = tpu.memref_slice %arg11[%dma_start3A_92, %dma_start3A_93] : memref<640x16xf32, #tpu.memory_space<vmem_shared>> -> memref<640x16xf32, #tpu.memory_space<vmem_shared>>
        tpu.enqueue_indirect_dma source(%arg17 : memref<128x16xf32, #tpu.memory_space<vmem>>) target(%dma_start3A_94 : memref<640x16xf32, #tpu.memory_space<vmem_shared>>) offsets(%dma_start3A_91 : memref<128xi32, #tpu.memory_space<vmem>>) semaphore(%run_scoped3A_89 : memref<!tpu.dma_semaphore, #tpu.memory_space<semaphore_mem>>) {add = true}
        %dma_wait3A = arith.constant 0 : i32
        %dma_wait3A_95 = tpu.memref_slice %arg18[%run_scoped3A_60, %dma_wait3A] : memref<5x128xi32, #tpu.memory_space<vmem>> -> memref<1x128xi32, #tpu.memory_space<vmem>>
        %dma_wait3A_96 = tpu.memref_squeeze %dma_wait3A_95 : memref<1x128xi32, #tpu.memory_space<vmem>> -> memref<128xi32, #tpu.memory_space<vmem>>
        %dma_wait3A_97 = arith.constant 0 : i32
        %dma_wait3A_98 = arith.constant 0 : i32
        %dma_wait3A_99 = tpu.memref_slice %arg11[%dma_wait3A_97, %dma_wait3A_98] : memref<640x16xf32, #tpu.memory_space<vmem_shared>> -> memref<640x16xf32, #tpu.memory_space<vmem_shared>>
        tpu.wait_indirect_dma semaphore(%run_scoped3A_89 : memref<!tpu.dma_semaphore, #tpu.memory_space<semaphore_mem>>) src(%arg17 : memref<128x16xf32, #tpu.memory_space<vmem>>) dst(%dma_wait3A_99 : memref<640x16xf32, #tpu.memory_space<vmem_shared>>)
        tpu.yield
      }) : () -> ()
      %scan3A_61 = arith.constant 0 : i32
      %scan3A_62 = arith.constant 0 : i32
      %scan3A_63 = arith.constant 128 : i32
      %scan3A_64 = arith.addi %scan3A_62, %scan3A_63 : i32
      %scan3A_65 = arith.constant 1 : i32
      %scan3A_66 = scf.for %scan3A_89 = %scan3A_62 to %scan3A_64 step %scan3A_65 iter_args(%scan3A_90 = %scan3A_61) -> (i32)  : i32 {
        %mul3A_91 = arith.constant 16 : i32
        %mul3A_92 = arith.muli %scan3A_89, %mul3A_91 : i32
        %add3A_93 = arith.constant 4096 : i32
        %add3A_94 = arith.addi %add3A_93, %mul3A_92 : i32
        %get3A = arith.index_cast %add3A_94 : i32 to index
        %get3A_95 = tpu.vector_load %arg16[%get3A] {strides = array<i32>} : memref<10240xf32, #tpu.memory_space<vmem>>, vector<16xf32>,
        %swap3A = arith.index_cast %scan3A_89 : i32 to index
        %swap3A_96 = arith.constant 0 : index
        %swap3A_97 = tpu.vector_load %arg17[%swap3A, %swap3A_96] {strides = array<i32>} : memref<128x16xf32, #tpu.memory_space<vmem>>, vector<16xf32>,
        tpu.vector_store %arg17[%swap3A, %swap3A_96], %get3A_95 {strides = array<i32>} : memref<128x16xf32, #tpu.memory_space<vmem>>, vector<16xf32>,
        %scan3A_98 = arith.constant 0 : i32
        scf.yield %scan3A_98 : i32
      }
      %scan3A_67 = arith.constant 128 : i32
      %run_scoped3A_68 = arith.constant 2 : i32
      "tpu.region"() ({
        %run_scoped3A_89 = tpu.sem_alloc : memref<!tpu.dma_semaphore, #tpu.memory_space<semaphore_mem>>
        %dma_start3A = arith.constant 0 : i32
        %dma_start3A_90 = tpu.memref_slice %arg18[%run_scoped3A_68, %dma_start3A] : memref<5x128xi32, #tpu.memory_space<vmem>> -> memref<1x128xi32, #tpu.memory_space<vmem>>
        %dma_start3A_91 = tpu.memref_squeeze %dma_start3A_90 : memref<1x128xi32, #tpu.memory_space<vmem>> -> memref<128xi32, #tpu.memory_space<vmem>>
        %dma_start3A_92 = arith.constant 0 : i32
        %dma_start3A_93 = arith.constant 0 : i32
        %dma_start3A_94 = tpu.memref_slice %arg11[%dma_start3A_92, %dma_start3A_93] : memref<640x16xf32, #tpu.memory_space<vmem_shared>> -> memref<640x16xf32, #tpu.memory_space<vmem_shared>>
        tpu.enqueue_indirect_dma source(%arg17 : memref<128x16xf32, #tpu.memory_space<vmem>>) target(%dma_start3A_94 : memref<640x16xf32, #tpu.memory_space<vmem_shared>>) offsets(%dma_start3A_91 : memref<128xi32, #tpu.memory_space<vmem>>) semaphore(%run_scoped3A_89 : memref<!tpu.dma_semaphore, #tpu.memory_space<semaphore_mem>>) {add = true}
        %dma_wait3A = arith.constant 0 : i32
        %dma_wait3A_95 = tpu.memref_slice %arg18[%run_scoped3A_68, %dma_wait3A] : memref<5x128xi32, #tpu.memory_space<vmem>> -> memref<1x128xi32, #tpu.memory_space<vmem>>
        %dma_wait3A_96 = tpu.memref_squeeze %dma_wait3A_95 : memref<1x128xi32, #tpu.memory_space<vmem>> -> memref<128xi32, #tpu.memory_space<vmem>>
        %dma_wait3A_97 = arith.constant 0 : i32
        %dma_wait3A_98 = arith.constant 0 : i32
        %dma_wait3A_99 = tpu.memref_slice %arg11[%dma_wait3A_97, %dma_wait3A_98] : memref<640x16xf32, #tpu.memory_space<vmem_shared>> -> memref<640x16xf32, #tpu.memory_space<vmem_shared>>
        tpu.wait_indirect_dma semaphore(%run_scoped3A_89 : memref<!tpu.dma_semaphore, #tpu.memory_space<semaphore_mem>>) src(%arg17 : memref<128x16xf32, #tpu.memory_space<vmem>>) dst(%dma_wait3A_99 : memref<640x16xf32, #tpu.memory_space<vmem_shared>>)
        tpu.yield
      }) : () -> ()
      %scan3A_69 = arith.constant 0 : i32
      %scan3A_70 = arith.constant 0 : i32
      %scan3A_71 = arith.constant 128 : i32
      %scan3A_72 = arith.addi %scan3A_70, %scan3A_71 : i32
      %scan3A_73 = arith.constant 1 : i32
      %scan3A_74 = scf.for %scan3A_89 = %scan3A_70 to %scan3A_72 step %scan3A_73 iter_args(%scan3A_90 = %scan3A_69) -> (i32)  : i32 {
        %mul3A_91 = arith.constant 16 : i32
        %mul3A_92 = arith.muli %scan3A_89, %mul3A_91 : i32
        %add3A_93 = arith.constant 6144 : i32
        %add3A_94 = arith.addi %add3A_93, %mul3A_92 : i32
        %get3A = arith.index_cast %add3A_94 : i32 to index
        %get3A_95 = tpu.vector_load %arg16[%get3A] {strides = array<i32>} : memref<10240xf32, #tpu.memory_space<vmem>>, vector<16xf32>,
        %swap3A = arith.index_cast %scan3A_89 : i32 to index
        %swap3A_96 = arith.constant 0 : index
        %swap3A_97 = tpu.vector_load %arg17[%swap3A, %swap3A_96] {strides = array<i32>} : memref<128x16xf32, #tpu.memory_space<vmem>>, vector<16xf32>,
        tpu.vector_store %arg17[%swap3A, %swap3A_96], %get3A_95 {strides = array<i32>} : memref<128x16xf32, #tpu.memory_space<vmem>>, vector<16xf32>,
        %scan3A_98 = arith.constant 0 : i32
        scf.yield %scan3A_98 : i32
      }
      %scan3A_75 = arith.constant 128 : i32
      %run_scoped3A_76 = arith.constant 3 : i32
      "tpu.region"() ({
        %run_scoped3A_89 = tpu.sem_alloc : memref<!tpu.dma_semaphore, #tpu.memory_space<semaphore_mem>>
        %dma_start3A = arith.constant 0 : i32
        %dma_start3A_90 = tpu.memref_slice %arg18[%run_scoped3A_76, %dma_start3A] : memref<5x128xi32, #tpu.memory_space<vmem>> -> memref<1x128xi32, #tpu.memory_space<vmem>>
        %dma_start3A_91 = tpu.memref_squeeze %dma_start3A_90 : memref<1x128xi32, #tpu.memory_space<vmem>> -> memref<128xi32, #tpu.memory_space<vmem>>
        %dma_start3A_92 = arith.constant 0 : i32
        %dma_start3A_93 = arith.constant 0 : i32
        %dma_start3A_94 = tpu.memref_slice %arg11[%dma_start3A_92, %dma_start3A_93] : memref<640x16xf32, #tpu.memory_space<vmem_shared>> -> memref<640x16xf32, #tpu.memory_space<vmem_shared>>
        tpu.enqueue_indirect_dma source(%arg17 : memref<128x16xf32, #tpu.memory_space<vmem>>) target(%dma_start3A_94 : memref<640x16xf32, #tpu.memory_space<vmem_shared>>) offsets(%dma_start3A_91 : memref<128xi32, #tpu.memory_space<vmem>>) semaphore(%run_scoped3A_89 : memref<!tpu.dma_semaphore, #tpu.memory_space<semaphore_mem>>) {add = true}
        %dma_wait3A = arith.constant 0 : i32
        %dma_wait3A_95 = tpu.memref_slice %arg18[%run_scoped3A_76, %dma_wait3A] : memref<5x128xi32, #tpu.memory_space<vmem>> -> memref<1x128xi32, #tpu.memory_space<vmem>>
        %dma_wait3A_96 = tpu.memref_squeeze %dma_wait3A_95 : memref<1x128xi32, #tpu.memory_space<vmem>> -> memref<128xi32, #tpu.memory_space<vmem>>
        %dma_wait3A_97 = arith.constant 0 : i32
        %dma_wait3A_98 = arith.constant 0 : i32
        %dma_wait3A_99 = tpu.memref_slice %arg11[%dma_wait3A_97, %dma_wait3A_98] : memref<640x16xf32, #tpu.memory_space<vmem_shared>> -> memref<640x16xf32, #tpu.memory_space<vmem_shared>>
        tpu.wait_indirect_dma semaphore(%run_scoped3A_89 : memref<!tpu.dma_semaphore, #tpu.memory_space<semaphore_mem>>) src(%arg17 : memref<128x16xf32, #tpu.memory_space<vmem>>) dst(%dma_wait3A_99 : memref<640x16xf32, #tpu.memory_space<vmem_shared>>)
        tpu.yield
      }) : () -> ()
      %scan3A_77 = arith.constant 0 : i32
      %scan3A_78 = arith.constant 0 : i32
      %scan3A_79 = arith.constant 128 : i32
      %scan3A_80 = arith.addi %scan3A_78, %scan3A_79 : i32
      %scan3A_81 = arith.constant 1 : i32
      %scan3A_82 = scf.for %scan3A_89 = %scan3A_78 to %scan3A_80 step %scan3A_81 iter_args(%scan3A_90 = %scan3A_77) -> (i32)  : i32 {
        %mul3A_91 = arith.constant 16 : i32
        %mul3A_92 = arith.muli %scan3A_89, %mul3A_91 : i32
        %add3A_93 = arith.constant 8192 : i32
        %add3A_94 = arith.addi %add3A_93, %mul3A_92 : i32
        %get3A = arith.index_cast %add3A_94 : i32 to index
        %get3A_95 = tpu.vector_load %arg16[%get3A] {strides = array<i32>} : memref<10240xf32, #tpu.memory_space<vmem>>, vector<16xf32>,
        %swap3A = arith.index_cast %scan3A_89 : i32 to index
        %swap3A_96 = arith.constant 0 : index
        %swap3A_97 = tpu.vector_load %arg17[%swap3A, %swap3A_96] {strides = array<i32>} : memref<128x16xf32, #tpu.memory_space<vmem>>, vector<16xf32>,
        tpu.vector_store %arg17[%swap3A, %swap3A_96], %get3A_95 {strides = array<i32>} : memref<128x16xf32, #tpu.memory_space<vmem>>, vector<16xf32>,
        %scan3A_98 = arith.constant 0 : i32
        scf.yield %scan3A_98 : i32
      }
      %scan3A_83 = arith.constant 128 : i32
      %run_scoped3A_84 = arith.constant 4 : i32
      "tpu.region"() ({
        %run_scoped3A_89 = tpu.sem_alloc : memref<!tpu.dma_semaphore, #tpu.memory_space<semaphore_mem>>
        %dma_start3A = arith.constant 0 : i32
        %dma_start3A_90 = tpu.memref_slice %arg18[%run_scoped3A_84, %dma_start3A] : memref<5x128xi32, #tpu.memory_space<vmem>> -> memref<1x128xi32, #tpu.memory_space<vmem>>
        %dma_start3A_91 = tpu.memref_squeeze %dma_start3A_90 : memref<1x128xi32, #tpu.memory_space<vmem>> -> memref<128xi32, #tpu.memory_space<vmem>>
        %dma_start3A_92 = arith.constant 0 : i32
        %dma_start3A_93 = arith.constant 0 : i32
        %dma_start3A_94 = tpu.memref_slice %arg11[%dma_start3A_92, %dma_start3A_93] : memref<640x16xf32, #tpu.memory_space<vmem_shared>> -> memref<640x16xf32, #tpu.memory_space<vmem_shared>>
        tpu.enqueue_indirect_dma source(%arg17 : memref<128x16xf32, #tpu.memory_space<vmem>>) target(%dma_start3A_94 : memref<640x16xf32, #tpu.memory_space<vmem_shared>>) offsets(%dma_start3A_91 : memref<128xi32, #tpu.memory_space<vmem>>) semaphore(%run_scoped3A_89 : memref<!tpu.dma_semaphore, #tpu.memory_space<semaphore_mem>>) {add = true}
        %dma_wait3A = arith.constant 0 : i32
        %dma_wait3A_95 = tpu.memref_slice %arg18[%run_scoped3A_84, %dma_wait3A] : memref<5x128xi32, #tpu.memory_space<vmem>> -> memref<1x128xi32, #tpu.memory_space<vmem>>
        %dma_wait3A_96 = tpu.memref_squeeze %dma_wait3A_95 : memref<1x128xi32, #tpu.memory_space<vmem>> -> memref<128xi32, #tpu.memory_space<vmem>>
        %dma_wait3A_97 = arith.constant 0 : i32
        %dma_wait3A_98 = arith.constant 0 : i32
        %dma_wait3A_99 = tpu.memref_slice %arg11[%dma_wait3A_97, %dma_wait3A_98] : memref<640x16xf32, #tpu.memory_space<vmem_shared>> -> memref<640x16xf32, #tpu.memory_space<vmem_shared>>
        tpu.wait_indirect_dma semaphore(%run_scoped3A_89 : memref<!tpu.dma_semaphore, #tpu.memory_space<semaphore_mem>>) src(%arg17 : memref<128x16xf32, #tpu.memory_space<vmem>>) dst(%dma_wait3A_99 : memref<640x16xf32, #tpu.memory_space<vmem_shared>>)
        tpu.yield
      }) : () -> ()
      %barrier3A = arith.constant 0 : index
      tpu.barrier barrier_id(%barrier3A)
      %mul3A_85 = arith.constant 40 : i32
      %mul3A_86 = arith.muli %arg1, %mul3A_85 : i32
      %mul3A_87 = arith.constant 40 : i32
      %mul3A_88 = arith.muli %arg1, %mul3A_87 : i32
      "tpu.region"() ({
        %run_scoped3A_89 = tpu.sem_alloc : memref<!tpu.dma_semaphore, #tpu.memory_space<semaphore_mem>>
        %dma_start3A = arith.constant 0 : i32
        %dma_start3A_90 = tpu.memref_slice %arg9[%mul3A_88, %dma_start3A] : memref<640x16xf32, #tpu.memory_space<hbm>> -> memref<40x16xf32, #tpu.memory_space<hbm>>
        %dma_start3A_91 = arith.constant 0 : i32
        %dma_start3A_92 = tpu.memref_slice %arg11[%mul3A_86, %dma_start3A_91] : memref<640x16xf32, #tpu.memory_space<vmem_shared>> -> memref<40x16xf32, #tpu.memory_space<vmem_shared>>
        tpu.enqueue_dma source(%dma_start3A_92 : memref<40x16xf32, #tpu.memory_space<vmem_shared>>) target(%dma_start3A_90 : memref<40x16xf32, #tpu.memory_space<hbm>>) target_semaphore(%run_scoped3A_89 : memref<!tpu.dma_semaphore, #tpu.memory_space<semaphore_mem>>)
        %dma_wait3A = arith.constant 0 : i32
        %dma_wait3A_93 = tpu.memref_slice %arg9[%mul3A_88, %dma_wait3A] : memref<640x16xf32, #tpu.memory_space<hbm>> -> memref<40x16xf32, #tpu.memory_space<hbm>>
        %dma_wait3A_94 = arith.constant 0 : i32
        %dma_wait3A_95 = tpu.memref_slice %arg11[%mul3A_86, %dma_wait3A_94] : memref<640x16xf32, #tpu.memory_space<vmem_shared>> -> memref<40x16xf32, #tpu.memory_space<vmem_shared>>
        tpu.wait_dma2 semaphore(%run_scoped3A_89 : memref<!tpu.dma_semaphore, #tpu.memory_space<semaphore_mem>>) src(%dma_wait3A_95 : memref<40x16xf32, #tpu.memory_space<vmem_shared>>) dst(%dma_wait3A_93 : memref<40x16xf32, #tpu.memory_space<hbm>>)
        tpu.yield
      }) : () -> ()
    } else {
    }
    return
  }
}

#map = affine_map<(d0, d1) -> (0)>
#map1 = affine_map<(d0, d1) -> (0, 0, 0)>
#map2 = affine_map<(d0, d1) -> (0, 0)>
module attributes {stable_mosaic.version = 14 : i64} {
  func.func @_seg2_body(%arg0: i32, %arg1: i32, %arg2: memref<20480xf32, #tpu.memory_space<hbm>>, %arg3: memref<16x80x128xi32, #tpu.memory_space<hbm>>, %arg4: memref<16x80x128xi32, #tpu.memory_space<hbm>>, %arg5: memref<10240xf32, #tpu.memory_space<hbm>>, %arg6: memref<5x128xi32, #tpu.memory_space<hbm>>, %arg7: memref<10240xf32, #tpu.memory_space<hbm>>, %arg8: memref<640x16xf32, #tpu.memory_space<vmem_shared>>, %arg9: memref<20480xf32, #tpu.memory_space<vmem>>, %arg10: memref<80x128xi32, #tpu.memory_space<vmem>>, %arg11: memref<80x128xi32, #tpu.memory_space<vmem>>, %arg12: memref<10240xf32, #tpu.memory_space<vmem>>, %arg13: memref<10240xf32, #tpu.memory_space<vmem>>, %arg14: memref<128x16xf32, #tpu.memory_space<vmem>>, %arg15: memref<40x16xf32, #tpu.memory_space<vmem>>, %arg16: memref<640xf32, #tpu.memory_space<vmem>>, %arg17: memref<5x128xi32, #tpu.memory_space<vmem>>) attributes {dimension_semantics = [#tpu.dimension_semantics<core_parallel>, #tpu.dimension_semantics<subcore_parallel>], iteration_bounds = array<i64: 2, 16>, scalar_prefetch = 0 : i64, scratch_operands = 10 : i64, tpu.core_type = #tpu.core_type<sc_vector_subcore>, window_params = [{transform_indices = #map}, {transform_indices = #map1}, {transform_indices = #map1}, {transform_indices = #map}, {transform_indices = #map2}, {transform_indices = #map}]} {
    "tpu.region"() ({
      %run_scoped3A_68 = tpu.sem_alloc : memref<!tpu.dma_semaphore, #tpu.memory_space<semaphore_mem>>
      tpu.enqueue_dma source(%arg2 : memref<20480xf32, #tpu.memory_space<hbm>>) target(%arg9 : memref<20480xf32, #tpu.memory_space<vmem>>) target_semaphore(%run_scoped3A_68 : memref<!tpu.dma_semaphore, #tpu.memory_space<semaphore_mem>>)
      tpu.wait_dma2 semaphore(%run_scoped3A_68 : memref<!tpu.dma_semaphore, #tpu.memory_space<semaphore_mem>>) src(%arg2 : memref<20480xf32, #tpu.memory_space<hbm>>) dst(%arg9 : memref<20480xf32, #tpu.memory_space<vmem>>)
      tpu.yield
    }) : () -> ()
    "tpu.region"() ({
      %run_scoped3A_68 = tpu.sem_alloc : memref<!tpu.dma_semaphore, #tpu.memory_space<semaphore_mem>>
      %dma_start3A = arith.constant 0 : i32
      %dma_start3A_69 = arith.constant 0 : i32
      %dma_start3A_70 = tpu.memref_slice %arg3[%arg1, %dma_start3A, %dma_start3A_69] : memref<16x80x128xi32, #tpu.memory_space<hbm>> -> memref<1x80x128xi32, #tpu.memory_space<hbm>>
      %dma_start3A_71 = tpu.memref_squeeze %dma_start3A_70 : memref<1x80x128xi32, #tpu.memory_space<hbm>> -> memref<80x128xi32, #tpu.memory_space<hbm>>
      %dma_start3A_72 = arith.constant 0 : i32
      %dma_start3A_73 = arith.constant 0 : i32
      %dma_start3A_74 = tpu.memref_slice %arg3[%arg1, %dma_start3A_72, %dma_start3A_73] : memref<16x80x128xi32, #tpu.memory_space<hbm>> -> memref<1x80x128xi32, #tpu.memory_space<hbm>>
      %dma_start3A_75 = tpu.memref_squeeze %dma_start3A_74 : memref<1x80x128xi32, #tpu.memory_space<hbm>> -> memref<80x128xi32, #tpu.memory_space<hbm>>
      tpu.enqueue_dma source(%dma_start3A_75 : memref<80x128xi32, #tpu.memory_space<hbm>>) target(%arg10 : memref<80x128xi32, #tpu.memory_space<vmem>>) target_semaphore(%run_scoped3A_68 : memref<!tpu.dma_semaphore, #tpu.memory_space<semaphore_mem>>)
      %dma_wait3A = arith.constant 0 : i32
      %dma_wait3A_76 = arith.constant 0 : i32
      %dma_wait3A_77 = tpu.memref_slice %arg3[%arg1, %dma_wait3A, %dma_wait3A_76] : memref<16x80x128xi32, #tpu.memory_space<hbm>> -> memref<1x80x128xi32, #tpu.memory_space<hbm>>
      %dma_wait3A_78 = tpu.memref_squeeze %dma_wait3A_77 : memref<1x80x128xi32, #tpu.memory_space<hbm>> -> memref<80x128xi32, #tpu.memory_space<hbm>>
      %dma_wait3A_79 = arith.constant 0 : i32
      %dma_wait3A_80 = arith.constant 0 : i32
      %dma_wait3A_81 = tpu.memref_slice %arg3[%arg1, %dma_wait3A_79, %dma_wait3A_80] : memref<16x80x128xi32, #tpu.memory_space<hbm>> -> memref<1x80x128xi32, #tpu.memory_space<hbm>>
      %dma_wait3A_82 = tpu.memref_squeeze %dma_wait3A_81 : memref<1x80x128xi32, #tpu.memory_space<hbm>> -> memref<80x128xi32, #tpu.memory_space<hbm>>
      tpu.wait_dma2 semaphore(%run_scoped3A_68 : memref<!tpu.dma_semaphore, #tpu.memory_space<semaphore_mem>>) src(%dma_wait3A_82 : memref<80x128xi32, #tpu.memory_space<hbm>>) dst(%arg10 : memref<80x128xi32, #tpu.memory_space<vmem>>)
      tpu.yield
    }) : () -> ()
    "tpu.region"() ({
      %run_scoped3A_68 = tpu.sem_alloc : memref<!tpu.dma_semaphore, #tpu.memory_space<semaphore_mem>>
      %dma_start3A = arith.constant 0 : i32
      %dma_start3A_69 = arith.constant 0 : i32
      %dma_start3A_70 = tpu.memref_slice %arg4[%arg1, %dma_start3A, %dma_start3A_69] : memref<16x80x128xi32, #tpu.memory_space<hbm>> -> memref<1x80x128xi32, #tpu.memory_space<hbm>>
      %dma_start3A_71 = tpu.memref_squeeze %dma_start3A_70 : memref<1x80x128xi32, #tpu.memory_space<hbm>> -> memref<80x128xi32, #tpu.memory_space<hbm>>
      %dma_start3A_72 = arith.constant 0 : i32
      %dma_start3A_73 = arith.constant 0 : i32
      %dma_start3A_74 = tpu.memref_slice %arg4[%arg1, %dma_start3A_72, %dma_start3A_73] : memref<16x80x128xi32, #tpu.memory_space<hbm>> -> memref<1x80x128xi32, #tpu.memory_space<hbm>>
      %dma_start3A_75 = tpu.memref_squeeze %dma_start3A_74 : memref<1x80x128xi32, #tpu.memory_space<hbm>> -> memref<80x128xi32, #tpu.memory_space<hbm>>
      tpu.enqueue_dma source(%dma_start3A_75 : memref<80x128xi32, #tpu.memory_space<hbm>>) target(%arg11 : memref<80x128xi32, #tpu.memory_space<vmem>>) target_semaphore(%run_scoped3A_68 : memref<!tpu.dma_semaphore, #tpu.memory_space<semaphore_mem>>)
      %dma_wait3A = arith.constant 0 : i32
      %dma_wait3A_76 = arith.constant 0 : i32
      %dma_wait3A_77 = tpu.memref_slice %arg4[%arg1, %dma_wait3A, %dma_wait3A_76] : memref<16x80x128xi32, #tpu.memory_space<hbm>> -> memref<1x80x128xi32, #tpu.memory_space<hbm>>
      %dma_wait3A_78 = tpu.memref_squeeze %dma_wait3A_77 : memref<1x80x128xi32, #tpu.memory_space<hbm>> -> memref<80x128xi32, #tpu.memory_space<hbm>>
      %dma_wait3A_79 = arith.constant 0 : i32
      %dma_wait3A_80 = arith.constant 0 : i32
      %dma_wait3A_81 = tpu.memref_slice %arg4[%arg1, %dma_wait3A_79, %dma_wait3A_80] : memref<16x80x128xi32, #tpu.memory_space<hbm>> -> memref<1x80x128xi32, #tpu.memory_space<hbm>>
      %dma_wait3A_82 = tpu.memref_squeeze %dma_wait3A_81 : memref<1x80x128xi32, #tpu.memory_space<hbm>> -> memref<80x128xi32, #tpu.memory_space<hbm>>
      tpu.wait_dma2 semaphore(%run_scoped3A_68 : memref<!tpu.dma_semaphore, #tpu.memory_space<semaphore_mem>>) src(%dma_wait3A_82 : memref<80x128xi32, #tpu.memory_space<hbm>>) dst(%arg11 : memref<80x128xi32, #tpu.memory_space<vmem>>)
      tpu.yield
    }) : () -> ()
    "tpu.region"() ({
      %run_scoped3A_68 = tpu.sem_alloc : memref<!tpu.dma_semaphore, #tpu.memory_space<semaphore_mem>>
      tpu.enqueue_dma source(%arg5 : memref<10240xf32, #tpu.memory_space<hbm>>) target(%arg12 : memref<10240xf32, #tpu.memory_space<vmem>>) target_semaphore(%run_scoped3A_68 : memref<!tpu.dma_semaphore, #tpu.memory_space<semaphore_mem>>)
      tpu.wait_dma2 semaphore(%run_scoped3A_68 : memref<!tpu.dma_semaphore, #tpu.memory_space<semaphore_mem>>) src(%arg5 : memref<10240xf32, #tpu.memory_space<hbm>>) dst(%arg12 : memref<10240xf32, #tpu.memory_space<vmem>>)
      tpu.yield
    }) : () -> ()
    "tpu.region"() ({
      %run_scoped3A_68 = tpu.sem_alloc : memref<!tpu.dma_semaphore, #tpu.memory_space<semaphore_mem>>
      tpu.enqueue_dma source(%arg6 : memref<5x128xi32, #tpu.memory_space<hbm>>) target(%arg17 : memref<5x128xi32, #tpu.memory_space<vmem>>) target_semaphore(%run_scoped3A_68 : memref<!tpu.dma_semaphore, #tpu.memory_space<semaphore_mem>>)
      tpu.wait_dma2 semaphore(%run_scoped3A_68 : memref<!tpu.dma_semaphore, #tpu.memory_space<semaphore_mem>>) src(%arg6 : memref<5x128xi32, #tpu.memory_space<hbm>>) dst(%arg17 : memref<5x128xi32, #tpu.memory_space<vmem>>)
      tpu.yield
    }) : () -> ()
    %broadcast_in_dim3A = arith.constant 0.000000e+00 : f32
    %broadcast_in_dim3A_0 = vector.broadcast %broadcast_in_dim3A : f32 to vector<16xf32>
    %scan3A = arith.constant 0 : i32
    %scan3A_1 = arith.constant 0 : i32
    %scan3A_2 = arith.constant 640 : i32
    %scan3A_3 = arith.addi %scan3A_1, %scan3A_2 : i32
    %scan3A_4 = arith.constant 1 : i32
    %scan3A_5 = scf.for %scan3A_68 = %scan3A_1 to %scan3A_3 step %scan3A_4 iter_args(%scan3A_69 = %scan3A) -> (i32)  : i32 {
      %mul3A = arith.constant 16 : i32
      %mul3A_70 = arith.muli %scan3A_68, %mul3A : i32
      %swap3A = arith.index_cast %mul3A_70 : i32 to index
      %swap3A_71 = tpu.vector_load %arg13[%swap3A] {strides = array<i32>} : memref<10240xf32, #tpu.memory_space<vmem>>, vector<16xf32>,
      tpu.vector_store %arg13[%swap3A], %broadcast_in_dim3A_0 {strides = array<i32>} : memref<10240xf32, #tpu.memory_space<vmem>>, vector<16xf32>,
      %scan3A_72 = arith.constant 0 : i32
      scf.yield %scan3A_72 : i32
    }
    %scan3A_6 = arith.constant 640 : i32
    %scan3A_7 = arith.constant 0 : i32
    %scan3A_8 = arith.constant 0 : i32
    %scan3A_9 = arith.constant 128 : i32
    %scan3A_10 = arith.addi %scan3A_8, %scan3A_9 : i32
    %scan3A_11 = arith.constant 1 : i32
    %scan3A_12 = scf.for %scan3A_68 = %scan3A_8 to %scan3A_10 step %scan3A_11 iter_args(%scan3A_69 = %scan3A_7) -> (i32)  : i32 {
      %swap3A = arith.index_cast %scan3A_68 : i32 to index
      %swap3A_70 = arith.constant 0 : index
      %swap3A_71 = tpu.vector_load %arg14[%swap3A, %swap3A_70] {strides = array<i32>} : memref<128x16xf32, #tpu.memory_space<vmem>>, vector<16xf32>,
      tpu.vector_store %arg14[%swap3A, %swap3A_70], %broadcast_in_dim3A_0 {strides = array<i32>} : memref<128x16xf32, #tpu.memory_space<vmem>>, vector<16xf32>,
      %scan3A_72 = arith.constant 0 : i32
      scf.yield %scan3A_72 : i32
    }
    %scan3A_13 = arith.constant 128 : i32
    %eq3A = arith.constant 0 : i32
    %eq3A_14 = arith.cmpi eq, %arg1, %eq3A : i32
    %convert_element_type3A = arith.extui %eq3A_14 : i1 to i32
    %cond3A = arith.constant 0 : i32
    %cond3A_15 = arith.cmpi ne, %convert_element_type3A, %cond3A : i32
    scf.if %cond3A_15 {
      "tpu.region"() ({
        %run_scoped3A_68 = tpu.sem_alloc : memref<!tpu.dma_semaphore, #tpu.memory_space<semaphore_mem>>
        %dma_start3A = arith.constant 0 : i32
        %dma_start3A_69 = arith.constant 0 : i32
        %dma_start3A_70 = tpu.memref_slice %arg8[%dma_start3A, %dma_start3A_69] : memref<640x16xf32, #tpu.memory_space<vmem_shared>> -> memref<128x16xf32, #tpu.memory_space<vmem_shared>>
        %dma_start3A_71 = arith.constant 0 : i32
        %dma_start3A_72 = arith.constant 0 : i32
        %dma_start3A_73 = tpu.memref_slice %arg8[%dma_start3A_71, %dma_start3A_72] : memref<640x16xf32, #tpu.memory_space<vmem_shared>> -> memref<128x16xf32, #tpu.memory_space<vmem_shared>>
        tpu.enqueue_dma source(%arg14 : memref<128x16xf32, #tpu.memory_space<vmem>>) target(%dma_start3A_73 : memref<128x16xf32, #tpu.memory_space<vmem_shared>>) target_semaphore(%run_scoped3A_68 : memref<!tpu.dma_semaphore, #tpu.memory_space<semaphore_mem>>)
        %dma_wait3A = arith.constant 0 : i32
        %dma_wait3A_74 = arith.constant 0 : i32
        %dma_wait3A_75 = tpu.memref_slice %arg8[%dma_wait3A, %dma_wait3A_74] : memref<640x16xf32, #tpu.memory_space<vmem_shared>> -> memref<128x16xf32, #tpu.memory_space<vmem_shared>>
        %dma_wait3A_76 = arith.constant 0 : i32
        %dma_wait3A_77 = arith.constant 0 : i32
        %dma_wait3A_78 = tpu.memref_slice %arg8[%dma_wait3A_76, %dma_wait3A_77] : memref<640x16xf32, #tpu.memory_space<vmem_shared>> -> memref<128x16xf32, #tpu.memory_space<vmem_shared>>
        tpu.wait_dma2 semaphore(%run_scoped3A_68 : memref<!tpu.dma_semaphore, #tpu.memory_space<semaphore_mem>>) src(%arg14 : memref<128x16xf32, #tpu.memory_space<vmem>>) dst(%dma_wait3A_78 : memref<128x16xf32, #tpu.memory_space<vmem_shared>>)
        tpu.yield
      }) : () -> ()
      "tpu.region"() ({
        %run_scoped3A_68 = tpu.sem_alloc : memref<!tpu.dma_semaphore, #tpu.memory_space<semaphore_mem>>
        %dma_start3A = arith.constant 128 : i32
        %dma_start3A_69 = arith.constant 0 : i32
        %dma_start3A_70 = tpu.memref_slice %arg8[%dma_start3A, %dma_start3A_69] : memref<640x16xf32, #tpu.memory_space<vmem_shared>> -> memref<128x16xf32, #tpu.memory_space<vmem_shared>>
        %dma_start3A_71 = arith.constant 128 : i32
        %dma_start3A_72 = arith.constant 0 : i32
        %dma_start3A_73 = tpu.memref_slice %arg8[%dma_start3A_71, %dma_start3A_72] : memref<640x16xf32, #tpu.memory_space<vmem_shared>> -> memref<128x16xf32, #tpu.memory_space<vmem_shared>>
        tpu.enqueue_dma source(%arg14 : memref<128x16xf32, #tpu.memory_space<vmem>>) target(%dma_start3A_73 : memref<128x16xf32, #tpu.memory_space<vmem_shared>>) target_semaphore(%run_scoped3A_68 : memref<!tpu.dma_semaphore, #tpu.memory_space<semaphore_mem>>)
        %dma_wait3A = arith.constant 128 : i32
        %dma_wait3A_74 = arith.constant 0 : i32
        %dma_wait3A_75 = tpu.memref_slice %arg8[%dma_wait3A, %dma_wait3A_74] : memref<640x16xf32, #tpu.memory_space<vmem_shared>> -> memref<128x16xf32, #tpu.memory_space<vmem_shared>>
        %dma_wait3A_76 = arith.constant 128 : i32
        %dma_wait3A_77 = arith.constant 0 : i32
        %dma_wait3A_78 = tpu.memref_slice %arg8[%dma_wait3A_76, %dma_wait3A_77] : memref<640x16xf32, #tpu.memory_space<vmem_shared>> -> memref<128x16xf32, #tpu.memory_space<vmem_shared>>
        tpu.wait_dma2 semaphore(%run_scoped3A_68 : memref<!tpu.dma_semaphore, #tpu.memory_space<semaphore_mem>>) src(%arg14 : memref<128x16xf32, #tpu.memory_space<vmem>>) dst(%dma_wait3A_78 : memref<128x16xf32, #tpu.memory_space<vmem_shared>>)
        tpu.yield
      }) : () -> ()
      "tpu.region"() ({
        %run_scoped3A_68 = tpu.sem_alloc : memref<!tpu.dma_semaphore, #tpu.memory_space<semaphore_mem>>
        %dma_start3A = arith.constant 256 : i32
        %dma_start3A_69 = arith.constant 0 : i32
        %dma_start3A_70 = tpu.memref_slice %arg8[%dma_start3A, %dma_start3A_69] : memref<640x16xf32, #tpu.memory_space<vmem_shared>> -> memref<128x16xf32, #tpu.memory_space<vmem_shared>>
        %dma_start3A_71 = arith.constant 256 : i32
        %dma_start3A_72 = arith.constant 0 : i32
        %dma_start3A_73 = tpu.memref_slice %arg8[%dma_start3A_71, %dma_start3A_72] : memref<640x16xf32, #tpu.memory_space<vmem_shared>> -> memref<128x16xf32, #tpu.memory_space<vmem_shared>>
        tpu.enqueue_dma source(%arg14 : memref<128x16xf32, #tpu.memory_space<vmem>>) target(%dma_start3A_73 : memref<128x16xf32, #tpu.memory_space<vmem_shared>>) target_semaphore(%run_scoped3A_68 : memref<!tpu.dma_semaphore, #tpu.memory_space<semaphore_mem>>)
        %dma_wait3A = arith.constant 256 : i32
        %dma_wait3A_74 = arith.constant 0 : i32
        %dma_wait3A_75 = tpu.memref_slice %arg8[%dma_wait3A, %dma_wait3A_74] : memref<640x16xf32, #tpu.memory_space<vmem_shared>> -> memref<128x16xf32, #tpu.memory_space<vmem_shared>>
        %dma_wait3A_76 = arith.constant 256 : i32
        %dma_wait3A_77 = arith.constant 0 : i32
        %dma_wait3A_78 = tpu.memref_slice %arg8[%dma_wait3A_76, %dma_wait3A_77] : memref<640x16xf32, #tpu.memory_space<vmem_shared>> -> memref<128x16xf32, #tpu.memory_space<vmem_shared>>
        tpu.wait_dma2 semaphore(%run_scoped3A_68 : memref<!tpu.dma_semaphore, #tpu.memory_space<semaphore_mem>>) src(%arg14 : memref<128x16xf32, #tpu.memory_space<vmem>>) dst(%dma_wait3A_78 : memref<128x16xf32, #tpu.memory_space<vmem_shared>>)
        tpu.yield
      }) : () -> ()
      "tpu.region"() ({
        %run_scoped3A_68 = tpu.sem_alloc : memref<!tpu.dma_semaphore, #tpu.memory_space<semaphore_mem>>
        %dma_start3A = arith.constant 384 : i32
        %dma_start3A_69 = arith.constant 0 : i32
        %dma_start3A_70 = tpu.memref_slice %arg8[%dma_start3A, %dma_start3A_69] : memref<640x16xf32, #tpu.memory_space<vmem_shared>> -> memref<128x16xf32, #tpu.memory_space<vmem_shared>>
        %dma_start3A_71 = arith.constant 384 : i32
        %dma_start3A_72 = arith.constant 0 : i32
        %dma_start3A_73 = tpu.memref_slice %arg8[%dma_start3A_71, %dma_start3A_72] : memref<640x16xf32, #tpu.memory_space<vmem_shared>> -> memref<128x16xf32, #tpu.memory_space<vmem_shared>>
        tpu.enqueue_dma source(%arg14 : memref<128x16xf32, #tpu.memory_space<vmem>>) target(%dma_start3A_73 : memref<128x16xf32, #tpu.memory_space<vmem_shared>>) target_semaphore(%run_scoped3A_68 : memref<!tpu.dma_semaphore, #tpu.memory_space<semaphore_mem>>)
        %dma_wait3A = arith.constant 384 : i32
        %dma_wait3A_74 = arith.constant 0 : i32
        %dma_wait3A_75 = tpu.memref_slice %arg8[%dma_wait3A, %dma_wait3A_74] : memref<640x16xf32, #tpu.memory_space<vmem_shared>> -> memref<128x16xf32, #tpu.memory_space<vmem_shared>>
        %dma_wait3A_76 = arith.constant 384 : i32
        %dma_wait3A_77 = arith.constant 0 : i32
        %dma_wait3A_78 = tpu.memref_slice %arg8[%dma_wait3A_76, %dma_wait3A_77] : memref<640x16xf32, #tpu.memory_space<vmem_shared>> -> memref<128x16xf32, #tpu.memory_space<vmem_shared>>
        tpu.wait_dma2 semaphore(%run_scoped3A_68 : memref<!tpu.dma_semaphore, #tpu.memory_space<semaphore_mem>>) src(%arg14 : memref<128x16xf32, #tpu.memory_space<vmem>>) dst(%dma_wait3A_78 : memref<128x16xf32, #tpu.memory_space<vmem_shared>>)
        tpu.yield
      }) : () -> ()
      "tpu.region"() ({
        %run_scoped3A_68 = tpu.sem_alloc : memref<!tpu.dma_semaphore, #tpu.memory_space<semaphore_mem>>
        %dma_start3A = arith.constant 512 : i32
        %dma_start3A_69 = arith.constant 0 : i32
        %dma_start3A_70 = tpu.memref_slice %arg8[%dma_start3A, %dma_start3A_69] : memref<640x16xf32, #tpu.memory_space<vmem_shared>> -> memref<128x16xf32, #tpu.memory_space<vmem_shared>>
        %dma_start3A_71 = arith.constant 512 : i32
        %dma_start3A_72 = arith.constant 0 : i32
        %dma_start3A_73 = tpu.memref_slice %arg8[%dma_start3A_71, %dma_start3A_72] : memref<640x16xf32, #tpu.memory_space<vmem_shared>> -> memref<128x16xf32, #tpu.memory_space<vmem_shared>>
        tpu.enqueue_dma source(%arg14 : memref<128x16xf32, #tpu.memory_space<vmem>>) target(%dma_start3A_73 : memref<128x16xf32, #tpu.memory_space<vmem_shared>>) target_semaphore(%run_scoped3A_68 : memref<!tpu.dma_semaphore, #tpu.memory_space<semaphore_mem>>)
        %dma_wait3A = arith.constant 512 : i32
        %dma_wait3A_74 = arith.constant 0 : i32
        %dma_wait3A_75 = tpu.memref_slice %arg8[%dma_wait3A, %dma_wait3A_74] : memref<640x16xf32, #tpu.memory_space<vmem_shared>> -> memref<128x16xf32, #tpu.memory_space<vmem_shared>>
        %dma_wait3A_76 = arith.constant 512 : i32
        %dma_wait3A_77 = arith.constant 0 : i32
        %dma_wait3A_78 = tpu.memref_slice %arg8[%dma_wait3A_76, %dma_wait3A_77] : memref<640x16xf32, #tpu.memory_space<vmem_shared>> -> memref<128x16xf32, #tpu.memory_space<vmem_shared>>
        tpu.wait_dma2 semaphore(%run_scoped3A_68 : memref<!tpu.dma_semaphore, #tpu.memory_space<semaphore_mem>>) src(%arg14 : memref<128x16xf32, #tpu.memory_space<vmem>>) dst(%dma_wait3A_78 : memref<128x16xf32, #tpu.memory_space<vmem_shared>>)
        tpu.yield
      }) : () -> ()
    } else {
    }
    %barrier3A = arith.constant 0 : index
    tpu.barrier barrier_id(%barrier3A)
    %scan3A_16 = arith.constant 0 : i32
    %scan3A_17 = arith.constant 0 : i32
    %scan3A_18 = arith.constant 80 : i32
    %scan3A_19 = arith.addi %scan3A_17, %scan3A_18 : i32
    %scan3A_20 = arith.constant 1 : i32
    %scan3A_21 = scf.for %scan3A_68 = %scan3A_17 to %scan3A_19 step %scan3A_20 iter_args(%scan3A_69 = %scan3A_16) -> (i32)  : i32 {
      %get3A = arith.index_cast %scan3A_68 : i32 to index
      %get3A_70 = arith.constant 0 : index
      %get3A_71 = tpu.vector_load %arg10[%get3A, %get3A_70] {strides = array<i32>} : memref<80x128xi32, #tpu.memory_space<vmem>>, vector<16xi32>,
      %get3A_72 = arith.index_cast %scan3A_68 : i32 to index
      %get3A_73 = arith.constant 0 : index
      %get3A_74 = tpu.vector_load %arg11[%get3A_72, %get3A_73] {strides = array<i32>} : memref<80x128xi32, #tpu.memory_space<vmem>>, vector<16xi32>,
      %gather3A = tpu.vector_load_idx %arg9[%get3A_71] : memref<20480xf32, #tpu.memory_space<vmem>>[vector<16xi32>], vector<16xf32>,
      tpu.vector_store_idx %arg13[%get3A_74], %gather3A {add = true} : memref<10240xf32, #tpu.memory_space<vmem>>[vector<16xi32>], vector<16xf32>,
      %get3A_75 = arith.index_cast %scan3A_68 : i32 to index
      %get3A_76 = arith.constant 16 : index
      %get3A_77 = tpu.vector_load %arg10[%get3A_75, %get3A_76] {strides = array<i32>} : memref<80x128xi32, #tpu.memory_space<vmem>>, vector<16xi32>,
      %get3A_78 = arith.index_cast %scan3A_68 : i32 to index
      %get3A_79 = arith.constant 16 : index
      %get3A_80 = tpu.vector_load %arg11[%get3A_78, %get3A_79] {strides = array<i32>} : memref<80x128xi32, #tpu.memory_space<vmem>>, vector<16xi32>,
      %gather3A_81 = tpu.vector_load_idx %arg9[%get3A_77] : memref<20480xf32, #tpu.memory_space<vmem>>[vector<16xi32>], vector<16xf32>,
      tpu.vector_store_idx %arg13[%get3A_80], %gather3A_81 {add = true} : memref<10240xf32, #tpu.memory_space<vmem>>[vector<16xi32>], vector<16xf32>,
      %get3A_82 = arith.index_cast %scan3A_68 : i32 to index
      %get3A_83 = arith.constant 32 : index
      %get3A_84 = tpu.vector_load %arg10[%get3A_82, %get3A_83] {strides = array<i32>} : memref<80x128xi32, #tpu.memory_space<vmem>>, vector<16xi32>,
      %get3A_85 = arith.index_cast %scan3A_68 : i32 to index
      %get3A_86 = arith.constant 32 : index
      %get3A_87 = tpu.vector_load %arg11[%get3A_85, %get3A_86] {strides = array<i32>} : memref<80x128xi32, #tpu.memory_space<vmem>>, vector<16xi32>,
      %gather3A_88 = tpu.vector_load_idx %arg9[%get3A_84] : memref<20480xf32, #tpu.memory_space<vmem>>[vector<16xi32>], vector<16xf32>,
      tpu.vector_store_idx %arg13[%get3A_87], %gather3A_88 {add = true} : memref<10240xf32, #tpu.memory_space<vmem>>[vector<16xi32>], vector<16xf32>,
      %get3A_89 = arith.index_cast %scan3A_68 : i32 to index
      %get3A_90 = arith.constant 48 : index
      %get3A_91 = tpu.vector_load %arg10[%get3A_89, %get3A_90] {strides = array<i32>} : memref<80x128xi32, #tpu.memory_space<vmem>>, vector<16xi32>,
      %get3A_92 = arith.index_cast %scan3A_68 : i32 to index
      %get3A_93 = arith.constant 48 : index
      %get3A_94 = tpu.vector_load %arg11[%get3A_92, %get3A_93] {strides = array<i32>} : memref<80x128xi32, #tpu.memory_space<vmem>>, vector<16xi32>,
      %gather3A_95 = tpu.vector_load_idx %arg9[%get3A_91] : memref<20480xf32, #tpu.memory_space<vmem>>[vector<16xi32>], vector<16xf32>,
      tpu.vector_store_idx %arg13[%get3A_94], %gather3A_95 {add = true} : memref<10240xf32, #tpu.memory_space<vmem>>[vector<16xi32>], vector<16xf32>,
      %get3A_96 = arith.index_cast %scan3A_68 : i32 to index
      %get3A_97 = arith.constant 64 : index
      %get3A_98 = tpu.vector_load %arg10[%get3A_96, %get3A_97] {strides = array<i32>} : memref<80x128xi32, #tpu.memory_space<vmem>>, vector<16xi32>,
      %get3A_99 = arith.index_cast %scan3A_68 : i32 to index
      %get3A_100 = arith.constant 64 : index
      %get3A_101 = tpu.vector_load %arg11[%get3A_99, %get3A_100] {strides = array<i32>} : memref<80x128xi32, #tpu.memory_space<vmem>>, vector<16xi32>,
      %gather3A_102 = tpu.vector_load_idx %arg9[%get3A_98] : memref<20480xf32, #tpu.memory_space<vmem>>[vector<16xi32>], vector<16xf32>,
      tpu.vector_store_idx %arg13[%get3A_101], %gather3A_102 {add = true} : memref<10240xf32, #tpu.memory_space<vmem>>[vector<16xi32>], vector<16xf32>,
      %get3A_103 = arith.index_cast %scan3A_68 : i32 to index
      %get3A_104 = arith.constant 80 : index
      %get3A_105 = tpu.vector_load %arg10[%get3A_103, %get3A_104] {strides = array<i32>} : memref<80x128xi32, #tpu.memory_space<vmem>>, vector<16xi32>,
      %get3A_106 = arith.index_cast %scan3A_68 : i32 to index
      %get3A_107 = arith.constant 80 : index
      %get3A_108 = tpu.vector_load %arg11[%get3A_106, %get3A_107] {strides = array<i32>} : memref<80x128xi32, #tpu.memory_space<vmem>>, vector<16xi32>,
      %gather3A_109 = tpu.vector_load_idx %arg9[%get3A_105] : memref<20480xf32, #tpu.memory_space<vmem>>[vector<16xi32>], vector<16xf32>,
      tpu.vector_store_idx %arg13[%get3A_108], %gather3A_109 {add = true} : memref<10240xf32, #tpu.memory_space<vmem>>[vector<16xi32>], vector<16xf32>,
      %get3A_110 = arith.index_cast %scan3A_68 : i32 to index
      %get3A_111 = arith.constant 96 : index
      %get3A_112 = tpu.vector_load %arg10[%get3A_110, %get3A_111] {strides = array<i32>} : memref<80x128xi32, #tpu.memory_space<vmem>>, vector<16xi32>,
      %get3A_113 = arith.index_cast %scan3A_68 : i32 to index
      %get3A_114 = arith.constant 96 : index
      %get3A_115 = tpu.vector_load %arg11[%get3A_113, %get3A_114] {strides = array<i32>} : memref<80x128xi32, #tpu.memory_space<vmem>>, vector<16xi32>,
      %gather3A_116 = tpu.vector_load_idx %arg9[%get3A_112] : memref<20480xf32, #tpu.memory_space<vmem>>[vector<16xi32>], vector<16xf32>,
      tpu.vector_store_idx %arg13[%get3A_115], %gather3A_116 {add = true} : memref<10240xf32, #tpu.memory_space<vmem>>[vector<16xi32>], vector<16xf32>,
      %get3A_117 = arith.index_cast %scan3A_68 : i32 to index
      %get3A_118 = arith.constant 112 : index
      %get3A_119 = tpu.vector_load %arg10[%get3A_117, %get3A_118] {strides = array<i32>} : memref<80x128xi32, #tpu.memory_space<vmem>>, vector<16xi32>,
      %get3A_120 = arith.index_cast %scan3A_68 : i32 to index
      %get3A_121 = arith.constant 112 : index
      %get3A_122 = tpu.vector_load %arg11[%get3A_120, %get3A_121] {strides = array<i32>} : memref<80x128xi32, #tpu.memory_space<vmem>>, vector<16xi32>,
      %gather3A_123 = tpu.vector_load_idx %arg9[%get3A_119] : memref<20480xf32, #tpu.memory_space<vmem>>[vector<16xi32>], vector<16xf32>,
      tpu.vector_store_idx %arg13[%get3A_122], %gather3A_123 {add = true} : memref<10240xf32, #tpu.memory_space<vmem>>[vector<16xi32>], vector<16xf32>,
      %scan3A_124 = arith.constant 0 : i32
      scf.yield %scan3A_124 : i32
    }
    %scan3A_22 = arith.constant 80 : i32
    %scan3A_23 = arith.constant 0 : i32
    %scan3A_24 = arith.constant 0 : i32
    %scan3A_25 = arith.constant 128 : i32
    %scan3A_26 = arith.addi %scan3A_24, %scan3A_25 : i32
    %scan3A_27 = arith.constant 1 : i32
    %scan3A_28 = scf.for %scan3A_68 = %scan3A_24 to %scan3A_26 step %scan3A_27 iter_args(%scan3A_69 = %scan3A_23) -> (i32)  : i32 {
      %mul3A = arith.constant 16 : i32
      %mul3A_70 = arith.muli %scan3A_68, %mul3A : i32
      %add3A = arith.constant 0 : i32
      %add3A_71 = arith.addi %add3A, %mul3A_70 : i32
      %get3A = arith.index_cast %add3A_71 : i32 to index
      %get3A_72 = tpu.vector_load %arg13[%get3A] {strides = array<i32>} : memref<10240xf32, #tpu.memory_space<vmem>>, vector<16xf32>,
      %swap3A = arith.index_cast %scan3A_68 : i32 to index
      %swap3A_73 = arith.constant 0 : index
      %swap3A_74 = tpu.vector_load %arg14[%swap3A, %swap3A_73] {strides = array<i32>} : memref<128x16xf32, #tpu.memory_space<vmem>>, vector<16xf32>,
      tpu.vector_store %arg14[%swap3A, %swap3A_73], %get3A_72 {strides = array<i32>} : memref<128x16xf32, #tpu.memory_space<vmem>>, vector<16xf32>,
      %scan3A_75 = arith.constant 0 : i32
      scf.yield %scan3A_75 : i32
    }
    %scan3A_29 = arith.constant 128 : i32
    %run_scoped3A = arith.constant 0 : i32
    "tpu.region"() ({
      %run_scoped3A_68 = tpu.sem_alloc : memref<!tpu.dma_semaphore, #tpu.memory_space<semaphore_mem>>
      %dma_start3A = arith.constant 0 : i32
      %dma_start3A_69 = tpu.memref_slice %arg17[%run_scoped3A, %dma_start3A] : memref<5x128xi32, #tpu.memory_space<vmem>> -> memref<1x128xi32, #tpu.memory_space<vmem>>
      %dma_start3A_70 = tpu.memref_squeeze %dma_start3A_69 : memref<1x128xi32, #tpu.memory_space<vmem>> -> memref<128xi32, #tpu.memory_space<vmem>>
      %dma_start3A_71 = arith.constant 0 : i32
      %dma_start3A_72 = arith.constant 0 : i32
      %dma_start3A_73 = tpu.memref_slice %arg8[%dma_start3A_71, %dma_start3A_72] : memref<640x16xf32, #tpu.memory_space<vmem_shared>> -> memref<640x16xf32, #tpu.memory_space<vmem_shared>>
      tpu.enqueue_indirect_dma source(%arg14 : memref<128x16xf32, #tpu.memory_space<vmem>>) target(%dma_start3A_73 : memref<640x16xf32, #tpu.memory_space<vmem_shared>>) offsets(%dma_start3A_70 : memref<128xi32, #tpu.memory_space<vmem>>) semaphore(%run_scoped3A_68 : memref<!tpu.dma_semaphore, #tpu.memory_space<semaphore_mem>>) {add = true}
      %dma_wait3A = arith.constant 0 : i32
      %dma_wait3A_74 = tpu.memref_slice %arg17[%run_scoped3A, %dma_wait3A] : memref<5x128xi32, #tpu.memory_space<vmem>> -> memref<1x128xi32, #tpu.memory_space<vmem>>
      %dma_wait3A_75 = tpu.memref_squeeze %dma_wait3A_74 : memref<1x128xi32, #tpu.memory_space<vmem>> -> memref<128xi32, #tpu.memory_space<vmem>>
      %dma_wait3A_76 = arith.constant 0 : i32
      %dma_wait3A_77 = arith.constant 0 : i32
      %dma_wait3A_78 = tpu.memref_slice %arg8[%dma_wait3A_76, %dma_wait3A_77] : memref<640x16xf32, #tpu.memory_space<vmem_shared>> -> memref<640x16xf32, #tpu.memory_space<vmem_shared>>
      tpu.wait_indirect_dma semaphore(%run_scoped3A_68 : memref<!tpu.dma_semaphore, #tpu.memory_space<semaphore_mem>>) src(%arg14 : memref<128x16xf32, #tpu.memory_space<vmem>>) dst(%dma_wait3A_78 : memref<640x16xf32, #tpu.memory_space<vmem_shared>>)
      tpu.yield
    }) : () -> ()
    %scan3A_30 = arith.constant 0 : i32
    %scan3A_31 = arith.constant 0 : i32
    %scan3A_32 = arith.constant 128 : i32
    %scan3A_33 = arith.addi %scan3A_31, %scan3A_32 : i32
    %scan3A_34 = arith.constant 1 : i32
    %scan3A_35 = scf.for %scan3A_68 = %scan3A_31 to %scan3A_33 step %scan3A_34 iter_args(%scan3A_69 = %scan3A_30) -> (i32)  : i32 {
      %mul3A = arith.constant 16 : i32
      %mul3A_70 = arith.muli %scan3A_68, %mul3A : i32
      %add3A = arith.constant 2048 : i32
      %add3A_71 = arith.addi %add3A, %mul3A_70 : i32
      %get3A = arith.index_cast %add3A_71 : i32 to index
      %get3A_72 = tpu.vector_load %arg13[%get3A] {strides = array<i32>} : memref<10240xf32, #tpu.memory_space<vmem>>, vector<16xf32>,
      %swap3A = arith.index_cast %scan3A_68 : i32 to index
      %swap3A_73 = arith.constant 0 : index
      %swap3A_74 = tpu.vector_load %arg14[%swap3A, %swap3A_73] {strides = array<i32>} : memref<128x16xf32, #tpu.memory_space<vmem>>, vector<16xf32>,
      tpu.vector_store %arg14[%swap3A, %swap3A_73], %get3A_72 {strides = array<i32>} : memref<128x16xf32, #tpu.memory_space<vmem>>, vector<16xf32>,
      %scan3A_75 = arith.constant 0 : i32
      scf.yield %scan3A_75 : i32
    }
    %scan3A_36 = arith.constant 128 : i32
    %run_scoped3A_37 = arith.constant 1 : i32
    "tpu.region"() ({
      %run_scoped3A_68 = tpu.sem_alloc : memref<!tpu.dma_semaphore, #tpu.memory_space<semaphore_mem>>
      %dma_start3A = arith.constant 0 : i32
      %dma_start3A_69 = tpu.memref_slice %arg17[%run_scoped3A_37, %dma_start3A] : memref<5x128xi32, #tpu.memory_space<vmem>> -> memref<1x128xi32, #tpu.memory_space<vmem>>
      %dma_start3A_70 = tpu.memref_squeeze %dma_start3A_69 : memref<1x128xi32, #tpu.memory_space<vmem>> -> memref<128xi32, #tpu.memory_space<vmem>>
      %dma_start3A_71 = arith.constant 0 : i32
      %dma_start3A_72 = arith.constant 0 : i32
      %dma_start3A_73 = tpu.memref_slice %arg8[%dma_start3A_71, %dma_start3A_72] : memref<640x16xf32, #tpu.memory_space<vmem_shared>> -> memref<640x16xf32, #tpu.memory_space<vmem_shared>>
      tpu.enqueue_indirect_dma source(%arg14 : memref<128x16xf32, #tpu.memory_space<vmem>>) target(%dma_start3A_73 : memref<640x16xf32, #tpu.memory_space<vmem_shared>>) offsets(%dma_start3A_70 : memref<128xi32, #tpu.memory_space<vmem>>) semaphore(%run_scoped3A_68 : memref<!tpu.dma_semaphore, #tpu.memory_space<semaphore_mem>>) {add = true}
      %dma_wait3A = arith.constant 0 : i32
      %dma_wait3A_74 = tpu.memref_slice %arg17[%run_scoped3A_37, %dma_wait3A] : memref<5x128xi32, #tpu.memory_space<vmem>> -> memref<1x128xi32, #tpu.memory_space<vmem>>
      %dma_wait3A_75 = tpu.memref_squeeze %dma_wait3A_74 : memref<1x128xi32, #tpu.memory_space<vmem>> -> memref<128xi32, #tpu.memory_space<vmem>>
      %dma_wait3A_76 = arith.constant 0 : i32
      %dma_wait3A_77 = arith.constant 0 : i32
      %dma_wait3A_78 = tpu.memref_slice %arg8[%dma_wait3A_76, %dma_wait3A_77] : memref<640x16xf32, #tpu.memory_space<vmem_shared>> -> memref<640x16xf32, #tpu.memory_space<vmem_shared>>
      tpu.wait_indirect_dma semaphore(%run_scoped3A_68 : memref<!tpu.dma_semaphore, #tpu.memory_space<semaphore_mem>>) src(%arg14 : memref<128x16xf32, #tpu.memory_space<vmem>>) dst(%dma_wait3A_78 : memref<640x16xf32, #tpu.memory_space<vmem_shared>>)
      tpu.yield
    }) : () -> ()
    %scan3A_38 = arith.constant 0 : i32
    %scan3A_39 = arith.constant 0 : i32
    %scan3A_40 = arith.constant 128 : i32
    %scan3A_41 = arith.addi %scan3A_39, %scan3A_40 : i32
    %scan3A_42 = arith.constant 1 : i32
    %scan3A_43 = scf.for %scan3A_68 = %scan3A_39 to %scan3A_41 step %scan3A_42 iter_args(%scan3A_69 = %scan3A_38) -> (i32)  : i32 {
      %mul3A = arith.constant 16 : i32
      %mul3A_70 = arith.muli %scan3A_68, %mul3A : i32
      %add3A = arith.constant 4096 : i32
      %add3A_71 = arith.addi %add3A, %mul3A_70 : i32
      %get3A = arith.index_cast %add3A_71 : i32 to index
      %get3A_72 = tpu.vector_load %arg13[%get3A] {strides = array<i32>} : memref<10240xf32, #tpu.memory_space<vmem>>, vector<16xf32>,
      %swap3A = arith.index_cast %scan3A_68 : i32 to index
      %swap3A_73 = arith.constant 0 : index
      %swap3A_74 = tpu.vector_load %arg14[%swap3A, %swap3A_73] {strides = array<i32>} : memref<128x16xf32, #tpu.memory_space<vmem>>, vector<16xf32>,
      tpu.vector_store %arg14[%swap3A, %swap3A_73], %get3A_72 {strides = array<i32>} : memref<128x16xf32, #tpu.memory_space<vmem>>, vector<16xf32>,
      %scan3A_75 = arith.constant 0 : i32
      scf.yield %scan3A_75 : i32
    }
    %scan3A_44 = arith.constant 128 : i32
    %run_scoped3A_45 = arith.constant 2 : i32
    "tpu.region"() ({
      %run_scoped3A_68 = tpu.sem_alloc : memref<!tpu.dma_semaphore, #tpu.memory_space<semaphore_mem>>
      %dma_start3A = arith.constant 0 : i32
      %dma_start3A_69 = tpu.memref_slice %arg17[%run_scoped3A_45, %dma_start3A] : memref<5x128xi32, #tpu.memory_space<vmem>> -> memref<1x128xi32, #tpu.memory_space<vmem>>
      %dma_start3A_70 = tpu.memref_squeeze %dma_start3A_69 : memref<1x128xi32, #tpu.memory_space<vmem>> -> memref<128xi32, #tpu.memory_space<vmem>>
      %dma_start3A_71 = arith.constant 0 : i32
      %dma_start3A_72 = arith.constant 0 : i32
      %dma_start3A_73 = tpu.memref_slice %arg8[%dma_start3A_71, %dma_start3A_72] : memref<640x16xf32, #tpu.memory_space<vmem_shared>> -> memref<640x16xf32, #tpu.memory_space<vmem_shared>>
      tpu.enqueue_indirect_dma source(%arg14 : memref<128x16xf32, #tpu.memory_space<vmem>>) target(%dma_start3A_73 : memref<640x16xf32, #tpu.memory_space<vmem_shared>>) offsets(%dma_start3A_70 : memref<128xi32, #tpu.memory_space<vmem>>) semaphore(%run_scoped3A_68 : memref<!tpu.dma_semaphore, #tpu.memory_space<semaphore_mem>>) {add = true}
      %dma_wait3A = arith.constant 0 : i32
      %dma_wait3A_74 = tpu.memref_slice %arg17[%run_scoped3A_45, %dma_wait3A] : memref<5x128xi32, #tpu.memory_space<vmem>> -> memref<1x128xi32, #tpu.memory_space<vmem>>
      %dma_wait3A_75 = tpu.memref_squeeze %dma_wait3A_74 : memref<1x128xi32, #tpu.memory_space<vmem>> -> memref<128xi32, #tpu.memory_space<vmem>>
      %dma_wait3A_76 = arith.constant 0 : i32
      %dma_wait3A_77 = arith.constant 0 : i32
      %dma_wait3A_78 = tpu.memref_slice %arg8[%dma_wait3A_76, %dma_wait3A_77] : memref<640x16xf32, #tpu.memory_space<vmem_shared>> -> memref<640x16xf32, #tpu.memory_space<vmem_shared>>
      tpu.wait_indirect_dma semaphore(%run_scoped3A_68 : memref<!tpu.dma_semaphore, #tpu.memory_space<semaphore_mem>>) src(%arg14 : memref<128x16xf32, #tpu.memory_space<vmem>>) dst(%dma_wait3A_78 : memref<640x16xf32, #tpu.memory_space<vmem_shared>>)
      tpu.yield
    }) : () -> ()
    %scan3A_46 = arith.constant 0 : i32
    %scan3A_47 = arith.constant 0 : i32
    %scan3A_48 = arith.constant 128 : i32
    %scan3A_49 = arith.addi %scan3A_47, %scan3A_48 : i32
    %scan3A_50 = arith.constant 1 : i32
    %scan3A_51 = scf.for %scan3A_68 = %scan3A_47 to %scan3A_49 step %scan3A_50 iter_args(%scan3A_69 = %scan3A_46) -> (i32)  : i32 {
      %mul3A = arith.constant 16 : i32
      %mul3A_70 = arith.muli %scan3A_68, %mul3A : i32
      %add3A = arith.constant 6144 : i32
      %add3A_71 = arith.addi %add3A, %mul3A_70 : i32
      %get3A = arith.index_cast %add3A_71 : i32 to index
      %get3A_72 = tpu.vector_load %arg13[%get3A] {strides = array<i32>} : memref<10240xf32, #tpu.memory_space<vmem>>, vector<16xf32>,
      %swap3A = arith.index_cast %scan3A_68 : i32 to index
      %swap3A_73 = arith.constant 0 : index
      %swap3A_74 = tpu.vector_load %arg14[%swap3A, %swap3A_73] {strides = array<i32>} : memref<128x16xf32, #tpu.memory_space<vmem>>, vector<16xf32>,
      tpu.vector_store %arg14[%swap3A, %swap3A_73], %get3A_72 {strides = array<i32>} : memref<128x16xf32, #tpu.memory_space<vmem>>, vector<16xf32>,
      %scan3A_75 = arith.constant 0 : i32
      scf.yield %scan3A_75 : i32
    }
    %scan3A_52 = arith.constant 128 : i32
    %run_scoped3A_53 = arith.constant 3 : i32
    "tpu.region"() ({
      %run_scoped3A_68 = tpu.sem_alloc : memref<!tpu.dma_semaphore, #tpu.memory_space<semaphore_mem>>
      %dma_start3A = arith.constant 0 : i32
      %dma_start3A_69 = tpu.memref_slice %arg17[%run_scoped3A_53, %dma_start3A] : memref<5x128xi32, #tpu.memory_space<vmem>> -> memref<1x128xi32, #tpu.memory_space<vmem>>
      %dma_start3A_70 = tpu.memref_squeeze %dma_start3A_69 : memref<1x128xi32, #tpu.memory_space<vmem>> -> memref<128xi32, #tpu.memory_space<vmem>>
      %dma_start3A_71 = arith.constant 0 : i32
      %dma_start3A_72 = arith.constant 0 : i32
      %dma_start3A_73 = tpu.memref_slice %arg8[%dma_start3A_71, %dma_start3A_72] : memref<640x16xf32, #tpu.memory_space<vmem_shared>> -> memref<640x16xf32, #tpu.memory_space<vmem_shared>>
      tpu.enqueue_indirect_dma source(%arg14 : memref<128x16xf32, #tpu.memory_space<vmem>>) target(%dma_start3A_73 : memref<640x16xf32, #tpu.memory_space<vmem_shared>>) offsets(%dma_start3A_70 : memref<128xi32, #tpu.memory_space<vmem>>) semaphore(%run_scoped3A_68 : memref<!tpu.dma_semaphore, #tpu.memory_space<semaphore_mem>>) {add = true}
      %dma_wait3A = arith.constant 0 : i32
      %dma_wait3A_74 = tpu.memref_slice %arg17[%run_scoped3A_53, %dma_wait3A] : memref<5x128xi32, #tpu.memory_space<vmem>> -> memref<1x128xi32, #tpu.memory_space<vmem>>
      %dma_wait3A_75 = tpu.memref_squeeze %dma_wait3A_74 : memref<1x128xi32, #tpu.memory_space<vmem>> -> memref<128xi32, #tpu.memory_space<vmem>>
      %dma_wait3A_76 = arith.constant 0 : i32
      %dma_wait3A_77 = arith.constant 0 : i32
      %dma_wait3A_78 = tpu.memref_slice %arg8[%dma_wait3A_76, %dma_wait3A_77] : memref<640x16xf32, #tpu.memory_space<vmem_shared>> -> memref<640x16xf32, #tpu.memory_space<vmem_shared>>
      tpu.wait_indirect_dma semaphore(%run_scoped3A_68 : memref<!tpu.dma_semaphore, #tpu.memory_space<semaphore_mem>>) src(%arg14 : memref<128x16xf32, #tpu.memory_space<vmem>>) dst(%dma_wait3A_78 : memref<640x16xf32, #tpu.memory_space<vmem_shared>>)
      tpu.yield
    }) : () -> ()
    %scan3A_54 = arith.constant 0 : i32
    %scan3A_55 = arith.constant 0 : i32
    %scan3A_56 = arith.constant 128 : i32
    %scan3A_57 = arith.addi %scan3A_55, %scan3A_56 : i32
    %scan3A_58 = arith.constant 1 : i32
    %scan3A_59 = scf.for %scan3A_68 = %scan3A_55 to %scan3A_57 step %scan3A_58 iter_args(%scan3A_69 = %scan3A_54) -> (i32)  : i32 {
      %mul3A = arith.constant 16 : i32
      %mul3A_70 = arith.muli %scan3A_68, %mul3A : i32
      %add3A = arith.constant 8192 : i32
      %add3A_71 = arith.addi %add3A, %mul3A_70 : i32
      %get3A = arith.index_cast %add3A_71 : i32 to index
      %get3A_72 = tpu.vector_load %arg13[%get3A] {strides = array<i32>} : memref<10240xf32, #tpu.memory_space<vmem>>, vector<16xf32>,
      %swap3A = arith.index_cast %scan3A_68 : i32 to index
      %swap3A_73 = arith.constant 0 : index
      %swap3A_74 = tpu.vector_load %arg14[%swap3A, %swap3A_73] {strides = array<i32>} : memref<128x16xf32, #tpu.memory_space<vmem>>, vector<16xf32>,
      tpu.vector_store %arg14[%swap3A, %swap3A_73], %get3A_72 {strides = array<i32>} : memref<128x16xf32, #tpu.memory_space<vmem>>, vector<16xf32>,
      %scan3A_75 = arith.constant 0 : i32
      scf.yield %scan3A_75 : i32
    }
    %scan3A_60 = arith.constant 128 : i32
    %run_scoped3A_61 = arith.constant 4 : i32
    "tpu.region"() ({
      %run_scoped3A_68 = tpu.sem_alloc : memref<!tpu.dma_semaphore, #tpu.memory_space<semaphore_mem>>
      %dma_start3A = arith.constant 0 : i32
      %dma_start3A_69 = tpu.memref_slice %arg17[%run_scoped3A_61, %dma_start3A] : memref<5x128xi32, #tpu.memory_space<vmem>> -> memref<1x128xi32, #tpu.memory_space<vmem>>
      %dma_start3A_70 = tpu.memref_squeeze %dma_start3A_69 : memref<1x128xi32, #tpu.memory_space<vmem>> -> memref<128xi32, #tpu.memory_space<vmem>>
      %dma_start3A_71 = arith.constant 0 : i32
      %dma_start3A_72 = arith.constant 0 : i32
      %dma_start3A_73 = tpu.memref_slice %arg8[%dma_start3A_71, %dma_start3A_72] : memref<640x16xf32, #tpu.memory_space<vmem_shared>> -> memref<640x16xf32, #tpu.memory_space<vmem_shared>>
      tpu.enqueue_indirect_dma source(%arg14 : memref<128x16xf32, #tpu.memory_space<vmem>>) target(%dma_start3A_73 : memref<640x16xf32, #tpu.memory_space<vmem_shared>>) offsets(%dma_start3A_70 : memref<128xi32, #tpu.memory_space<vmem>>) semaphore(%run_scoped3A_68 : memref<!tpu.dma_semaphore, #tpu.memory_space<semaphore_mem>>) {add = true}
      %dma_wait3A = arith.constant 0 : i32
      %dma_wait3A_74 = tpu.memref_slice %arg17[%run_scoped3A_61, %dma_wait3A] : memref<5x128xi32, #tpu.memory_space<vmem>> -> memref<1x128xi32, #tpu.memory_space<vmem>>
      %dma_wait3A_75 = tpu.memref_squeeze %dma_wait3A_74 : memref<1x128xi32, #tpu.memory_space<vmem>> -> memref<128xi32, #tpu.memory_space<vmem>>
      %dma_wait3A_76 = arith.constant 0 : i32
      %dma_wait3A_77 = arith.constant 0 : i32
      %dma_wait3A_78 = tpu.memref_slice %arg8[%dma_wait3A_76, %dma_wait3A_77] : memref<640x16xf32, #tpu.memory_space<vmem_shared>> -> memref<640x16xf32, #tpu.memory_space<vmem_shared>>
      tpu.wait_indirect_dma semaphore(%run_scoped3A_68 : memref<!tpu.dma_semaphore, #tpu.memory_space<semaphore_mem>>) src(%arg14 : memref<128x16xf32, #tpu.memory_space<vmem>>) dst(%dma_wait3A_78 : memref<640x16xf32, #tpu.memory_space<vmem_shared>>)
      tpu.yield
    }) : () -> ()
    %barrier3A_62 = arith.constant 0 : index
    tpu.barrier barrier_id(%barrier3A_62)
    %eq3A_63 = arith.constant 0 : i32
    %eq3A_64 = arith.cmpi eq, %arg0, %eq3A_63 : i32
    %convert_element_type3A_65 = arith.extui %eq3A_64 : i1 to i32
    %cond3A_66 = arith.constant 0 : i32
    %cond3A_67 = arith.cmpi ne, %convert_element_type3A_65, %cond3A_66 : i32
    scf.if %cond3A_67 {
      %mul3A = arith.constant 40 : i32
      %mul3A_68 = arith.muli %arg1, %mul3A : i32
      "tpu.region"() ({
        %run_scoped3A_78 = tpu.sem_alloc : memref<!tpu.dma_semaphore, #tpu.memory_space<semaphore_mem>>
        %dma_start3A = arith.constant 0 : i32
        %dma_start3A_79 = tpu.memref_slice %arg8[%mul3A_68, %dma_start3A] : memref<640x16xf32, #tpu.memory_space<vmem_shared>> -> memref<40x16xf32, #tpu.memory_space<vmem_shared>>
        %dma_start3A_80 = arith.constant 0 : i32
        %dma_start3A_81 = tpu.memref_slice %arg8[%mul3A_68, %dma_start3A_80] : memref<640x16xf32, #tpu.memory_space<vmem_shared>> -> memref<40x16xf32, #tpu.memory_space<vmem_shared>>
        tpu.enqueue_dma source(%dma_start3A_81 : memref<40x16xf32, #tpu.memory_space<vmem_shared>>) target(%arg15 : memref<40x16xf32, #tpu.memory_space<vmem>>) target_semaphore(%run_scoped3A_78 : memref<!tpu.dma_semaphore, #tpu.memory_space<semaphore_mem>>)
        %dma_wait3A = arith.constant 0 : i32
        %dma_wait3A_82 = tpu.memref_slice %arg8[%mul3A_68, %dma_wait3A] : memref<640x16xf32, #tpu.memory_space<vmem_shared>> -> memref<40x16xf32, #tpu.memory_space<vmem_shared>>
        %dma_wait3A_83 = arith.constant 0 : i32
        %dma_wait3A_84 = tpu.memref_slice %arg8[%mul3A_68, %dma_wait3A_83] : memref<640x16xf32, #tpu.memory_space<vmem_shared>> -> memref<40x16xf32, #tpu.memory_space<vmem_shared>>
        tpu.wait_dma2 semaphore(%run_scoped3A_78 : memref<!tpu.dma_semaphore, #tpu.memory_space<semaphore_mem>>) src(%dma_wait3A_84 : memref<40x16xf32, #tpu.memory_space<vmem_shared>>) dst(%arg15 : memref<40x16xf32, #tpu.memory_space<vmem>>)
        tpu.yield
      }) : () -> ()
      %mul3A_69 = arith.constant 640 : i32
      %mul3A_70 = arith.muli %arg1, %mul3A_69 : i32
      %iota3A = tpu.iota {dimensions = array<i32: 0>} : vector<16xi32>
      %scan3A_71 = arith.constant 0 : i32
      %scan3A_72 = arith.constant 0 : i32
      %scan3A_73 = arith.constant 40 : i32
      %scan3A_74 = arith.addi %scan3A_72, %scan3A_73 : i32
      %scan3A_75 = arith.constant 1 : i32
      %scan3A_76 = scf.for %scan3A_78 = %scan3A_72 to %scan3A_74 step %scan3A_75 iter_args(%scan3A_79 = %scan3A_71) -> (i32)  : i32 {
        %get3A = arith.index_cast %scan3A_78 : i32 to index
        %get3A_80 = arith.constant 0 : index
        %get3A_81 = tpu.vector_load %arg15[%get3A, %get3A_80] {strides = array<i32>} : memref<40x16xf32, #tpu.memory_space<vmem>>, vector<16xf32>,
        %mul3A_82 = arith.constant 16 : i32
        %mul3A_83 = arith.muli %scan3A_78, %mul3A_82 : i32
        %add3A = arith.addi %mul3A_70, %mul3A_83 : i32
        %get3A_84 = arith.index_cast %add3A : i32 to index
        %get3A_85 = tpu.vector_load %arg12[%get3A_84] {strides = array<i32>} : memref<10240xf32, #tpu.memory_space<vmem>>, vector<16xf32>,
        %mul3A_86 = arith.constant 16 : i32
        %mul3A_87 = arith.muli %scan3A_78, %mul3A_86 : i32
        %add3A_88 = arith.addi %mul3A_70, %mul3A_87 : i32
        %add3A_89 = vector.broadcast %add3A_88 : i32 to vector<16xi32>
        %add3A_90 = arith.addi %iota3A, %add3A_89 : vector<16xi32>
        %shift_left3A = arith.constant 1 : i32
        %shift_left3A_91 = vector.broadcast %shift_left3A : i32 to vector<16xi32>
        %shift_left3A_92 = arith.shli %add3A_90, %shift_left3A_91 : vector<16xi32>
        %add3A_93 = arith.constant 1 : i32
        %add3A_94 = vector.broadcast %add3A_93 : i32 to vector<16xi32>
        %add3A_95 = arith.addi %shift_left3A_92, %add3A_94 : vector<16xi32>
        %gather3A = tpu.vector_load_idx %arg9[%add3A_95] : memref<20480xf32, #tpu.memory_space<vmem>>[vector<16xi32>], vector<16xf32>,
        %max3A = arith.constant 1.000000e+00 : f32
        %max3A_96 = vector.broadcast %max3A : f32 to vector<16xf32>
        %max3A_97 = arith.maximumf %get3A_85, %max3A_96 : vector<16xf32>
        %div3A = arith.divf %get3A_81, %max3A_97 : vector<16xf32>
        %add3A_98 = arith.addf %div3A, %gather3A : vector<16xf32>
        %mul3A_99 = arith.constant 16 : i32
        %mul3A_100 = arith.muli %scan3A_78, %mul3A_99 : i32
        %swap3A = arith.index_cast %mul3A_100 : i32 to index
        %swap3A_101 = tpu.vector_load %arg16[%swap3A] {strides = array<i32>} : memref<640xf32, #tpu.memory_space<vmem>>, vector<16xf32>,
        tpu.vector_store %arg16[%swap3A], %add3A_98 {strides = array<i32>} : memref<640xf32, #tpu.memory_space<vmem>>, vector<16xf32>,
        %scan3A_102 = arith.constant 0 : i32
        scf.yield %scan3A_102 : i32
      }
      %scan3A_77 = arith.constant 40 : i32
      "tpu.region"() ({
        %run_scoped3A_78 = tpu.sem_alloc : memref<!tpu.dma_semaphore, #tpu.memory_space<semaphore_mem>>
        %dma_start3A = tpu.memref_slice %arg7[%mul3A_70] : memref<10240xf32, #tpu.memory_space<hbm>> -> memref<640xf32, #tpu.memory_space<hbm>>
        %dma_start3A_79 = tpu.memref_slice %arg7[%mul3A_70] : memref<10240xf32, #tpu.memory_space<hbm>> -> memref<640xf32, #tpu.memory_space<hbm>>
        tpu.enqueue_dma source(%arg16 : memref<640xf32, #tpu.memory_space<vmem>>) target(%dma_start3A_79 : memref<640xf32, #tpu.memory_space<hbm>>) target_semaphore(%run_scoped3A_78 : memref<!tpu.dma_semaphore, #tpu.memory_space<semaphore_mem>>)
        %dma_wait3A = tpu.memref_slice %arg7[%mul3A_70] : memref<10240xf32, #tpu.memory_space<hbm>> -> memref<640xf32, #tpu.memory_space<hbm>>
        %dma_wait3A_80 = tpu.memref_slice %arg7[%mul3A_70] : memref<10240xf32, #tpu.memory_space<hbm>> -> memref<640xf32, #tpu.memory_space<hbm>>
        tpu.wait_dma2 semaphore(%run_scoped3A_78 : memref<!tpu.dma_semaphore, #tpu.memory_space<semaphore_mem>>) src(%arg16 : memref<640xf32, #tpu.memory_space<vmem>>) dst(%dma_wait3A_80 : memref<640xf32, #tpu.memory_space<hbm>>)
        tpu.yield
      }) : () -> ()
    } else {
    }
    return
  }
}

module attributes {stable_mosaic.version = 14 : i64} {
  func.func @_dense_body(%arg0: i32, %arg1: memref<512x128xbf16, #tpu.memory_space<vmem>>, %arg2: memref<512x128xbf16, #tpu.memory_space<vmem>>, %arg3: memref<512x256xf32, #tpu.memory_space<vmem>>, %arg4: memref<512x1xf32, #tpu.memory_space<vmem>>, %arg5: memref<128x256xf32, #tpu.memory_space<vmem>>, %arg6: memref<128x256xf32, #tpu.memory_space<vmem>>, %arg7: memref<256x256xf32, #tpu.memory_space<vmem>>, %arg8: memref<1x256xf32, #tpu.memory_space<vmem>>, %arg9: memref<256x2xf32, #tpu.memory_space<vmem>>, %arg10: memref<1x2xf32, #tpu.memory_space<vmem>>, %arg11: memref<512x2xf32, #tpu.memory_space<vmem>>) attributes {dimension_semantics = [#tpu.dimension_semantics<arbitrary>], iteration_bounds = array<i64: 20>, scalar_prefetch = 0 : i64, scratch_operands = 0 : i64, tpu.core_type = #tpu.core_type<tc>, window_params = [{transform_indices = @transform_0, window_bounds = array<i64: 512, 128>}, {transform_indices = @transform_1, window_bounds = array<i64: 512, 128>}, {transform_indices = @transform_2, window_bounds = array<i64: 512, 256>}, {transform_indices = @transform_3, window_bounds = array<i64: 512, 1>}, {pipeline_mode = #tpu.pipeline_mode<synchronous>, transform_indices = @transform_4, window_bounds = array<i64: 128, 256>}, {pipeline_mode = #tpu.pipeline_mode<synchronous>, transform_indices = @transform_5, window_bounds = array<i64: 128, 256>}, {pipeline_mode = #tpu.pipeline_mode<synchronous>, transform_indices = @transform_6, window_bounds = array<i64: 256, 256>}, {pipeline_mode = #tpu.pipeline_mode<synchronous>, transform_indices = @transform_7, window_bounds = array<i64: 1, 256>}, {pipeline_mode = #tpu.pipeline_mode<synchronous>, transform_indices = @transform_8, window_bounds = array<i64: 256, 2>}, {pipeline_mode = #tpu.pipeline_mode<synchronous>, transform_indices = @transform_9, window_bounds = array<i64: 1, 2>}, {transform_indices = @transform_10, window_bounds = array<i64: 512, 2>}]} {
    %get3A = arith.constant 0 : index
    %get3A_0 = arith.constant 0 : index
    %get3A_1 = vector.load %arg4[%get3A, %get3A_0] : memref<512x1xf32, #tpu.memory_space<vmem>>, vector<512x1xf32>
    %max3A = arith.constant 1.000000e+00 : f32
    %max3A_2 = vector.broadcast %max3A : f32 to vector<512x1xf32>
    %max3A_3 = arith.maximumf %get3A_1, %max3A_2 : vector<512x1xf32>
    %div3A = arith.constant 1.000000e+00 : f32
    %div3A_4 = vector.broadcast %div3A : f32 to vector<512x1xf32>
    %div3A_5 = arith.divf %div3A_4, %max3A_3 : vector<512x1xf32>
    %get3A_6 = arith.constant 0 : index
    %get3A_7 = arith.constant 0 : index
    %get3A_8 = vector.load %arg1[%get3A_6, %get3A_7] : memref<512x128xbf16, #tpu.memory_space<vmem>>, vector<512x128xbf16>
    %convert_element_type3A = arith.extf %get3A_8 : vector<512x128xbf16> to vector<512x128xf32>
    %mul3A = vector.broadcast %div3A_5 : vector<512x1xf32> to vector<512x128xf32>
    %mul3A_9 = arith.mulf %convert_element_type3A, %mul3A : vector<512x128xf32>
    %get3A_10 = arith.constant 0 : index
    %get3A_11 = arith.constant 0 : index
    %get3A_12 = vector.load %arg2[%get3A_10, %get3A_11] : memref<512x128xbf16, #tpu.memory_space<vmem>>, vector<512x128xbf16>
    %convert_element_type3A_13 = arith.extf %get3A_12 : vector<512x128xbf16> to vector<512x128xf32>
    %mul3A_14 = vector.broadcast %div3A_5 : vector<512x1xf32> to vector<512x128xf32>
    %mul3A_15 = arith.mulf %convert_element_type3A_13, %mul3A_14 : vector<512x128xf32>
    %get3A_16 = arith.constant 0 : index
    %get3A_17 = arith.constant 0 : index
    %get3A_18 = vector.load %arg5[%get3A_16, %get3A_17] : memref<128x256xf32, #tpu.memory_space<vmem>>, vector<128x256xf32>
    %dot_general3A = arith.constant dense<0.000000e+00> : vector<512x256xf32>
    %dot_general3A_19 = tpu.matmul %mul3A_9, %get3A_18, %dot_general3A {dimension_numbers = #tpu.dot_dimension_numbers<[1], [0], [0], [1], [0, 0, 1, 1], [], []>, transpose_lhs_hint = false} : vector<512x128xf32>, vector<128x256xf32>, vector<512x256xf32> -> vector<512x256xf32>
    %get3A_20 = arith.constant 0 : index
    %get3A_21 = arith.constant 0 : index
    %get3A_22 = vector.load %arg6[%get3A_20, %get3A_21] : memref<128x256xf32, #tpu.memory_space<vmem>>, vector<128x256xf32>
    %dot_general3A_23 = arith.constant dense<0.000000e+00> : vector<512x256xf32>
    %dot_general3A_24 = tpu.matmul %mul3A_15, %get3A_22, %dot_general3A_23 {dimension_numbers = #tpu.dot_dimension_numbers<[1], [0], [0], [1], [0, 0, 1, 1], [], []>, transpose_lhs_hint = false} : vector<512x128xf32>, vector<128x256xf32>, vector<512x256xf32> -> vector<512x256xf32>
    %add3A = arith.addf %dot_general3A_19, %dot_general3A_24 : vector<512x256xf32>
    %get3A_25 = arith.constant 0 : index
    %get3A_26 = arith.constant 0 : index
    %get3A_27 = vector.load %arg3[%get3A_25, %get3A_26] : memref<512x256xf32, #tpu.memory_space<vmem>>, vector<512x256xf32>
    %get3A_28 = arith.constant 0 : index
    %get3A_29 = arith.constant 0 : index
    %get3A_30 = vector.load %arg7[%get3A_28, %get3A_29] : memref<256x256xf32, #tpu.memory_space<vmem>>, vector<256x256xf32>
    %dot_general3A_31 = arith.constant dense<0.000000e+00> : vector<512x256xf32>
    %dot_general3A_32 = tpu.matmul %get3A_27, %get3A_30, %dot_general3A_31 {dimension_numbers = #tpu.dot_dimension_numbers<[1], [0], [0], [1], [0, 0, 1, 1], [], []>, transpose_lhs_hint = false} : vector<512x256xf32>, vector<256x256xf32>, vector<512x256xf32> -> vector<512x256xf32>
    %add3A_33 = arith.addf %add3A, %dot_general3A_32 : vector<512x256xf32>
    %get3A_34 = arith.constant 0 : index
    %get3A_35 = arith.constant 0 : index
    %get3A_36 = vector.load %arg8[%get3A_34, %get3A_35] : memref<1x256xf32, #tpu.memory_space<vmem>>, vector<1x256xf32>
    %add3A_37 = vector.broadcast %get3A_36 : vector<1x256xf32> to vector<512x256xf32>
    %add3A_38 = arith.addf %add3A_33, %add3A_37 : vector<512x256xf32>
    %max3A_39 = arith.constant 0.000000e+00 : f32
    %max3A_40 = vector.broadcast %max3A_39 : f32 to vector<512x256xf32>
    %max3A_41 = arith.maximumf %add3A_38, %max3A_40 : vector<512x256xf32>
    %get3A_42 = arith.constant 0 : index
    %get3A_43 = arith.constant 0 : index
    %get3A_44 = vector.load %arg9[%get3A_42, %get3A_43] : memref<256x2xf32, #tpu.memory_space<vmem>>, vector<256x2xf32>
    %dot_general3A_45 = arith.constant dense<0.000000e+00> : vector<512x2xf32>
    %dot_general3A_46 = tpu.matmul %max3A_41, %get3A_44, %dot_general3A_45 {dimension_numbers = #tpu.dot_dimension_numbers<[1], [0], [0], [1], [0, 0, 1, 1], [], []>, transpose_lhs_hint = false} : vector<512x256xf32>, vector<256x2xf32>, vector<512x2xf32> -> vector<512x2xf32>
    %get3A_47 = arith.constant 0 : index
    %get3A_48 = arith.constant 0 : index
    %get3A_49 = vector.load %arg10[%get3A_47, %get3A_48] : memref<1x2xf32, #tpu.memory_space<vmem>>, vector<1x2xf32>
    %add3A_50 = vector.broadcast %get3A_49 : vector<1x2xf32> to vector<512x2xf32>
    %add3A_51 = arith.addf %dot_general3A_46, %add3A_50 : vector<512x2xf32>
    %swap3A = arith.constant 0 : index
    %swap3A_52 = arith.constant 0 : index
    %swap3A_53 = vector.load %arg11[%swap3A, %swap3A_52] : memref<512x2xf32, #tpu.memory_space<vmem>>, vector<512x2xf32>
    tpu.vector_store %arg11[%swap3A, %swap3A_52], %add3A_51 {strides = array<i32>} : memref<512x2xf32, #tpu.memory_space<vmem>>, vector<512x2xf32>,
    return
  }
  func.func @transform_0(%arg0: i32) -> (i32, i32) {
    %c0_i32 = arith.constant 0 : i32
    %c0_i32_0 = arith.constant 0 : i32
    return %arg0, %c0_i32 : i32, i32
  }
  func.func @transform_1(%arg0: i32) -> (i32, i32) {
    %c0_i32 = arith.constant 0 : i32
    %c0_i32_0 = arith.constant 0 : i32
    return %arg0, %c0_i32 : i32, i32
  }
  func.func @transform_2(%arg0: i32) -> (i32, i32) {
    %c0_i32 = arith.constant 0 : i32
    %c0_i32_0 = arith.constant 0 : i32
    return %arg0, %c0_i32 : i32, i32
  }
  func.func @transform_3(%arg0: i32) -> (i32, i32) {
    %c0_i32 = arith.constant 0 : i32
    %c0_i32_0 = arith.constant 0 : i32
    return %arg0, %c0_i32 : i32, i32
  }
  func.func @transform_4(%arg0: i32) -> (i32, i32) {
    %c0_i32 = arith.constant 0 : i32
    %c0_i32_0 = arith.constant 0 : i32
    %c0_i32_1 = arith.constant 0 : i32
    return %c0_i32, %c0_i32_0 : i32, i32
  }
  func.func @transform_5(%arg0: i32) -> (i32, i32) {
    %c0_i32 = arith.constant 0 : i32
    %c0_i32_0 = arith.constant 0 : i32
    %c0_i32_1 = arith.constant 0 : i32
    return %c0_i32, %c0_i32_0 : i32, i32
  }
  func.func @transform_6(%arg0: i32) -> (i32, i32) {
    %c0_i32 = arith.constant 0 : i32
    %c0_i32_0 = arith.constant 0 : i32
    %c0_i32_1 = arith.constant 0 : i32
    return %c0_i32, %c0_i32_0 : i32, i32
  }
  func.func @transform_7(%arg0: i32) -> (i32, i32) {
    %c0_i32 = arith.constant 0 : i32
    %c0_i32_0 = arith.constant 0 : i32
    %c0_i32_1 = arith.constant 0 : i32
    return %c0_i32, %c0_i32_0 : i32, i32
  }
  func.func @transform_8(%arg0: i32) -> (i32, i32) {
    %c0_i32 = arith.constant 0 : i32
    %c0_i32_0 = arith.constant 0 : i32
    %c0_i32_1 = arith.constant 0 : i32
    return %c0_i32, %c0_i32_0 : i32, i32
  }
  func.func @transform_9(%arg0: i32) -> (i32, i32) {
    %c0_i32 = arith.constant 0 : i32
    %c0_i32_0 = arith.constant 0 : i32
    %c0_i32_1 = arith.constant 0 : i32
    return %c0_i32, %c0_i32_0 : i32, i32
  }
  func.func @transform_10(%arg0: i32) -> (i32, i32) {
    %c0_i32 = arith.constant 0 : i32
    %c0_i32_0 = arith.constant 0 : i32
    return %arg0, %c0_i32 : i32, i32
  }
}

</mosaic_0001>

<sc_bundles>
// kernel: kernel.5.cloned.1.call-start
scs
__scs_entry_jumppad:
0x0: {  	(pc) =	sbr.rel $0x88, $3  }
0x1: {  	(tag) =	ssettag $0x0;
	lr =	simm.s32 $0x1  }
0x2: {  	[smem:$0x3F99] =	sst lr;
	_ =	strace $0xD0000000  }
0x3: {  	_ = 	snop  }
0x4: {  	_ = 	snop  }
0x5: {  	_ = 	snop  }
0x6: {  	_ = 	snop  }
0x7: {  	_ = 	snop  }
__scs_overlays_trampoline_lowered:
0x8: {  	[smem:$0x3FA8] =	sst s0  }
0x9: {  	[smem:$0x3FA9] =	sst s1  }
0xa: {  	[smem:$0x3FAA] =	sst s2  }
0xb: {  	[smem:$0x3FAB] =	sst s3  }
0xc: {  	[smem:$0x3FAC] =	sst s4  }
0xd: {  	[smem:$0x3FAD] =	sst s5  }
0xe: {  	[smem:$0x3FAE] =	sst s6  }
0xf: {  	[smem:$0x3FAF] =	sst s7  }
0x10: {  	[smem:$0x3FB0] =	sst s8  }
0x11: {  	[smem:$0x3FB1] =	sst s9;
	s0 =	simm.s32 @!p0 $0x0  }
0x12: {  	s1 =	sld [smem:$0x3F97];
	s0 =	simm.s32 @p0 $0x1  }
0x13: {  	[smem:$0x3FB2] =	sst s0;
	s0 =	simm.s32 @!p1 $0x0  }
0x14: {  	s2 =	sld [smem:$0x3F96];
	s0 =	simm.s32 @p1 $0x1  }
0x15: {  	[smem:$0x3FB3] =	sst s0;
	s0 =	simm.s32 @!p2 $0x0  }
0x16: {  	s3 =	sld [smem:$0x3FDB];
	s0 =	simm.s32 @p2 $0x1  }
0x17: {  	s4 =	simm.s32 $0x1BF5;
	[smem:$0x3FB5] =	sst s0  }
0x18: {  	s0 =	sld [smem:$0x3F98];
	_ =	swait.ge [sflag:s4], $0x0  }
0x19: {  	s7 =	sld [smem:$0x3F99]  }
0x1a: {  	s8 =	sadd.s32 $0xFFFFE003, lr  }
0x1b: {  	s9 =	sadd.s32 $0xFFFFFEF7, lr;
	s5 =	simm.s32 $0xFFFFFFFF;
	p2 =	slt.u32 s8, $0xFFFFF086  }
0x1c: {  	p1 =	slt.u32 s9, $0xF7A;
	s5 =	simm.s32 @!p2 $0x0  }
0x1d: {  	s5 =	simm.s32 @p1 $0x1;
	p0 =	seq.s32 s7, s2  }
0x1e: {  	s7 =	smul.u32 @!p0 $0xF7A, s2;
	p2 =	seq.s32 @!p0 s5, $0x0  }
0x1f: {  	s9 =	smul.u32 $0xF7A, s1;
	s8 =	simm.s32 @!p0 $0x1BF5;
	p2 =	por !p2, p0  }
0x20: {  	[sflag:s8] =	ssyncset.s32 @!p0 $0xFFFFF086;
	s6 =	sadd.s32 @!p0 s3, s7;
	s7 =	simm.s32 @!p0 $0x108  }
0x21: {  	s3 =	sadd.s32 s3, s9;
	s6 =	sadd.s32 @!p0 $0x88, s6;
	s7 =	simm.s32 @p2 $0x1082  }
0x22: {  	[simem:s7], [sflag:s8] =	dma.local @!p0 [hbm:s6], $0xF7A  }
0x23: {  	s9 =	sor.u32 $0xD0000000, s2;
	s6 =	simm.s32 $0x108;
	_ =	swait.ge @!p0 [sflag:s8], $0x0  }
0x24: {  	s3 =	sadd.s32 $0x88, s3;
	s6 =	simm.s32 @!p1 $0x1082;
	[sflag:s4] =	ssyncset.s32 $0xFFFFF086  }
0x25: {  	[simem:s6], [sflag:s4] =	dma.local [hbm:s3], $0xF7A  }
0x26: {  	[smem:$0x3F99] =	sst s1;
	(tag) =	ssettag s2;
	_ =	strace s9  }
0x27: {  	s1 =	sld [smem:$0x3FA9]  }
0x28: {  	s2 =	sld [smem:$0x3FAA]  }
0x29: {  	s4 =	sld [smem:$0x3FAC]  }
0x2a: {  	p0 =	seq.s32 s5, $0x0;
	s5 =	sld [smem:$0x3FAD]  }
0x2b: {  	s6 =	sld [smem:$0x3FAE]  }
0x2c: {  	s7 =	sld [smem:$0x3FAF]  }
0x2d: {  	s3 =	simm.s32 $0x108;
	s8 =	sld [smem:$0x3FB0]  }
0x2e: {  	s3 =	simm.s32 @!p0 $0x1082;
	s9 =	sld [smem:$0x3FB1]  }
0x2f: {  	lr =	sadd.s32 s0, s3;
	s0 =	sld [smem:$0x3FA8]  }
0x30: {  	s3 =	sld [smem:$0x3FAB]  }
0x31: {  	[smem:$0x3FB4] =	sst s10  }
0x32: {  	s10 =	sld [smem:$0x3FB2];
	_ =	sdelay $0x3  }
0x33: {  	p0 =	seq.s32 s10, $0x1;
	s10 =	sld [smem:$0x3FB4];
	_ =	sdelay $0x3  }
0x34: {  	[smem:$0x3FB4] =	sst s10  }
0x35: {  	s10 =	sld [smem:$0x3FB3];
	_ =	sdelay $0x3  }
0x36: {  	p1 =	seq.s32 s10, $0x1;
	s10 =	sld [smem:$0x3FB4];
	_ =	sdelay $0x3  }
0x37: {  	[smem:$0x3FB4] =	sst s10  }
0x38: {  	s10 =	sld [smem:$0x3FB5]  }
0x39: {  	_ = 	snop;
	(pc) =	sbr.ind lr, $3  }
0x3a: {  	_ = 	snop  }
0x3b: {  	_ = 	snop  }
0x3c: {  	p2 =	seq.s32 s10, $0x1;
	s10 =	sld [smem:$0x3FB4]  }
0x3d: {  	_ =	shalt  }
0x3e: {  	_ =	shalt  }
0x3f: {  	_ =	shalt  }
0x40: {  	_ =	shalt  }
0x41: {  	_ =	shalt  }
0x42: {  	_ =	shalt  }
0x43: {  	_ =	shalt  }
0x44: {  	_ =	shalt  }
0x45: {  	_ =	shalt  }
0x46: {  	_ =	shalt  }
0x47: {  	_ =	shalt  }
0x48: {  	_ =	shalt  }
0x49: {  	_ =	shalt  }
0x4a: {  	_ =	shalt  }
0x4b: {  	_ =	shalt  }
0x4c: {  	_ =	shalt  }
0x4d: {  	_ =	shalt  }
0x4e: {  	_ =	shalt  }
0x4f: {  	_ =	shalt  }
0x50: {  	_ =	shalt  }
0x51: {  	_ =	shalt  }
0x52: {  	_ =	shalt  }
0x53: {  	_ =	shalt  }
0x54: {  	_ =	shalt  }
0x55: {  	_ =	shalt  }
0x56: {  	_ =	shalt  }
0x57: {  	_ =	shalt  }
0x58: {  	_ =	shalt  }
0x59: {  	_ =	shalt  }
0x5a: {  	_ =	shalt  }
0x5b: {  	_ =	shalt  }
0x5c: {  	_ =	shalt  }
0x5d: {  	_ =	shalt  }
0x5e: {  	_ =	shalt  }
0x5f: {  	_ =	shalt  }
0x60: {  	_ =	shalt  }
0x61: {  	_ =	shalt  }
0x62: {  	_ =	shalt  }
0x63: {  	_ =	shalt  }
0x64: {  	_ =	shalt  }
0x65: {  	_ =	shalt  }
0x66: {  	_ =	shalt  }
0x67: {  	_ =	shalt  }
0x68: {  	_ =	shalt  }
0x69: {  	_ =	shalt  }
0x6a: {  	_ =	shalt  }
0x6b: {  	_ =	shalt  }
0x6c: {  	_ =	shalt  }
0x6d: {  	_ =	shalt  }
0x6e: {  	_ =	shalt  }
0x6f: {  	_ =	shalt  }
0x70: {  	_ =	shalt  }
0x71: {  	_ =	shalt  }
0x72: {  	_ =	shalt  }
0x73: {  	_ =	shalt  }
0x74: {  	_ =	shalt  }
0x75: {  	_ =	shalt  }
0x76: {  	_ =	shalt  }
0x77: {  	_ =	shalt  }
0x78: {  	_ =	shalt  }
0x79: {  	_ =	shalt  }
0x7a: {  	_ =	shalt  }
0x7b: {  	_ =	shalt  }
0x7c: {  	_ =	shalt  }
0x7d: {  	_ =	shalt  }
0x7e: {  	_ =	shalt  }
0x7f: {  	_ =	shalt  }
0x80: {  	_ =	shalt  }
0x81: {  	_ =	shalt  }
0x82: {  	_ =	shalt  }
0x83: {  	_ =	shalt  }
0x84: {  	_ =	shalt  }
0x85: {  	_ =	shalt  }
0x86: {  	_ =	shalt  }
0x87: {  	_ =	shalt  }
.Lfunc_end0:
.L_simem_size_0:
called_computation_lowered:
.L_overlay_start_0:
0x88: {  	s2 =	sld [smem:$0x3FD9]  }
0x89: {  	s3 =	sld [smem:$0x3FFE];
	_ =	sdelay $0x1  }
0x8a: {  	s1 =	srdreg.scid  }
0x8b: {  	s0 =	sand.u32 $0x1, s1  }
0x8c: {  	s17 =	sshll.u32 s0, $0xA;
	s2 =	sadd.s32 s3, s2  }
0x8d: {  	s2 =	sadd.s32 s2, s17  }
0x8e: {  	[smem:$0x3FC0] =	sst s2  }
0x8f: {  	_ = 	snop  }
0x90: {  	s2 =	sld [smem:$0x3FD0];
	(tm) =	ssettm $0x1  }
0x91: {  	s18 =	sld [smem:$0x3FFB];
	_ =	sdelay $0x3  }
0x92: {  	_ =	strace s18  }
0x93: {  	s3 =	sld [smem:$0x3FFC];
	_ =	sdelay $0x3  }
0x94: {  	_ =	strace s3  }
0x95: {  	s3 =	sld [smem:$0x3FFD];
	_ =	sdelay $0x3  }
0x96: {  	_ =	strace s3  }
0x97: {  	_ =	strace $0x8FFFFFFF  }
0x98: {  	s19 =	sld [smem:$0x3FDB];
	_ =	sdelay $0x1  }
0x99: {  	s4 =	simm.s32 $_scs_section_size  }
0x9a: {  	s5 =	simm.s32 $_size__tile_overlayer_lowered;
	s6 =	simm.s32 $_tile_overlayer_lowered  }
0x9b: {  	s22 =	simm.s32 $0x1BFF;
	s21 =	sshll.u32 s6, $0x1;
	s3 =	sadd.s32 s4, s19  }
0x9c: {  	s7 =	simm.s32 $0x0;
	s20 =	sshll.u32 s5, $0x1;
	s5 =	sadd.s32 s21, s3  }
0x9d: {  	[timem:s7], [sflag:s22] =	dma.local [hbm:s5], s20  }
0x9e: {  	_ =	swait.ge [sflag:s22], s20  }
0x9f: {  	s4 =	ssub.s32 $0x0, s20;
	[sflag:s22] =	ssyncset.done $0x0  }
0xa0: {  	[sflag:s22] =	ssyncadd.s32 s4;
	_ =	sdelay $0x1  }
0xa1: {  	s23 =	simm.s32 $0x1B8B  }
0xa2: {  	_ =	swait.ge [sflag:s23], $0x1  }
0xa3: {  	[sflag:s23] =	ssyncset.done $0x0  }
0xa4: {  	s25 =	simm.s32 $0x1B8E;
	s24 =	sld [smem:$0x3FFE];
	[sflag:s23] =	ssyncadd.s32 $0xFFFFFFFF  }
0xa5: {  	s26 =	simm.s32 $execute0_lowered;
	[smem:$0x3FD2] =	sst s25  }
0xa6: {  	s5 =	sshll.u32 s26, $0x1;
	_ =	strace $0x80000046;
	[dreg:$0x1] =	wrdreg $0xFFFFFFFF  }
0xa7: {  	s28 =	simm.s32 $_size_execute0_lowered;
	s3 =	sadd.s32 s3, s5;
	[dreg:$0x0] =	wrdreg $0x0  }
0xa8: {  	s5 =	sshll.u32 s28, $0x1;
	[dreg:$0x2] =	wrdreg s3  }
0xa9: {  	[dreg:$0x3] =	wrdreg s5  }
0xaa: {  	[dreg:$0x4] =	wrdreg $0xC0  }
0xab: {  	_ =	task [dreg:s7], $0x5FFFF  }
0xac: {  	[dreg:$0x1] =	wrdreg $0xFFFFFFFF  }
0xad: {  	[dreg:$0x0] =	wrdreg $0x60  }
0xae: {  	[dreg:$0x2] =	wrdreg s24  }
0xaf: {  	[dreg:$0x3] =	wrdreg s2  }
0xb0: {  	[dreg:$0x4] =	wrdreg $0xA0000  }
0xb1: {  	[dreg:$0x5] =	wrdreg $0x0  }
0xb2: {  	[dreg:$0x6] =	wrdreg $0x9  }
0xb3: {  	_ =	task.clear_ibuf [dreg:s7], $0x7FFFF;
	_ =	strace $0x90000046  }
0xb4: {  	s29 =	simm.s32 $0x9;
	_ =	strace $0x80000048  }
0xb5: {  	_ =	swait.ge [sflag:s29], $0x1  }
0xb6: {  	[sflag:s29] =	ssyncadd.s32 $0xFFFFFFFF  }
0xb7: {  	_ =	strace $0x90000048  }
0xb8: {  	_ =	sfence  }
0xb9: {  	s30 =	sld [smem:$0x0];
	_ =	sdelay $0x2  }
0xba: {  	s31 =	sshll.u32 s1, $0xD;
	s1 =	sshrl.u32 s1, $0x2  }
0xbb: {  	s3 =	sand.u32 $0x4000, s31;
	s1 =	sadd.s32 s1, s30  }
0xbc: {  	s0 =	sor.u32 s3, s0;
	s1 =	sshll.u32 s1, $0x11  }
0xbd: {  	s0 =	sor.u32 s1, s0  }
0xbe: {  	s0 =	sadd.s32 $0x8F2B, s0  }
0xbf: {  	[sflag:s0] =	ssyncadd.remote.s32 $0x1  }
0xc0: {  	_ =	sfence.sel $0xFFFF  }
0xc1: {  	[dreg:$0x0] =	wrdreg $0xFFFFFFFF;
	(pc) =	sbr.abs _section_cstart, $3  }
0xc2: {  	[dreg:$0x1] =	wrdreg $0xFFFFFFFF  }
0xc3: {  	_ =	task.clear_ibuf [dreg:s7], $0x2FFFF;
	_ =	strace $0x9FFFFFFF  }
0xc4: {  	(tm) =	ssettm $0x7FFFFFFF  }
0xc5: {  	_ =	shalt  }
tec
execute0_lowered:
.L_overlay_start_1:
0x0: {  	(tag) =	ssettag $0x1  }
0x1: {  	s0 =	rddreg [dreg:$0x0]  }
0x2: {  	s2 =	rddreg [dreg:$0x2]  }
0x3: {  	s4 =	rddreg [dreg:$0x3];
	s5 =	simm.s32 $0x0  }
0x4: {  	s3 =	stileid.u32;
	s7 =	srdreg.scid;
	s19 =	simm.s32 $0xA280  }
0x5: {  	s20 =	simm.s32 $0x3;
	s28 =	simm.s32 $0x17280;
	s29 =	simm.s32 $0x1  }
0x6: {  	s30 =	simm.s32 $0x2;
	s31 =	simm.s32 $0x80;
	s1 =	smul.u32 $0x500, s3  }
0x7: {  	[smem:$0x7FF] =	sst s5;
	s6 =	sadd.s32 $0x2A00, s0;
	s13 =	smul.u32 $0x14000, s3  }
0x8: {  	s15 =	smul.u32 $0x280, s3;
	s16 =	sand.u32 $0x1, s7;
	s7 =	sadd.s32 $0x1600, s0  }
0x9: {  	s11 =	sadd.s32 $0x1000, s2;
	s12 =	sadd.s32 $0x1800, s2;
	_ =	strace $0x80000047  }
0xa: {  	s9 =	ssub.s32 $0x2, s16;
	s23 =	sor.u32 s3, s16;
	p1 =	sne.s32 s16, $0x0  }
0xb: {  	s1 =	sadd.s32 s1, s0;
	s8 =	sshrl.u32 s13, $0x4;
	s22 =	sshrl.u32 s15, $0x3  }
0xc: {  	s10 =	sshrl.u32 s9, $0x1;
	s14 =	sshrl.u32 s13, $0x1;
	s13 =	sadd.s32 $0x2000, s2  }
0xd: {  	s26 =	sadd.s32 s15, s2;
	p0 =	sne.s32 s23, $0x0;
	s23 =	simm.s32 $0x100  }
0xe: {  	s17 =	sadd.s32 s8, s0;
	s0 =	sadd.s32 s22, s0;
	s18 =	ssub.s32 s9, s10  }
0xf: {  	s8 =	sadd.s32 $0x29C00, s1;
	s9 =	sadd.s32 $0x2EC00, s1;
	s10 =	sadd.s32 $0x800, s2  }
.Ltmp0:
0x10: {  	s14 =	sadd.s32 s14, s4;
	s24 =	sadd.s32 $0x47C00, s17;
	(pc) =	sbr.rel .LBB2_1-.Ltmp0, $4  }
0x11: {  	s1 =	simm.s32 $0x0;
	s25 =	sadd.s32 $0x33C00, s17;
	[dreg:$0x5] =	wrdreg s24  }
0x12: {  	s0 =	sadd.s32 $0x5BC00, s0;
	s18 =	smax.u32 s18, $0x1;
	[dreg:$0x6] =	wrdreg s25  }
0x13: {  	[dreg:$0x7] =	wrdreg s0;
	s0 =	sshrl.u32 s26, $0x3;
	s25 =	simm.s32 $0xF280  }
0x14: {  	v1 =	vimm.f32 $0.0e+00;
	v2 =	vimm.f32 $1.000000000e+00;
	v0 =	vmov s16;
	s26 =	simm.s32 $0x13280;
	[dreg:$0x8] =	wrdreg s0;
	s0 =	simm.s32 $0x19A80  }
.LBB2_22:
0x15: {  	s3 =	sadd.s32 $0xA380, s16;
	[sflag:s20] =	ssyncadd.s32 $0xFFFFC000  }
0x16: {  	[tilespmem:s26], [sflag:$0x2] =	stream.indirect.gather [hbm4b:s6+s23], $0x40, s3, s23, $0xb8;
	[tilespmem:$0x1A500] =	vst v63  }
0x17: {  	_ =	swait.ge [sflag:s29], $0x4000  }
0x18: {  	[sflag:s29] =	ssyncset.done $0x0  }
0x19: {  	s17 =	sadd.s32 $0xCA80, s16;
	[sflag:s29] =	ssyncadd.s32 $0xFFFFC000  }
0x1a: {  	[spmem:s4] =	stream.indirect.scatter.add.bf16 [tilespmem:s25], [sflag:$0x3], $0x40, s17, s23, $0xb8;
	[tilespmem:$0x1A500] =	vst v63  }
0x1b: {  	_ =	swait.ge [sflag:s20], $0x4000  }
0x1c: {  	[sflag:s20] =	ssyncset.done $0x0  }
0x1d: {  	s22 =	sadd.s32 $0xA480, s16;
	[sflag:s20] =	ssyncadd.s32 $0xFFFFC000  }
0x1e: {  	[tilespmem:s25], [sflag:$0x1] =	stream.indirect.gather [hbm4b:s6+s23], $0x40, s22, s23, $0xb8;
	[tilespmem:$0x1A500] =	vst v63  }
0x1f: {  	_ =	swait.ge [sflag:s30], $0x4000  }
0x20: {  	[sflag:s30] =	ssyncset.done $0x0  }
0x21: {  	s24 =	sadd.s32 $0xCB80, s16;
	[sflag:s30] =	ssyncadd.s32 $0xFFFFC000  }
0x22: {  	[spmem:s4] =	stream.indirect.scatter.add.bf16 [tilespmem:s26], [sflag:$0x3], $0x40, s24, s23, $0xb8;
	[tilespmem:$0x1A500] =	vst v63  }
0x23: {  	_ =	swait.ge [sflag:s20], $0x4000  }
0x24: {  	[sflag:s20] =	ssyncset.done $0x0  }
0x25: {  	s16 =	simm.s32 $0xC980;
	[sflag:s20] =	ssyncadd.s32 $0xFFFFC000  }
0x26: {  	[tilespmem:s26], [sflag:$0x2] =	stream.indirect.gather [hbm4b:s6+s23], $0x40, s16, s23, $0xb8;
	[tilespmem:$0x1A500] =	vst v63  }
0x27: {  	_ =	swait.ge [sflag:s29], $0x4000  }
0x28: {  	[sflag:s29] =	ssyncset.done $0x0  }
0x29: {  	s17 =	simm.s32 $0xF080;
	[sflag:s29] =	ssyncadd.s32 $0xFFFFC000  }
0x2a: {  	[spmem:s4] =	stream.indirect.scatter.add.bf16 [tilespmem:s25], [sflag:$0x3], $0x40, s17, s23, $0xb8;
	[tilespmem:$0x1A500] =	vst v63  }
0x2b: {  	_ =	swait.ge [sflag:s20], $0x4000  }
0x2c: {  	[sflag:s20] =	ssyncset.done $0x0  }
0x2d: {  	[sflag:s20] =	ssyncadd.s32 $0xFFFFC000  }
0x2e: {  	_ =	swait.ge [sflag:s30], $0x4000  }
0x2f: {  	[sflag:s30] =	ssyncset.done $0x0  }
0x30: {  	s22 =	simm.s32 $0xF180;
	[sflag:s30] =	ssyncadd.s32 $0xFFFFC000  }
0x31: {  	[spmem:s4] =	stream.indirect.scatter.add.bf16 [tilespmem:s26], [sflag:$0x3], $0x40, s22, s23, $0xb8;
	[tilespmem:$0x1A500] =	vst v63  }
0x32: {  	_ =	swait.ge [sflag:s20], $0x4000  }
0x33: {  	[sflag:s20] =	ssyncset.done $0x0  }
0x34: {  	[sflag:s20] =	ssyncadd.s32 $0xFFFFC000  }
0x35: {  	[bflag:$0x0] =	sbarrier.arrive $0xFFFF  }
0x36: {  	s24 =	rddreg [dreg:$0x5]  }
0x37: {  	[hbm:s24], [sflag:s21] =	dma.local [spmem:s15], $0x1400  }
0x38: {  	_ =	swait.ge [sflag:s20], $0x1400  }
0x39: {  	[sflag:s20] =	ssyncset.done $0x0  }
0x3a: {  	[sflag:s20] =	ssyncadd.s32 $0xFFFFEC00  }
.LBB2_23:
0x3b: {  	s1 =	sadd.s32 $0x1, s1  }
0x3c: {  	p2 =	sne.s32 s1, s18  }
.Ltmp1:
0x3d: {  	_ = 	snop;
	(pc) =	sbr.rel @!p2 .LBB2_24-.Ltmp1, $1  }
0x3e: {  	_ =	sdelay $0x3  }
.LBB2_1:
0x3f: {  	[tilespmem:s19], [sflag:$0x3] =	stream.linear.gather [hbm4b:s8+s5], $0x2800, $0x38;
	[tilespmem:$0x1A500] =	vst v63  }
0x40: {  	_ =	swait.ge [sflag:s20], $0x2800  }
0x41: {  	[sflag:s20] =	ssyncset.done $0x0  }
0x42: {  	s3 =	simm.s32 $0xCA80;
	[sflag:s20] =	ssyncadd.s32 $0xFFFFD800  }
0x43: {  	[tilespmem:s3], [sflag:$0x3] =	stream.linear.gather [hbm4b:s9+s5], $0x2800, $0x38;
	[tilespmem:$0x1A500] =	vst v63  }
0x44: {  	_ =	swait.ge [sflag:s20], $0x2800  }
0x45: {  	[sflag:s20] =	ssyncset.done $0x0  }
0x46: {  	[sflag:s20] =	ssyncadd.s32 $0xFFFFD800  }
0x47: {  	s15 =	simm.s32 $0x1A280;
	s24 =	rddreg [dreg:$0x1]  }
0x48: {  	[tilespmem:s15], [sflag:$0x3] =	stream.linear.gather [hbm4b:s24+s5], $0x280, $0x38;
	[tilespmem:$0x1A500] =	vst v63  }
0x49: {  	_ =	swait.ge [sflag:s20], $0x280  }
0x4a: {  	[sflag:s20] =	ssyncset.done $0x0  }
0x4b: {  	s15 =	simm.s32 $0x0;
	[sflag:s20] =	ssyncadd.s32 $0xFFFFFD80  }
.LBB2_2:
0x4c: {  	p2 =	sne.s32 s15, $0x9FC0  }
.Ltmp2:
0x4d: {  	_ = 	snop;
	(pc) =	sbr.rel @p2 .LBB2_2-.Ltmp2, $3  }
0x4e: {  	_ =	sdelay $0x1  }
0x4f: {  	s16 =	sshra.s32 s15, $0x2  }
0x50: {  	s15 =	sadd.s32 $0x40, s15;
	[tilespmem:s16+$0x17280] =	vst v1  }
0x51: {  	s15 =	simm.s32 $0x40;
	s16 =	simm.s32 $0x0  }
.LBB2_4:
0x52: {  	p2 =	sne.s32 s15, $0x1FC0;
	[tilespmem:s16+$0x19A80] =	vst v1;
	s16 =	smov.u32 s15;
	s15 =	sadd.s32 $0x40, s15  }
.Ltmp3:
0x53: {  	(pc) =	sbr.rel @p2 .LBB2_4-.Ltmp3, $2  }
0x54: {  	_ =	sdelay $0x2  }
0x55: {  	s16 =	sshra.s32 s16, $0x2  }
0x56: {  	[tilespmem:s16+$0x19A80] =	vst v1;
	s15 =	simm.s32 @!p0 $0x19A80;
	s16 =	simm.s32 @!p0 $0x3  }
0x57: {  	[spmem:s2] =	stream.linear.scatter @!p0 [tilespmem:s15], [sflag:$0x3], $0x800, $0x38;
	[tilespmem:$0x1A500] =	vst v63  }
0x58: {  	_ =	swait.ge @!p0 [sflag:s16], $0x800  }
0x59: {  	[sflag:s16] =	ssyncset.done @!p0 $0x0  }
0x5a: {  	[sflag:s16] =	ssyncadd.s32 @!p0 $0xFFFFF800  }
0x5b: {  	[spmem:s10] =	stream.linear.scatter @!p0 [tilespmem:s15], [sflag:$0x3], $0x800, $0x38;
	[tilespmem:$0x1A500] =	vst v63  }
0x5c: {  	_ =	swait.ge @!p0 [sflag:s16], $0x800  }
0x5d: {  	[sflag:s16] =	ssyncset.done @!p0 $0x0  }
0x5e: {  	[sflag:s16] =	ssyncadd.s32 @!p0 $0xFFFFF800  }
0x5f: {  	[spmem:s11] =	stream.linear.scatter @!p0 [tilespmem:s15], [sflag:$0x3], $0x800, $0x38;
	[tilespmem:$0x1A500] =	vst v63  }
0x60: {  	_ =	swait.ge @!p0 [sflag:s16], $0x800  }
0x61: {  	[sflag:s16] =	ssyncset.done @!p0 $0x0  }
0x62: {  	[sflag:s16] =	ssyncadd.s32 @!p0 $0xFFFFF800  }
0x63: {  	[spmem:s12] =	stream.linear.scatter @!p0 [tilespmem:s15], [sflag:$0x3], $0x800, $0x38;
	[tilespmem:$0x1A500] =	vst v63  }
0x64: {  	_ =	swait.ge @!p0 [sflag:s16], $0x800  }
0x65: {  	[sflag:s16] =	ssyncset.done @!p0 $0x0  }
0x66: {  	[sflag:s16] =	ssyncadd.s32 @!p0 $0xFFFFF800  }
0x67: {  	[spmem:s13] =	stream.linear.scatter @!p0 [tilespmem:s15], [sflag:$0x3], $0x800, $0x38;
	[tilespmem:$0x1A500] =	vst v63  }
0x68: {  	_ =	swait.ge @!p0 [sflag:s16], $0x800  }
0x69: {  	[sflag:s16] =	ssyncset.done @!p0 $0x0  }
0x6a: {  	s15 =	simm.s32 $0x0;
	[sflag:s16] =	ssyncadd.s32 @!p0 $0xFFFFF800  }
0x6b: {  	v3 =	vld [tilespmem:s15+$0xA280]  }
0x6c: {  	v4 =	vld [tilespmem:s15+$0xA290]  }
0x6d: {  	v5 =	vld [tilespmem:s15+$0xA2A0]  }
0x6e: {  	v6 =	vld [tilespmem:s15+$0xA2B0]  }
0x6f: {  	v7 =	vld [tilespmem:s15+$0xA2C0]  }
0x70: {  	v8 =	vld [tilespmem:s15+$0xA2D0];
	v3 =	vadd.s32 v0, v3  }
0x71: {  	v9 =	vld [tilespmem:s15+$0xA2E0];
	[tilespmem:s15+$0xA280] =	vst v3;
	v3 =	vadd.s32 v0, v4  }
0x72: {  	[tilespmem:s15+$0xA290] =	vst v3;
	v3 =	vadd.s32 v0, v5;
	v5 =	vld [tilespmem:s15+$0xA2F0]  }
0x73: {  	[tilespmem:s15+$0xA2A0] =	vst v3;
	v3 =	vadd.s32 v0, v6;
	v6 =	vld [tilespmem:s15+$0xA300]  }
0x74: {  	[tilespmem:s15+$0xA2B0] =	vst v3;
	v3 =	vadd.s32 v0, v7;
	v7 =	vld [tilespmem:s15+$0xA310]  }
0x75: {  	v4 =	vld [tilespmem:s15+$0xA320];
	[tilespmem:s15+$0xA2C0] =	vst v3;
	v3 =	vadd.s32 v0, v8  }
0x76: {  	v8 =	vadd.s32 v0, v9;
	[tilespmem:s15+$0xA2D0] =	vst v3;
	v3 =	vld [tilespmem:s15+$0xA330]  }
0x77: {  	[tilespmem:s15+$0xA2E0] =	vst v8;
	v8 =	vadd.s32 v0, v5;
	v5 =	vld [tilespmem:s15+$0xA340]  }
0x78: {  	[tilespmem:s15+$0xA2F0] =	vst v8;
	v8 =	vadd.s32 v0, v6;
	v6 =	vld [tilespmem:s15+$0xA350]  }
0x79: {  	s16 =	simm.s32 $0x400;
	[tilespmem:s15+$0xA300] =	vst v8;
	v8 =	vadd.s32 v0, v7;
	v7 =	vld [tilespmem:s15+$0xA360]  }
.LBB2_6:
0x7a: {  	s17 =	sshra.s32 s16, $0x2;
	p2 =	sne.s32 s16, $0x9C00;
	[tilespmem:s15+$0xA310] =	vst v8;
	v4 =	vadd.s32 v0, v4;
	v8 =	vld [tilespmem:s15+$0xA370]  }
0x7b: {  	v9 =	vld [tilespmem:s17+$0xA280];
	[tilespmem:s15+$0xA320] =	vst v4;
	v3 =	vadd.s32 v0, v3  }
0x7c: {  	v4 =	vld [tilespmem:s17+$0xA290];
	[tilespmem:s15+$0xA330] =	vst v3;
	v3 =	vadd.s32 v0, v5  }
0x7d: {  	v5 =	vld [tilespmem:s17+$0xA2A0];
	[tilespmem:s15+$0xA340] =	vst v3;
	v3 =	vadd.s32 v0, v6  }
0x7e: {  	v6 =	vld [tilespmem:s17+$0xA2B0];
	[tilespmem:s15+$0xA350] =	vst v3;
	v3 =	vadd.s32 v0, v7  }
0x7f: {  	v7 =	vld [tilespmem:s17+$0xA2C0];
	[tilespmem:s15+$0xA360] =	vst v3;
	v3 =	vadd.s32 v0, v8  }
0x80: {  	v8 =	vadd.s32 v0, v9;
	v9 =	vld [tilespmem:s17+$0xA2D0];
	[tilespmem:s15+$0xA370] =	vst v3;
	s15 =	smov.u32 s17  }
0x81: {  	[tilespmem:s15+$0xA280] =	vst v8;
	v3 =	vadd.s32 v0, v4;
	v8 =	vld [tilespmem:s15+$0xA2E0]  }
0x82: {  	[tilespmem:s15+$0xA290] =	vst v3;
	v3 =	vadd.s32 v0, v5;
	v5 =	vld [tilespmem:s15+$0xA2F0]  }
0x83: {  	[tilespmem:s15+$0xA2A0] =	vst v3;
	v3 =	vadd.s32 v0, v6;
	v6 =	vld [tilespmem:s15+$0xA300]  }
0x84: {  	[tilespmem:s15+$0xA2B0] =	vst v3;
	v3 =	vadd.s32 v0, v7;
	v7 =	vld [tilespmem:s15+$0xA310]  }
.Ltmp4:
0x85: {  	[tilespmem:s15+$0xA2C0] =	vst v3;
	v3 =	vadd.s32 v0, v9;
	v4 =	vld [tilespmem:s15+$0xA320];
	(pc) =	sbr.rel @p2 .LBB2_6-.Ltmp4, $4  }
0x86: {  	[tilespmem:s15+$0xA2D0] =	vst v3;
	v8 =	vadd.s32 v0, v8;
	v3 =	vld [tilespmem:s15+$0xA330]  }
0x87: {  	[tilespmem:s15+$0xA2E0] =	vst v8;
	v8 =	vadd.s32 v0, v5;
	v5 =	vld [tilespmem:s15+$0xA340]  }
0x88: {  	[tilespmem:s15+$0xA2F0] =	vst v8;
	v8 =	vadd.s32 v0, v6;
	v6 =	vld [tilespmem:s15+$0xA350]  }
0x89: {  	s16 =	sadd.s32 $0x400, s16;
	[tilespmem:s15+$0xA300] =	vst v8;
	v8 =	vadd.s32 v0, v7;
	v7 =	vld [tilespmem:s15+$0xA360]  }
0x8a: {  	[tilespmem:s15+$0xA310] =	vst v8;
	v4 =	vadd.s32 v0, v4;
	v63 =	vld [tilespmem:s15+$0xA370]  }
0x8b: {  	[tilespmem:s15+$0xA320] =	vst v4;
	v3 =	vadd.s32 v0, v3  }
0x8c: {  	[tilespmem:s15+$0xA330] =	vst v3;
	v3 =	vadd.s32 v0, v5  }
0x8d: {  	[tilespmem:s15+$0xA340] =	vst v3;
	v3 =	vadd.s32 v0, v6  }
0x8e: {  	s3 =	stileid.u32;
	[tilespmem:s15+$0xA350] =	vst v3;
	v3 =	vadd.s32 v0, v7  }
0x8f: {  	s16 =	sshll.u32 s3, $0x6;
	[tilespmem:s15+$0xA360] =	vst v3;
	v3 =	vadd.s32 v0, v63  }
0x90: {  	s21 =	sor.u32 $0x1C03, s16;
	[tilespmem:s15+$0xA370] =	vst v3;
	s15 =	sshrl.u32 s14, $0x3  }
0x91: {  	[spmem:s15], [sflag:s21] =	dma.local [hbm:s7], $0x1400  }
.Ltmp5:
0x92: {  	_ =	swait.ge [sflag:s20], $0x1400;
	(pc) =	sbr.rel @p1 .LBB2_20-.Ltmp5, $4  }
0x93: {  	[sflag:s20] =	ssyncset.done $0x0  }
0x94: {  	[sflag:s20] =	ssyncadd.s32 $0xFFFFEC00  }
0x95: {  	s16 =	simm.s32 $0x0;
	[bflag:$0x0] =	sbarrier.arrive $0xFFFF  }
0x96: {  	[tilespmem:s25], [sflag:$0x1] =	stream.indirect.gather [hbm4b:s6+s23], $0x40, s19, s23, $0xb8;
	[tilespmem:$0x1A500] =	vst v63  }
.LBB2_8:
0x97: {  	s17 =	sshra.s32 s16, $0x2  }
0x98: {  	s24 =	sadd.s32 $0xA380, s17  }
0x99: {  	[tilespmem:s26], [sflag:$0x2] =	stream.indirect.gather [hbm4b:s6+s23], $0x40, s24, s23, $0xb8;
	[tilespmem:$0x1A500] =	vst v63  }
0x9a: {  	v3 =	vld [tilespmem:s17+$0xCA80];
	_ =	sdelay $0x7  }
0x9b: {  	[tilespmem:v3+s28+$0x0] =	vst.idx.add.f32.msk $0xffff, v2  }
0x9c: {  	v3 =	vld [tilespmem:s17+$0xCA90];
	_ =	sdelay $0x7  }
0x9d: {  	[tilespmem:v3+s28+$0x0] =	vst.idx.add.f32.msk $0xffff, v2  }
0x9e: {  	v3 =	vld [tilespmem:s17+$0xCAA0];
	_ =	sdelay $0x7  }
0x9f: {  	[tilespmem:v3+s28+$0x0] =	vst.idx.add.f32.msk $0xffff, v2  }
0xa0: {  	v3 =	vld [tilespmem:s17+$0xCAB0];
	_ =	sdelay $0x7  }
0xa1: {  	[tilespmem:v3+s28+$0x0] =	vst.idx.add.f32.msk $0xffff, v2  }
0xa2: {  	v3 =	vld [tilespmem:s17+$0xCAC0];
	_ =	sdelay $0x7  }
0xa3: {  	[tilespmem:v3+s28+$0x0] =	vst.idx.add.f32.msk $0xffff, v2  }
0xa4: {  	v3 =	vld [tilespmem:s17+$0xCAD0];
	_ =	sdelay $0x7  }
0xa5: {  	[tilespmem:v3+s28+$0x0] =	vst.idx.add.f32.msk $0xffff, v2  }
0xa6: {  	v3 =	vld [tilespmem:s17+$0xCAE0];
	_ =	sdelay $0x7  }
0xa7: {  	[tilespmem:v3+s28+$0x0] =	vst.idx.add.f32.msk $0xffff, v2  }
0xa8: {  	v3 =	vld [tilespmem:s17+$0xCAF0];
	_ =	sdelay $0x7  }
0xa9: {  	[tilespmem:v3+s28+$0x0] =	vst.idx.add.f32.msk $0xffff, v2  }
0xaa: {  	v3 =	vld [tilespmem:s17+$0xCB00];
	_ =	sdelay $0x7  }
0xab: {  	[tilespmem:v3+s28+$0x0] =	vst.idx.add.f32.msk $0xffff, v2  }
0xac: {  	v3 =	vld [tilespmem:s17+$0xCB10];
	_ =	sdelay $0x7  }
0xad: {  	[tilespmem:v3+s28+$0x0] =	vst.idx.add.f32.msk $0xffff, v2  }
0xae: {  	v3 =	vld [tilespmem:s17+$0xCB20];
	_ =	sdelay $0x7  }
0xaf: {  	[tilespmem:v3+s28+$0x0] =	vst.idx.add.f32.msk $0xffff, v2  }
0xb0: {  	v3 =	vld [tilespmem:s17+$0xCB30];
	_ =	sdelay $0x7  }
0xb1: {  	[tilespmem:v3+s28+$0x0] =	vst.idx.add.f32.msk $0xffff, v2  }
0xb2: {  	v3 =	vld [tilespmem:s17+$0xCB40];
	_ =	sdelay $0x7  }
0xb3: {  	[tilespmem:v3+s28+$0x0] =	vst.idx.add.f32.msk $0xffff, v2  }
0xb4: {  	v3 =	vld [tilespmem:s17+$0xCB50];
	_ =	sdelay $0x7  }
0xb5: {  	[tilespmem:v3+s28+$0x0] =	vst.idx.add.f32.msk $0xffff, v2  }
0xb6: {  	v3 =	vld [tilespmem:s17+$0xCB60];
	_ =	sdelay $0x7  }
0xb7: {  	[tilespmem:v3+s28+$0x0] =	vst.idx.add.f32.msk $0xffff, v2  }
0xb8: {  	v3 =	vld [tilespmem:s17+$0xCB70];
	_ =	sdelay $0x7  }
0xb9: {  	[tilespmem:v3+s28+$0x0] =	vst.idx.add.f32.msk $0xffff, v2  }
0xba: {  	_ =	swait.ge [sflag:s29], $0x4000  }
0xbb: {  	[sflag:s29] =	ssyncset.done $0x0  }
0xbc: {  	s22 =	sadd.s32 $0xCA80, s17;
	[sflag:s29] =	ssyncadd.s32 $0xFFFFC000  }
0xbd: {  	[spmem:s4] =	stream.indirect.scatter.add.bf16 [tilespmem:s25], [sflag:$0x3], $0x40, s22, s23, $0xb8;
	[tilespmem:$0x1A500] =	vst v63  }
0xbe: {  	p2 =	seq.s32 s16, $0x9800;
	_ =	swait.ge [sflag:s20], $0x4000  }
0xbf: {  	s3 =	simm.s32 @!p2 $0x100;
	s24 =	sshra.s32 @!p2 s16, $0x2;
	[sflag:s20] =	ssyncset.done $0x0  }
0xc0: {  	s24 =	sadd.s32 @!p2 $0xA480, s24;
	s22 =	simm.s32 @!p2 $0xF280;
	[sflag:s20] =	ssyncadd.s32 $0xFFFFC000  }
0xc1: {  	[tilespmem:s22], [sflag:$0x1] =	stream.indirect.gather @!p2 [hbm4b:s6+s3], $0x40, s24, s3, $0xb8;
	[tilespmem:$0x1A500] =	vst v63  }
0xc2: {  	v3 =	vld [tilespmem:s17+$0xCB80];
	_ =	sdelay $0x7  }
0xc3: {  	[tilespmem:v3+s28+$0x0] =	vst.idx.add.f32.msk $0xffff, v2  }
0xc4: {  	v3 =	vld [tilespmem:s17+$0xCB90];
	_ =	sdelay $0x7  }
0xc5: {  	[tilespmem:v3+s28+$0x0] =	vst.idx.add.f32.msk $0xffff, v2  }
0xc6: {  	v3 =	vld [tilespmem:s17+$0xCBA0];
	_ =	sdelay $0x7  }
0xc7: {  	[tilespmem:v3+s28+$0x0] =	vst.idx.add.f32.msk $0xffff, v2  }
0xc8: {  	v3 =	vld [tilespmem:s17+$0xCBB0];
	_ =	sdelay $0x7  }
0xc9: {  	[tilespmem:v3+s28+$0x0] =	vst.idx.add.f32.msk $0xffff, v2  }
0xca: {  	v3 =	vld [tilespmem:s17+$0xCBC0];
	_ =	sdelay $0x7  }
0xcb: {  	[tilespmem:v3+s28+$0x0] =	vst.idx.add.f32.msk $0xffff, v2  }
0xcc: {  	v3 =	vld [tilespmem:s17+$0xCBD0];
	_ =	sdelay $0x7  }
0xcd: {  	[tilespmem:v3+s28+$0x0] =	vst.idx.add.f32.msk $0xffff, v2  }
0xce: {  	v3 =	vld [tilespmem:s17+$0xCBE0];
	_ =	sdelay $0x7  }
0xcf: {  	[tilespmem:v3+s28+$0x0] =	vst.idx.add.f32.msk $0xffff, v2  }
0xd0: {  	v3 =	vld [tilespmem:s17+$0xCBF0];
	_ =	sdelay $0x7  }
0xd1: {  	[tilespmem:v3+s28+$0x0] =	vst.idx.add.f32.msk $0xffff, v2  }
0xd2: {  	v3 =	vld [tilespmem:s17+$0xCC00];
	_ =	sdelay $0x7  }
0xd3: {  	[tilespmem:v3+s28+$0x0] =	vst.idx.add.f32.msk $0xffff, v2  }
0xd4: {  	v3 =	vld [tilespmem:s17+$0xCC10];
	_ =	sdelay $0x7  }
0xd5: {  	[tilespmem:v3+s28+$0x0] =	vst.idx.add.f32.msk $0xffff, v2  }
0xd6: {  	v3 =	vld [tilespmem:s17+$0xCC20];
	_ =	sdelay $0x7  }
0xd7: {  	[tilespmem:v3+s28+$0x0] =	vst.idx.add.f32.msk $0xffff, v2  }
0xd8: {  	v3 =	vld [tilespmem:s17+$0xCC30];
	_ =	sdelay $0x7  }
0xd9: {  	[tilespmem:v3+s28+$0x0] =	vst.idx.add.f32.msk $0xffff, v2  }
0xda: {  	v3 =	vld [tilespmem:s17+$0xCC40];
	_ =	sdelay $0x7  }
0xdb: {  	[tilespmem:v3+s28+$0x0] =	vst.idx.add.f32.msk $0xffff, v2  }
0xdc: {  	v3 =	vld [tilespmem:s17+$0xCC50];
	_ =	sdelay $0x7  }
0xdd: {  	[tilespmem:v3+s28+$0x0] =	vst.idx.add.f32.msk $0xffff, v2  }
0xde: {  	v3 =	vld [tilespmem:s17+$0xCC60];
	_ =	sdelay $0x7  }
0xdf: {  	[tilespmem:v3+s28+$0x0] =	vst.idx.add.f32.msk $0xffff, v2  }
0xe0: {  	v3 =	vld [tilespmem:s17+$0xCC70];
	_ =	sdelay $0x7  }
0xe1: {  	[tilespmem:v3+s28+$0x0] =	vst.idx.add.f32.msk $0xffff, v2  }
0xe2: {  	s16 =	sadd.s32 $0x800, s16;
	_ =	swait.ge [sflag:s30], $0x4000  }
0xe3: {  	p2 =	sne.s32 s16, $0xA000;
	[sflag:s30] =	ssyncset.done $0x0  }
.Ltmp6:
0xe4: {  	s24 =	sadd.s32 $0xCB80, s17;
	[sflag:s30] =	ssyncadd.s32 $0xFFFFC000;
	(pc) =	sbr.rel @p2 .LBB2_8-.Ltmp6, $4  }
0xe5: {  	[spmem:s4] =	stream.indirect.scatter.add.bf16 [tilespmem:s26], [sflag:$0x3], $0x40, s24, s23, $0xb8;
	[tilespmem:$0x1A500] =	vst v63  }
0xe6: {  	_ =	swait.ge [sflag:s20], $0x4000  }
0xe7: {  	[sflag:s20] =	ssyncset.done $0x0  }
0xe8: {  	[sflag:s20] =	ssyncadd.s32 $0xFFFFC000  }
0xe9: {  	[bflag:$0x0] =	sbarrier.arrive $0xFFFF  }
0xea: {  	s3 =	rddreg [dreg:$0x6]  }
0xeb: {  	[hbm:s3], [sflag:s21] =	dma.local [spmem:s15], $0x1400  }
0xec: {  	_ =	swait.ge [sflag:s20], $0x1400  }
0xed: {  	[sflag:s20] =	ssyncset.done $0x0  }
0xee: {  	s15 =	simm.s32 $0x0;
	[sflag:s20] =	ssyncadd.s32 $0xFFFFEC00  }
0xef: {  	s16 =	simm.s32 $0x40;
	v3 =	vld [tilespmem:s15+$0x17280]  }
.LBB2_10:
0xf0: {  	p2 =	sne.s32 s16, $0x1FC0  }
.Ltmp7:
0xf1: {  	_ = 	snop;
	(pc) =	sbr.rel @p2 .LBB2_10-.Ltmp7, $3  }
0xf2: {  	_ =	sdelay $0x1  }
0xf3: {  	[tilespmem:s15+$0x19A80] =	vst v3;
	s15 =	sshra.s32 s16, $0x2;
	s16 =	sadd.s32 $0x40, s16  }
0xf4: {  	v3 =	vld [tilespmem:s15+$0x17280]  }
0xf5: {  	_ =	sdelay $0x3  }
0xf6: {  	s3 =	simm.s32 $0x1A280;
	[tilespmem:s15+$0x19A80] =	vst v3  }
0xf7: {  	[spmem:s2] =	stream.indirect.scatter.add.f32 [tilespmem:s0], [sflag:$0x3], $0x10, s3, s31, $0xb8;
	[tilespmem:$0x1A500] =	vst v63  }
0xf8: {  	_ =	swait.ge [sflag:s20], $0x800  }
0xf9: {  	[sflag:s20] =	ssyncset.done $0x0  }
0xfa: {  	s15 =	simm.s32 $0x0;
	[sflag:s20] =	ssyncadd.s32 $0xFFFFF800  }
0xfb: {  	s16 =	simm.s32 $0x40;
	v3 =	vld [tilespmem:s15+$0x17A80]  }
.LBB2_12:
0xfc: {  	p2 =	sne.s32 s16, $0x1FC0  }
.Ltmp8:
0xfd: {  	_ = 	snop;
	(pc) =	sbr.rel @p2 .LBB2_12-.Ltmp8, $3  }
0xfe: {  	_ =	sdelay $0x1  }
0xff: {  	[tilespmem:s15+$0x19A80] =	vst v3;
	s15 =	sshra.s32 s16, $0x2;
	s16 =	sadd.s32 $0x40, s16  }
0x100: {  	v3 =	vld [tilespmem:s15+$0x17A80]  }
0x101: {  	_ =	sdelay $0x3  }
0x102: {  	s3 =	simm.s32 $0x1A300;
	[tilespmem:s15+$0x19A80] =	vst v3  }
0x103: {  	[spmem:s2] =	stream.indirect.scatter.add.f32 [tilespmem:s0], [sflag:$0x3], $0x10, s3, s31, $0xb8;
	[tilespmem:$0x1A500] =	vst v63  }
0x104: {  	_ =	swait.ge [sflag:s20], $0x800  }
0x105: {  	[sflag:s20] =	ssyncset.done $0x0  }
0x106: {  	s15 =	simm.s32 $0x0;
	[sflag:s20] =	ssyncadd.s32 $0xFFFFF800  }
0x107: {  	s16 =	simm.s32 $0x40;
	v3 =	vld [tilespmem:s15+$0x18280]  }
.LBB2_14:
0x108: {  	p2 =	sne.s32 s16, $0x1FC0  }
.Ltmp9:
0x109: {  	_ = 	snop;
	(pc) =	sbr.rel @p2 .LBB2_14-.Ltmp9, $3  }
0x10a: {  	_ =	sdelay $0x1  }
0x10b: {  	[tilespmem:s15+$0x19A80] =	vst v3;
	s15 =	sshra.s32 s16, $0x2;
	s16 =	sadd.s32 $0x40, s16  }
0x10c: {  	v3 =	vld [tilespmem:s15+$0x18280]  }
0x10d: {  	_ =	sdelay $0x3  }
0x10e: {  	s3 =	simm.s32 $0x1A380;
	[tilespmem:s15+$0x19A80] =	vst v3  }
0x10f: {  	[spmem:s2] =	stream.indirect.scatter.add.f32 [tilespmem:s0], [sflag:$0x3], $0x10, s3, s31, $0xb8;
	[tilespmem:$0x1A500] =	vst v63  }
0x110: {  	_ =	swait.ge [sflag:s20], $0x800  }
0x111: {  	[sflag:s20] =	ssyncset.done $0x0  }
0x112: {  	s15 =	simm.s32 $0x0;
	[sflag:s20] =	ssyncadd.s32 $0xFFFFF800  }
0x113: {  	s16 =	simm.s32 $0x40;
	v3 =	vld [tilespmem:s15+$0x18A80]  }
.LBB2_16:
0x114: {  	p2 =	sne.s32 s16, $0x1FC0  }
.Ltmp10:
0x115: {  	_ = 	snop;
	(pc) =	sbr.rel @p2 .LBB2_16-.Ltmp10, $3  }
0x116: {  	_ =	sdelay $0x1  }
0x117: {  	[tilespmem:s15+$0x19A80] =	vst v3;
	s15 =	sshra.s32 s16, $0x2;
	s16 =	sadd.s32 $0x40, s16  }
0x118: {  	v3 =	vld [tilespmem:s15+$0x18A80]  }
0x119: {  	_ =	sdelay $0x3  }
0x11a: {  	s3 =	simm.s32 $0x1A400;
	[tilespmem:s15+$0x19A80] =	vst v3  }
0x11b: {  	[spmem:s2] =	stream.indirect.scatter.add.f32 [tilespmem:s0], [sflag:$0x3], $0x10, s3, s31, $0xb8;
	[tilespmem:$0x1A500] =	vst v63  }
0x11c: {  	_ =	swait.ge [sflag:s20], $0x800  }
0x11d: {  	[sflag:s20] =	ssyncset.done $0x0  }
0x11e: {  	s15 =	simm.s32 $0x0;
	[sflag:s20] =	ssyncadd.s32 $0xFFFFF800  }
0x11f: {  	s16 =	simm.s32 $0x40;
	v3 =	vld [tilespmem:s15+$0x19280]  }
.LBB2_18:
0x120: {  	p2 =	sne.s32 s16, $0x1FC0  }
.Ltmp11:
0x121: {  	_ = 	snop;
	(pc) =	sbr.rel @p2 .LBB2_18-.Ltmp11, $3  }
0x122: {  	_ =	sdelay $0x1  }
0x123: {  	[tilespmem:s15+$0x19A80] =	vst v3;
	s15 =	sshra.s32 s16, $0x2;
	s16 =	sadd.s32 $0x40, s16  }
0x124: {  	v3 =	vld [tilespmem:s15+$0x19280]  }
0x125: {  	_ =	sdelay $0x3  }
0x126: {  	s3 =	simm.s32 $0x1A480;
	[tilespmem:s15+$0x19A80] =	vst v3  }
0x127: {  	[spmem:s2] =	stream.indirect.scatter.add.f32 [tilespmem:s0], [sflag:$0x3], $0x10, s3, s31, $0xb8;
	[tilespmem:$0x1A500] =	vst v63  }
0x128: {  	_ =	swait.ge [sflag:s20], $0x800  }
0x129: {  	[sflag:s20] =	ssyncset.done $0x0  }
0x12a: {  	[sflag:s20] =	ssyncadd.s32 $0xFFFFF800  }
0x12b: {  	[bflag:$0x0] =	sbarrier.arrive $0xFFFF  }
0x12c: {  	s22 =	rddreg [dreg:$0x7]  }
.Ltmp12:
0x12d: {  	s24 =	rddreg [dreg:$0x8];
	(pc) =	sbr.rel .LBB2_23-.Ltmp12, $4  }
0x12e: {  	[hbm:s22], [sflag:s21] =	dma.local [spmem:s24], $0x50  }
0x12f: {  	_ =	swait.ge [sflag:s20], $0x50  }
0x130: {  	[sflag:s20] =	ssyncset.done $0x0  }
0x131: {  	[sflag:s20] =	ssyncadd.s32 $0xFFFFFFB0  }
.LBB2_20:
0x132: {  	s3 =	simm.s32 $0xA380  }
0x133: {  	[tilespmem:s26], [sflag:$0x2] =	stream.indirect.gather [hbm4b:s6+s23], $0x40, s3, s23, $0xb8;
	[tilespmem:$0x1A500] =	vst v63  }
0x134: {  	_ =	swait.ge [sflag:s29], $0x4000  }
0x135: {  	[sflag:s29] =	ssyncset.done $0x0  }
0x136: {  	s17 =	simm.s32 $0xCA80;
	[sflag:s29] =	ssyncadd.s32 $0xFFFFC000  }
0x137: {  	[spmem:s4] =	stream.indirect.scatter.add.bf16 [tilespmem:s25], [sflag:$0x3], $0x40, s17, s23, $0xb8;
	[tilespmem:$0x1A500] =	vst v63  }
0x138: {  	_ =	swait.ge [sflag:s20], $0x4000  }
0x139: {  	[sflag:s20] =	ssyncset.done $0x0  }
0x13a: {  	s22 =	simm.s32 $0xA480;
	[sflag:s20] =	ssyncadd.s32 $0xFFFFC000  }
0x13b: {  	[tilespmem:s25], [sflag:$0x1] =	stream.indirect.gather [hbm4b:s6+s23], $0x40, s22, s23, $0xb8;
	[tilespmem:$0x1A500] =	vst v63  }
0x13c: {  	_ =	swait.ge [sflag:s30], $0x4000  }
0x13d: {  	[sflag:s30] =	ssyncset.done $0x0  }
0x13e: {  	s24 =	simm.s32 $0xCB80;
	[sflag:s30] =	ssyncadd.s32 $0xFFFFC000  }
0x13f: {  	[spmem:s4] =	stream.indirect.scatter.add.bf16 [tilespmem:s26], [sflag:$0x3], $0x40, s24, s23, $0xb8;
	[tilespmem:$0x1A500] =	vst v63  }
0x140: {  	_ =	swait.ge [sflag:s20], $0x4000  }
0x141: {  	s16 =	simm.s32 $0x200;
	s17 =	simm.s32 $0x1000;
	[sflag:s20] =	ssyncset.done $0x0  }
.LBB2_21:
0x142: {  	s3 =	sadd.s32 $0xA380, s16  }
0x143: {  	[sflag:s20] =	ssyncadd.s32 $0xFFFFC000;
	s22 =	smov.u32 s17;
	s24 =	sadd.s32 $0x800, s17  }
0x144: {  	[tilespmem:s26], [sflag:$0x2] =	stream.indirect.gather [hbm4b:s6+s23], $0x40, s3, s23, $0xb8;
	[tilespmem:$0x1A500] =	vst v63  }
0x145: {  	p2 =	sne.s32 s17, $0x9000;
	_ =	swait.ge [sflag:s29], $0x4000  }
0x146: {  	[sflag:s29] =	ssyncset.done $0x0  }
0x147: {  	s3 =	sadd.s32 $0xCA80, s16;
	[sflag:s29] =	ssyncadd.s32 $0xFFFFC000  }
0x148: {  	[spmem:s4] =	stream.indirect.scatter.add.bf16 [tilespmem:s25], [sflag:$0x3], $0x40, s3, s23, $0xb8;
	[tilespmem:$0x1A500] =	vst v63  }
0x149: {  	_ =	swait.ge [sflag:s20], $0x4000  }
0x14a: {  	[sflag:s20] =	ssyncset.done $0x0  }
0x14b: {  	s3 =	sadd.s32 $0xA480, s16;
	[sflag:s20] =	ssyncadd.s32 $0xFFFFC000  }
0x14c: {  	[tilespmem:s25], [sflag:$0x1] =	stream.indirect.gather [hbm4b:s6+s23], $0x40, s3, s23, $0xb8;
	[tilespmem:$0x1A500] =	vst v63  }
0x14d: {  	_ =	swait.ge [sflag:s30], $0x4000  }
.Ltmp13:
0x14e: {  	[sflag:s30] =	ssyncset.done $0x0;
	(pc) =	sbr.rel @p2 .LBB2_21-.Ltmp13, $4  }
0x14f: {  	s3 =	sadd.s32 $0xCB80, s16;
	[sflag:s30] =	ssyncadd.s32 $0xFFFFC000  }
0x150: {  	[spmem:s4] =	stream.indirect.scatter.add.bf16 [tilespmem:s26], [sflag:$0x3], $0x40, s3, s23, $0xb8;
	[tilespmem:$0x1A500] =	vst v63  }
0x151: {  	_ =	swait.ge [sflag:s20], $0x4000  }
0x152: {  	s17 =	smov.u32 s24;
	s16 =	sshra.s32 s22, $0x2;
	[sflag:s20] =	ssyncset.done $0x0  }
.Ltmp14:
0x153: {  	_ = 	snop;
	(pc) =	sbr.rel .LBB2_22-.Ltmp14, $1  }
0x154: {  	_ =	sdelay $0x3  }
.LBB2_24:
0x155: {  	_ =	sfence.sel $0x180000  }
0x156: {  	[bflag:$0x0] =	sbarrier.arrive $0xFFFF  }
0x157: {  	_ =	strace $0x90000047  }
0x158: {  	s0 =	stileid.u32;
	[bflag:$0x2] =	sbarrier.arrive $0xFFFF  }
0x159: {  	p0 =	sne.s32 s0, $0x0;
	s0 =	rddreg [dreg:$0x4]  }
0x15a: {  	s0 =	sadd.s32 @!p0 $0x100000, s0  }
0x15b: {  	[sflag:s0] =	ssyncadd.tile.s32 @!p0 $0x1;
	_ =	shalt  }
.Lfunc_end2:
_tile_overlayer_lowered:
.L_overlay_start_2:
0x15c: {  	(tag) =	ssettag $0x2  }
0x15d: {  	s0 =	rddreg [dreg:$0x0];
	s2 =	stileid.u32  }
0x15e: {  	s1 =	rddreg [dreg:$0x1];
	p0 =	sne.s32 s2, $0x0  }
0x15f: {  	s3 =	rddreg [dreg:$0x2];
	[bflag:$0x3] =	sbarrier.arrive $0xFFFF;
	s2 =	simm.s32 @!p0 $0x1C03  }
0x160: {  	[timem:s3], [sflag:s2] =	dma.local @!p0 [hbm:s0], s1  }
0x161: {  	s0 =	simm.s32 @!p0 $0x3  }
0x162: {  	_ =	swait.ge @!p0 [sflag:s0], s1  }
0x163: {  	s1 =	ssub.s32 @!p0 $0x0, s1;
	[sflag:s0] =	ssyncset.done @!p0 $0x0  }
0x164: {  	[sflag:s0] =	ssyncadd.s32 @!p0 s1  }
0x165: {  	[bflag:$0x3] =	sbarrier.arrive $0xFFFF  }
0x166: {  	_ =	shalt  }

// kernel: kernel.8.cloned.1.call-start
scs
__scs_entry_jumppad:
0x0: {  	(pc) =	sbr.rel $0x88, $3  }
0x1: {  	(tag) =	ssettag $0x0;
	lr =	simm.s32 $0x1  }
0x2: {  	[smem:$0x3F99] =	sst lr;
	_ =	strace $0xD0000000  }
0x3: {  	_ = 	snop  }
0x4: {  	_ = 	snop  }
0x5: {  	_ = 	snop  }
0x6: {  	_ = 	snop  }
0x7: {  	_ = 	snop  }
__scs_overlays_trampoline_lowered:
0x8: {  	[smem:$0x3FA8] =	sst s0  }
0x9: {  	[smem:$0x3FA9] =	sst s1  }
0xa: {  	[smem:$0x3FAA] =	sst s2  }
0xb: {  	[smem:$0x3FAB] =	sst s3  }
0xc: {  	[smem:$0x3FAC] =	sst s4  }
0xd: {  	[smem:$0x3FAD] =	sst s5  }
0xe: {  	[smem:$0x3FAE] =	sst s6  }
0xf: {  	[smem:$0x3FAF] =	sst s7  }
0x10: {  	[smem:$0x3FB0] =	sst s8  }
0x11: {  	[smem:$0x3FB1] =	sst s9;
	s0 =	simm.s32 @!p0 $0x0  }
0x12: {  	s1 =	sld [smem:$0x3F97];
	s0 =	simm.s32 @p0 $0x1  }
0x13: {  	[smem:$0x3FB2] =	sst s0;
	s0 =	simm.s32 @!p1 $0x0  }
0x14: {  	s2 =	sld [smem:$0x3F96];
	s0 =	simm.s32 @p1 $0x1  }
0x15: {  	[smem:$0x3FB3] =	sst s0;
	s0 =	simm.s32 @!p2 $0x0  }
0x16: {  	s3 =	sld [smem:$0x3FDB];
	s0 =	simm.s32 @p2 $0x1  }
0x17: {  	s4 =	simm.s32 $0x1BF5;
	[smem:$0x3FB5] =	sst s0  }
0x18: {  	s0 =	sld [smem:$0x3F98];
	_ =	swait.ge [sflag:s4], $0x0  }
0x19: {  	s7 =	sld [smem:$0x3F99]  }
0x1a: {  	s8 =	sadd.s32 $0xFFFFE003, lr  }
0x1b: {  	s9 =	sadd.s32 $0xFFFFFEF7, lr;
	s5 =	simm.s32 $0xFFFFFFFF;
	p2 =	slt.u32 s8, $0xFFFFF086  }
0x1c: {  	p1 =	slt.u32 s9, $0xF7A;
	s5 =	simm.s32 @!p2 $0x0  }
0x1d: {  	s5 =	simm.s32 @p1 $0x1;
	p0 =	seq.s32 s7, s2  }
0x1e: {  	s7 =	smul.u32 @!p0 $0xF7A, s2;
	p2 =	seq.s32 @!p0 s5, $0x0  }
0x1f: {  	s9 =	smul.u32 $0xF7A, s1;
	s8 =	simm.s32 @!p0 $0x1BF5;
	p2 =	por !p2, p0  }
0x20: {  	[sflag:s8] =	ssyncset.s32 @!p0 $0xFFFFF086;
	s6 =	sadd.s32 @!p0 s3, s7;
	s7 =	simm.s32 @!p0 $0x108  }
0x21: {  	s3 =	sadd.s32 s3, s9;
	s6 =	sadd.s32 @!p0 $0x88, s6;
	s7 =	simm.s32 @p2 $0x1082  }
0x22: {  	[simem:s7], [sflag:s8] =	dma.local @!p0 [hbm:s6], $0xF7A  }
0x23: {  	s9 =	sor.u32 $0xD0000000, s2;
	s6 =	simm.s32 $0x108;
	_ =	swait.ge @!p0 [sflag:s8], $0x0  }
0x24: {  	s3 =	sadd.s32 $0x88, s3;
	s6 =	simm.s32 @!p1 $0x1082;
	[sflag:s4] =	ssyncset.s32 $0xFFFFF086  }
0x25: {  	[simem:s6], [sflag:s4] =	dma.local [hbm:s3], $0xF7A  }
0x26: {  	[smem:$0x3F99] =	sst s1;
	(tag) =	ssettag s2;
	_ =	strace s9  }
0x27: {  	s1 =	sld [smem:$0x3FA9]  }
0x28: {  	s2 =	sld [smem:$0x3FAA]  }
0x29: {  	s4 =	sld [smem:$0x3FAC]  }
0x2a: {  	p0 =	seq.s32 s5, $0x0;
	s5 =	sld [smem:$0x3FAD]  }
0x2b: {  	s6 =	sld [smem:$0x3FAE]  }
0x2c: {  	s7 =	sld [smem:$0x3FAF]  }
0x2d: {  	s3 =	simm.s32 $0x108;
	s8 =	sld [smem:$0x3FB0]  }
0x2e: {  	s3 =	simm.s32 @!p0 $0x1082;
	s9 =	sld [smem:$0x3FB1]  }
0x2f: {  	lr =	sadd.s32 s0, s3;
	s0 =	sld [smem:$0x3FA8]  }
0x30: {  	s3 =	sld [smem:$0x3FAB]  }
0x31: {  	[smem:$0x3FB4] =	sst s10  }
0x32: {  	s10 =	sld [smem:$0x3FB2];
	_ =	sdelay $0x3  }
0x33: {  	p0 =	seq.s32 s10, $0x1;
	s10 =	sld [smem:$0x3FB4];
	_ =	sdelay $0x3  }
0x34: {  	[smem:$0x3FB4] =	sst s10  }
0x35: {  	s10 =	sld [smem:$0x3FB3];
	_ =	sdelay $0x3  }
0x36: {  	p1 =	seq.s32 s10, $0x1;
	s10 =	sld [smem:$0x3FB4];
	_ =	sdelay $0x3  }
0x37: {  	[smem:$0x3FB4] =	sst s10  }
0x38: {  	s10 =	sld [smem:$0x3FB5]  }
0x39: {  	_ = 	snop;
	(pc) =	sbr.ind lr, $3  }
0x3a: {  	_ = 	snop  }
0x3b: {  	_ = 	snop  }
0x3c: {  	p2 =	seq.s32 s10, $0x1;
	s10 =	sld [smem:$0x3FB4]  }
0x3d: {  	_ =	shalt  }
0x3e: {  	_ =	shalt  }
0x3f: {  	_ =	shalt  }
0x40: {  	_ =	shalt  }
0x41: {  	_ =	shalt  }
0x42: {  	_ =	shalt  }
0x43: {  	_ =	shalt  }
0x44: {  	_ =	shalt  }
0x45: {  	_ =	shalt  }
0x46: {  	_ =	shalt  }
0x47: {  	_ =	shalt  }
0x48: {  	_ =	shalt  }
0x49: {  	_ =	shalt  }
0x4a: {  	_ =	shalt  }
0x4b: {  	_ =	shalt  }
0x4c: {  	_ =	shalt  }
0x4d: {  	_ =	shalt  }
0x4e: {  	_ =	shalt  }
0x4f: {  	_ =	shalt  }
0x50: {  	_ =	shalt  }
0x51: {  	_ =	shalt  }
0x52: {  	_ =	shalt  }
0x53: {  	_ =	shalt  }
0x54: {  	_ =	shalt  }
0x55: {  	_ =	shalt  }
0x56: {  	_ =	shalt  }
0x57: {  	_ =	shalt  }
0x58: {  	_ =	shalt  }
0x59: {  	_ =	shalt  }
0x5a: {  	_ =	shalt  }
0x5b: {  	_ =	shalt  }
0x5c: {  	_ =	shalt  }
0x5d: {  	_ =	shalt  }
0x5e: {  	_ =	shalt  }
0x5f: {  	_ =	shalt  }
0x60: {  	_ =	shalt  }
0x61: {  	_ =	shalt  }
0x62: {  	_ =	shalt  }
0x63: {  	_ =	shalt  }
0x64: {  	_ =	shalt  }
0x65: {  	_ =	shalt  }
0x66: {  	_ =	shalt  }
0x67: {  	_ =	shalt  }
0x68: {  	_ =	shalt  }
0x69: {  	_ =	shalt  }
0x6a: {  	_ =	shalt  }
0x6b: {  	_ =	shalt  }
0x6c: {  	_ =	shalt  }
0x6d: {  	_ =	shalt  }
0x6e: {  	_ =	shalt  }
0x6f: {  	_ =	shalt  }
0x70: {  	_ =	shalt  }
0x71: {  	_ =	shalt  }
0x72: {  	_ =	shalt  }
0x73: {  	_ =	shalt  }
0x74: {  	_ =	shalt  }
0x75: {  	_ =	shalt  }
0x76: {  	_ =	shalt  }
0x77: {  	_ =	shalt  }
0x78: {  	_ =	shalt  }
0x79: {  	_ =	shalt  }
0x7a: {  	_ =	shalt  }
0x7b: {  	_ =	shalt  }
0x7c: {  	_ =	shalt  }
0x7d: {  	_ =	shalt  }
0x7e: {  	_ =	shalt  }
0x7f: {  	_ =	shalt  }
0x80: {  	_ =	shalt  }
0x81: {  	_ =	shalt  }
0x82: {  	_ =	shalt  }
0x83: {  	_ =	shalt  }
0x84: {  	_ =	shalt  }
0x85: {  	_ =	shalt  }
0x86: {  	_ =	shalt  }
0x87: {  	_ =	shalt  }
.Lfunc_end0:
.L_simem_size_0:
called_computation.1_lowered:
.L_overlay_start_0:
0x88: {  	s2 =	sld [smem:$0x3FD9]  }
0x89: {  	s3 =	sld [smem:$0x3FFE];
	_ =	sdelay $0x1  }
0x8a: {  	s1 =	srdreg.scid  }
0x8b: {  	s0 =	sand.u32 $0x1, s1  }
0x8c: {  	s17 =	sshll.u32 s0, $0xA;
	s2 =	sadd.s32 s3, s2  }
0x8d: {  	s2 =	sadd.s32 s2, s17  }
0x8e: {  	[smem:$0x3FC0] =	sst s2  }
0x8f: {  	_ = 	snop  }
0x90: {  	s2 =	sld [smem:$0x3FD0];
	(tm) =	ssettm $0x1  }
0x91: {  	s18 =	sld [smem:$0x3FFB];
	_ =	sdelay $0x3  }
0x92: {  	_ =	strace s18  }
0x93: {  	s3 =	sld [smem:$0x3FFC];
	_ =	sdelay $0x3  }
0x94: {  	_ =	strace s3  }
0x95: {  	s3 =	sld [smem:$0x3FFD];
	_ =	sdelay $0x3  }
0x96: {  	_ =	strace s3  }
0x97: {  	_ =	strace $0x8FFFFFFF  }
0x98: {  	s19 =	sld [smem:$0x3FDB];
	_ =	sdelay $0x1  }
0x99: {  	s4 =	simm.s32 $_scs_section_size  }
0x9a: {  	s5 =	simm.s32 $_size__tile_overlayer_lowered;
	s6 =	simm.s32 $_tile_overlayer_lowered  }
0x9b: {  	s22 =	simm.s32 $0x1BFF;
	s21 =	sshll.u32 s6, $0x1;
	s3 =	sadd.s32 s4, s19  }
0x9c: {  	s7 =	simm.s32 $0x0;
	s20 =	sshll.u32 s5, $0x1;
	s5 =	sadd.s32 s21, s3  }
0x9d: {  	[timem:s7], [sflag:s22] =	dma.local [hbm:s5], s20  }
0x9e: {  	_ =	swait.ge [sflag:s22], s20  }
0x9f: {  	s4 =	ssub.s32 $0x0, s20;
	[sflag:s22] =	ssyncset.done $0x0  }
0xa0: {  	[sflag:s22] =	ssyncadd.s32 s4;
	_ =	sdelay $0x1  }
0xa1: {  	s23 =	simm.s32 $0x1B8B  }
0xa2: {  	_ =	swait.ge [sflag:s23], $0x1  }
0xa3: {  	[sflag:s23] =	ssyncset.done $0x0  }
0xa4: {  	s25 =	simm.s32 $0x1B8E;
	s24 =	sld [smem:$0x3FFE];
	[sflag:s23] =	ssyncadd.s32 $0xFFFFFFFF  }
0xa5: {  	s26 =	simm.s32 $execute0_lowered;
	[smem:$0x3FD2] =	sst s25  }
0xa6: {  	s5 =	sshll.u32 s26, $0x1;
	_ =	strace $0x80000049;
	[dreg:$0x1] =	wrdreg $0xFFFFFFFF  }
0xa7: {  	s28 =	simm.s32 $_size_execute0_lowered;
	s3 =	sadd.s32 s3, s5;
	[dreg:$0x0] =	wrdreg $0x0  }
0xa8: {  	s5 =	sshll.u32 s28, $0x1;
	[dreg:$0x2] =	wrdreg s3  }
0xa9: {  	[dreg:$0x3] =	wrdreg s5  }
0xaa: {  	[dreg:$0x4] =	wrdreg $0xC0  }
0xab: {  	_ =	task [dreg:s7], $0x5FFFF  }
0xac: {  	[dreg:$0x1] =	wrdreg $0xFFFFFFFF  }
0xad: {  	[dreg:$0x0] =	wrdreg $0x60  }
0xae: {  	[dreg:$0x2] =	wrdreg s24  }
0xaf: {  	[dreg:$0x3] =	wrdreg s2  }
0xb0: {  	[dreg:$0x4] =	wrdreg $0x0  }
0xb1: {  	[dreg:$0x5] =	wrdreg $0x9  }
0xb2: {  	_ =	task.clear_ibuf [dreg:s7], $0x6FFFF;
	_ =	strace $0x90000049  }
0xb3: {  	s29 =	simm.s32 $0x9;
	_ =	strace $0x8000004B  }
0xb4: {  	_ =	swait.ge [sflag:s29], $0x1  }
0xb5: {  	[sflag:s29] =	ssyncadd.s32 $0xFFFFFFFF  }
0xb6: {  	_ =	strace $0x9000004B  }
0xb7: {  	_ =	sfence  }
0xb8: {  	s30 =	sld [smem:$0x0];
	_ =	sdelay $0x2  }
0xb9: {  	s31 =	sshll.u32 s1, $0xD;
	s1 =	sshrl.u32 s1, $0x2  }
0xba: {  	s3 =	sand.u32 $0x4000, s31;
	s1 =	sadd.s32 s1, s30  }
0xbb: {  	s0 =	sor.u32 s3, s0;
	s1 =	sshll.u32 s1, $0x11  }
0xbc: {  	s0 =	sor.u32 s1, s0  }
0xbd: {  	s0 =	sadd.s32 $0x8F2B, s0  }
0xbe: {  	[sflag:s0] =	ssyncadd.remote.s32 $0x1  }
0xbf: {  	_ =	sfence.sel $0xFFFF  }
0xc0: {  	[dreg:$0x0] =	wrdreg $0xFFFFFFFF;
	(pc) =	sbr.abs _section_cstart, $3  }
0xc1: {  	[dreg:$0x1] =	wrdreg $0xFFFFFFFF  }
0xc2: {  	_ =	task.clear_ibuf [dreg:s7], $0x2FFFF;
	_ =	strace $0x9FFFFFFF  }
0xc3: {  	(tm) =	ssettm $0x7FFFFFFF  }
tec
execute0_lowered:
.L_overlay_start_1:
0x0: {  	(tag) =	ssettag $0x1  }
0x1: {  	s0 =	rddreg [dreg:$0x0]  }
0x2: {  	s2 =	rddreg [dreg:$0x2]  }
0x3: {  	s3 =	simm.s32 $0x0;
	s1 =	stileid.u32;
	s6 =	srdreg.scid  }
0x4: {  	s16 =	simm.s32 $0x280;
	s17 =	simm.s32 $0x1;
	s18 =	simm.s32 $0x5280  }
0x5: {  	s19 =	simm.s32 $0x7A80;
	s20 =	simm.s32 $0xA280;
	s21 =	simm.s32 $0xFF80  }
0x6: {  	s22 =	simm.s32 $0xCA80;
	s23 =	simm.s32 $0x80;
	s28 =	simm.s32 $0x10100  }
0x7: {  	s29 =	simm.s32 $0x10180;
	[smem:$0x7FF] =	sst s3;
	s4 =	smul.u32 $0x500, s1  }
0x8: {  	s31 =	smul.u32 $0x280, s1;
	s5 =	sadd.s32 $0x33C00, s0;
	s24 =	sand.u32 $0x1, s6  }
0x9: {  	s6 =	sadd.s32 $0x5BC00, s0;
	s11 =	smul.u32 $0xA00, s1;
	s9 =	sadd.s32 $0x800, s2  }
0xa: {  	s10 =	sadd.s32 $0x1000, s2;
	s12 =	sadd.s32 $0x2000, s2;
	p0 =	sne.s32 s1, $0x0  }
0xb: {  	_ =	strace $0x8000004A;
	s8 =	ssub.s32 $0x2, s24;
	s26 =	sshrl.u32 s11, $0x2  }
0xc: {  	p1 =	sne.s32 s24, $0x0;
	s24 =	simm.s32 $0xF280;
	s30 =	sadd.s32 $0xA280, s26  }
.Ltmp0:
0xd: {  	s4 =	sadd.s32 s4, s0;
	s7 =	sshrl.u32 s31, $0x3;
	v0 =	vmov s30;
	(pc) =	sbr.rel .LBB2_1-.Ltmp0, $4  }
0xe: {  	s25 =	sshrl.u32 s8, $0x1;
	s11 =	sadd.s32 $0x1800, s2;
	s0 =	sadd.s32 s7, s0  }
0xf: {  	s15 =	ssub.s32 s8, s25;
	s7 =	sadd.s32 $0x29C00, s4;
	s8 =	sadd.s32 $0x2EC00, s4  }
0x10: {  	v2 =	vlaneseq.u32;
	s13 =	sadd.s32 s26, s2;
	s25 =	simm.s32 $0x10000;
	s26 =	simm.s32 $0x10080  }
0x11: {  	v1 =	vimm.f32 $0.0e+00;
	v2 =	vmul.u32 $0x2, v2;
	s14 =	sadd.s32 $0x34600, s0;
	s15 =	smax.u32 s15, $0x1;
	s0 =	simm.s32 $0x0  }
.LBB2_20:
0x12: {  	_ =	sdelay $0x3  }
0x13: {  	v3 =	vld.idx.msk [tilespmem:v0+s30+$0x0 ss:$0x1], $0xffff;
	_ =	sdelay $0x3  }
0x14: {  	s1 =	sadd.s32 $0x10, s4  }
0x15: {  	v4 =	vmov s1;
	v3 =	vmax.f32 v3, $1.000000000e+00  }
0x16: {  	v4 =	vshll.u32 v4, $0x1;
	(erf) = vrcp.f32 v3  }
0x17: {  	v3 =	vor.u32 v2, v4  }
0x18: {  	v3 =	vor.u32 $0x1, v3;
	_ =	sdelay $0x2  }
0x19: {  	v63 =	vld [tilespmem:s30+$0xFA80];
	_ =	sdelay $0x1  }
0x1a: {  	v3 =	vld.idx.msk [tilespmem:v3+s16+$0x0], $0xffff;
	_ =	sdelay $0x1  }
0x1b: {  	v5 =	vpop (erf)  }
0x1c: {  	v4 =	vmul.f32 v5, v63;
	_ =	sdelay $0x1  }
0x1d: {  	v3 =	vadd.f32 v4, v3;
	_ =	sdelay $0x1  }
0x1e: {  	[tilespmem:s30+$0xFD00] =	vst v3;
	s30 =	simm.s32 $0xFD00  }
0x1f: {  	[hbm4b:s14+s3] =	stream.linear.scatter [tilespmem:s30], [sflag:$0x1], $0x280, $0x38;
	[tilespmem:$0x10200] =	vst v63  }
0x20: {  	_ =	swait.ge [sflag:s17], $0x280  }
0x21: {  	[sflag:s17] =	ssyncset.done $0x0  }
0x22: {  	[sflag:s17] =	ssyncadd.s32 $0xFFFFFD80  }
.LBB2_21:
0x23: {  	s0 =	sadd.s32 $0x1, s0  }
0x24: {  	p2 =	sne.s32 s0, s15  }
.Ltmp1:
0x25: {  	_ = 	snop;
	(pc) =	sbr.rel @!p2 .LBB2_22-.Ltmp1, $1  }
0x26: {  	_ =	sdelay $0x3  }
.LBB2_1:
0x27: {  	[tilespmem:s16], [sflag:$0x1] =	stream.linear.gather [hbm4b:s5+s3], $0x5000, $0x38;
	[tilespmem:$0x10200] =	vst v63  }
0x28: {  	_ =	swait.ge [sflag:s17], $0x5000  }
0x29: {  	[sflag:s17] =	ssyncset.done $0x0  }
0x2a: {  	[sflag:s17] =	ssyncadd.s32 $0xFFFFB000  }
0x2b: {  	[tilespmem:s18], [sflag:$0x1] =	stream.linear.gather [hbm4b:s7+s3], $0x2800, $0x38;
	[tilespmem:$0x10200] =	vst v63  }
0x2c: {  	_ =	swait.ge [sflag:s17], $0x2800  }
0x2d: {  	[sflag:s17] =	ssyncset.done $0x0  }
0x2e: {  	[sflag:s17] =	ssyncadd.s32 $0xFFFFD800  }
0x2f: {  	[tilespmem:s19], [sflag:$0x1] =	stream.linear.gather [hbm4b:s8+s3], $0x2800, $0x38;
	[tilespmem:$0x10200] =	vst v63  }
0x30: {  	_ =	swait.ge [sflag:s17], $0x2800  }
0x31: {  	[sflag:s17] =	ssyncset.done $0x0  }
0x32: {  	[sflag:s17] =	ssyncadd.s32 $0xFFFFD800  }
0x33: {  	[tilespmem:s20], [sflag:$0x1] =	stream.linear.gather [hbm4b:s6+s3], $0x2800, $0x38;
	[tilespmem:$0x10200] =	vst v63  }
0x34: {  	_ =	swait.ge [sflag:s17], $0x2800  }
0x35: {  	[sflag:s17] =	ssyncset.done $0x0  }
0x36: {  	[sflag:s17] =	ssyncadd.s32 $0xFFFFD800  }
0x37: {  	s1 =	rddreg [dreg:$0x1]  }
0x38: {  	[tilespmem:s21], [sflag:$0x1] =	stream.linear.gather [hbm4b:s1+s3], $0x280, $0x38;
	[tilespmem:$0x10200] =	vst v63  }
0x39: {  	_ =	swait.ge [sflag:s17], $0x280  }
0x3a: {  	[sflag:s17] =	ssyncset.done $0x0  }
0x3b: {  	s1 =	simm.s32 $0x0;
	[sflag:s17] =	ssyncadd.s32 $0xFFFFFD80  }
.LBB2_2:
0x3c: {  	p2 =	sne.s32 s1, $0x9FC0  }
.Ltmp2:
0x3d: {  	_ = 	snop;
	(pc) =	sbr.rel @p2 .LBB2_2-.Ltmp2, $3  }
0x3e: {  	_ =	sdelay $0x1  }
0x3f: {  	s4 =	sshra.s32 s1, $0x2  }
0x40: {  	s1 =	sadd.s32 $0x40, s1;
	[tilespmem:s4+$0xCA80] =	vst v1  }
0x41: {  	s1 =	simm.s32 $0x40;
	s4 =	simm.s32 $0x0  }
.LBB2_4:
0x42: {  	p2 =	sne.s32 s1, $0x1FC0;
	[tilespmem:s4+$0xF280] =	vst v1;
	s4 =	smov.u32 s1;
	s1 =	sadd.s32 $0x40, s1  }
.Ltmp3:
0x43: {  	(pc) =	sbr.rel @p2 .LBB2_4-.Ltmp3, $2  }
0x44: {  	_ =	sdelay $0x2  }
0x45: {  	s4 =	sshra.s32 s4, $0x2  }
0x46: {  	[tilespmem:s4+$0xF280] =	vst v1;
	s1 =	simm.s32 @!p0 $0xF280;
	s4 =	simm.s32 @!p0 $0x1  }
0x47: {  	[spmem:s2] =	stream.linear.scatter @!p0 [tilespmem:s1], [sflag:$0x1], $0x800, $0x38;
	[tilespmem:$0x10200] =	vst v63  }
0x48: {  	_ =	swait.ge @!p0 [sflag:s4], $0x800  }
0x49: {  	[sflag:s4] =	ssyncset.done @!p0 $0x0  }
0x4a: {  	[sflag:s4] =	ssyncadd.s32 @!p0 $0xFFFFF800  }
0x4b: {  	[spmem:s9] =	stream.linear.scatter @!p0 [tilespmem:s1], [sflag:$0x1], $0x800, $0x38;
	[tilespmem:$0x10200] =	vst v63  }
0x4c: {  	_ =	swait.ge @!p0 [sflag:s4], $0x800  }
0x4d: {  	[sflag:s4] =	ssyncset.done @!p0 $0x0  }
0x4e: {  	[sflag:s4] =	ssyncadd.s32 @!p0 $0xFFFFF800  }
0x4f: {  	[spmem:s10] =	stream.linear.scatter @!p0 [tilespmem:s1], [sflag:$0x1], $0x800, $0x38;
	[tilespmem:$0x10200] =	vst v63  }
0x50: {  	_ =	swait.ge @!p0 [sflag:s4], $0x800  }
0x51: {  	[sflag:s4] =	ssyncset.done @!p0 $0x0  }
0x52: {  	[sflag:s4] =	ssyncadd.s32 @!p0 $0xFFFFF800  }
0x53: {  	[spmem:s11] =	stream.linear.scatter @!p0 [tilespmem:s1], [sflag:$0x1], $0x800, $0x38;
	[tilespmem:$0x10200] =	vst v63  }
0x54: {  	_ =	swait.ge @!p0 [sflag:s4], $0x800  }
0x55: {  	[sflag:s4] =	ssyncset.done @!p0 $0x0  }
0x56: {  	[sflag:s4] =	ssyncadd.s32 @!p0 $0xFFFFF800  }
0x57: {  	[spmem:s12] =	stream.linear.scatter @!p0 [tilespmem:s1], [sflag:$0x1], $0x800, $0x38;
	[tilespmem:$0x10200] =	vst v63  }
0x58: {  	_ =	swait.ge @!p0 [sflag:s4], $0x800  }
0x59: {  	[sflag:s4] =	ssyncset.done @!p0 $0x0  }
0x5a: {  	[sflag:s4] =	ssyncadd.s32 @!p0 $0xFFFFF800  }
0x5b: {  	s1 =	simm.s32 $0x0;
	s4 =	simm.s32 $0x0;
	[bflag:$0x0] =	sbarrier.arrive $0xFFFF  }
.LBB2_6:
0x5c: {  	s30 =	sshra.s32 s4, $0x2  }
0x5d: {  	v3 =	vld [tilespmem:s30+$0x5280];
	_ =	sdelay $0x4  }
0x5e: {  	v4 =	vld [tilespmem:s30+$0x7A80];
	_ =	sdelay $0x2  }
0x5f: {  	v3 =	vld.idx.msk [tilespmem:v3+s16+$0x0], $0xffff;
	_ =	sdelay $0x4  }
0x60: {  	[tilespmem:v4+s22+$0x0] =	vst.idx.add.f32.msk $0xffff, v3  }
0x61: {  	v3 =	vld [tilespmem:s30+$0x5290];
	_ =	sdelay $0x4  }
0x62: {  	v4 =	vld [tilespmem:s30+$0x7A90];
	_ =	sdelay $0x2  }
0x63: {  	v3 =	vld.idx.msk [tilespmem:v3+s16+$0x0], $0xffff;
	_ =	sdelay $0x4  }
0x64: {  	[tilespmem:v4+s22+$0x0] =	vst.idx.add.f32.msk $0xffff, v3  }
0x65: {  	v3 =	vld [tilespmem:s30+$0x52A0];
	_ =	sdelay $0x4  }
0x66: {  	v4 =	vld [tilespmem:s30+$0x7AA0];
	_ =	sdelay $0x2  }
0x67: {  	v3 =	vld.idx.msk [tilespmem:v3+s16+$0x0], $0xffff;
	_ =	sdelay $0x4  }
0x68: {  	[tilespmem:v4+s22+$0x0] =	vst.idx.add.f32.msk $0xffff, v3  }
0x69: {  	v3 =	vld [tilespmem:s30+$0x52B0];
	_ =	sdelay $0x4  }
0x6a: {  	v4 =	vld [tilespmem:s30+$0x7AB0];
	_ =	sdelay $0x2  }
0x6b: {  	v3 =	vld.idx.msk [tilespmem:v3+s16+$0x0], $0xffff;
	_ =	sdelay $0x4  }
0x6c: {  	[tilespmem:v4+s22+$0x0] =	vst.idx.add.f32.msk $0xffff, v3  }
0x6d: {  	v3 =	vld [tilespmem:s30+$0x52C0];
	_ =	sdelay $0x4  }
0x6e: {  	v4 =	vld [tilespmem:s30+$0x7AC0];
	_ =	sdelay $0x2  }
0x6f: {  	v3 =	vld.idx.msk [tilespmem:v3+s16+$0x0], $0xffff;
	_ =	sdelay $0x4  }
0x70: {  	[tilespmem:v4+s22+$0x0] =	vst.idx.add.f32.msk $0xffff, v3  }
0x71: {  	v3 =	vld [tilespmem:s30+$0x52D0];
	_ =	sdelay $0x4  }
0x72: {  	v4 =	vld [tilespmem:s30+$0x7AD0];
	_ =	sdelay $0x2  }
0x73: {  	v3 =	vld.idx.msk [tilespmem:v3+s16+$0x0], $0xffff;
	_ =	sdelay $0x4  }
0x74: {  	[tilespmem:v4+s22+$0x0] =	vst.idx.add.f32.msk $0xffff, v3  }
0x75: {  	v3 =	vld [tilespmem:s30+$0x52E0];
	_ =	sdelay $0x4  }
0x76: {  	v4 =	vld [tilespmem:s30+$0x7AE0];
	_ =	sdelay $0x2  }
0x77: {  	v3 =	vld.idx.msk [tilespmem:v3+s16+$0x0], $0xffff;
	_ =	sdelay $0x4  }
0x78: {  	[tilespmem:v4+s22+$0x0] =	vst.idx.add.f32.msk $0xffff, v3  }
0x79: {  	v3 =	vld [tilespmem:s30+$0x52F0];
	_ =	sdelay $0x4  }
0x7a: {  	v4 =	vld [tilespmem:s30+$0x7AF0];
	_ =	sdelay $0x2  }
0x7b: {  	p2 =	sne.s32 s4, $0x9E00;
	v3 =	vld.idx.msk [tilespmem:v3+s16+$0x0], $0xffff  }
.Ltmp4:
0x7c: {  	_ = 	snop;
	(pc) =	sbr.rel @p2 .LBB2_6-.Ltmp4, $2  }
0x7d: {  	_ =	sdelay $0x2  }
0x7e: {  	s4 =	sadd.s32 $0x200, s4;
	[tilespmem:v4+s22+$0x0] =	vst.idx.add.f32.msk $0xffff, v3  }
0x7f: {  	s4 =	sshra.s32 s1, $0x2  }
0x80: {  	s1 =	sadd.s32 $0x40, s1;
	v3 =	vld [tilespmem:s4+$0xCA80]  }
.LBB2_8:
0x81: {  	p2 =	sne.s32 s1, $0x1FC0  }
.Ltmp5:
0x82: {  	_ = 	snop;
	(pc) =	sbr.rel @p2 .LBB2_8-.Ltmp5, $3  }
0x83: {  	_ =	sdelay $0x1  }
0x84: {  	[tilespmem:s4+$0xF280] =	vst v3;
	s4 =	sshra.s32 s1, $0x2;
	s1 =	sadd.s32 $0x40, s1  }
0x85: {  	v3 =	vld [tilespmem:s4+$0xCA80]  }
0x86: {  	_ =	sdelay $0x3  }
0x87: {  	[tilespmem:s4+$0xF280] =	vst v3  }
0x88: {  	[spmem:s2] =	stream.indirect.scatter.add.f32 [tilespmem:s24], [sflag:$0x1], $0x10, s21, s23, $0xb8;
	[tilespmem:$0x10200] =	vst v63  }
0x89: {  	_ =	swait.ge [sflag:s17], $0x800  }
0x8a: {  	[sflag:s17] =	ssyncset.done $0x0  }
0x8b: {  	s1 =	simm.s32 $0x0;
	[sflag:s17] =	ssyncadd.s32 $0xFFFFF800  }
0x8c: {  	s4 =	simm.s32 $0x40;
	v3 =	vld [tilespmem:s1+$0xD280]  }
.LBB2_10:
0x8d: {  	p2 =	sne.s32 s4, $0x1FC0  }
.Ltmp6:
0x8e: {  	_ = 	snop;
	(pc) =	sbr.rel @p2 .LBB2_10-.Ltmp6, $3  }
0x8f: {  	_ =	sdelay $0x1  }
0x90: {  	[tilespmem:s1+$0xF280] =	vst v3;
	s1 =	sshra.s32 s4, $0x2;
	s4 =	sadd.s32 $0x40, s4  }
0x91: {  	v3 =	vld [tilespmem:s1+$0xD280]  }
0x92: {  	_ =	sdelay $0x3  }
0x93: {  	[tilespmem:s1+$0xF280] =	vst v3  }
0x94: {  	[spmem:s2] =	stream.indirect.scatter.add.f32 [tilespmem:s24], [sflag:$0x1], $0x10, s25, s23, $0xb8;
	[tilespmem:$0x10200] =	vst v63  }
0x95: {  	_ =	swait.ge [sflag:s17], $0x800  }
0x96: {  	[sflag:s17] =	ssyncset.done $0x0  }
0x97: {  	s1 =	simm.s32 $0x0;
	[sflag:s17] =	ssyncadd.s32 $0xFFFFF800  }
0x98: {  	s4 =	simm.s32 $0x40;
	v3 =	vld [tilespmem:s1+$0xDA80]  }
.LBB2_12:
0x99: {  	p2 =	sne.s32 s4, $0x1FC0  }
.Ltmp7:
0x9a: {  	_ = 	snop;
	(pc) =	sbr.rel @p2 .LBB2_12-.Ltmp7, $3  }
0x9b: {  	_ =	sdelay $0x1  }
0x9c: {  	[tilespmem:s1+$0xF280] =	vst v3;
	s1 =	sshra.s32 s4, $0x2;
	s4 =	sadd.s32 $0x40, s4  }
0x9d: {  	v3 =	vld [tilespmem:s1+$0xDA80]  }
0x9e: {  	_ =	sdelay $0x3  }
0x9f: {  	[tilespmem:s1+$0xF280] =	vst v3  }
0xa0: {  	[spmem:s2] =	stream.indirect.scatter.add.f32 [tilespmem:s24], [sflag:$0x1], $0x10, s26, s23, $0xb8;
	[tilespmem:$0x10200] =	vst v63  }
0xa1: {  	_ =	swait.ge [sflag:s17], $0x800  }
0xa2: {  	[sflag:s17] =	ssyncset.done $0x0  }
0xa3: {  	s1 =	simm.s32 $0x0;
	[sflag:s17] =	ssyncadd.s32 $0xFFFFF800  }
0xa4: {  	s4 =	simm.s32 $0x40;
	v3 =	vld [tilespmem:s1+$0xE280]  }
.LBB2_14:
0xa5: {  	p2 =	sne.s32 s4, $0x1FC0  }
.Ltmp8:
0xa6: {  	_ = 	snop;
	(pc) =	sbr.rel @p2 .LBB2_14-.Ltmp8, $3  }
0xa7: {  	_ =	sdelay $0x1  }
0xa8: {  	[tilespmem:s1+$0xF280] =	vst v3;
	s1 =	sshra.s32 s4, $0x2;
	s4 =	sadd.s32 $0x40, s4  }
0xa9: {  	v3 =	vld [tilespmem:s1+$0xE280]  }
0xaa: {  	_ =	sdelay $0x3  }
0xab: {  	[tilespmem:s1+$0xF280] =	vst v3  }
0xac: {  	[spmem:s2] =	stream.indirect.scatter.add.f32 [tilespmem:s24], [sflag:$0x1], $0x10, s28, s23, $0xb8;
	[tilespmem:$0x10200] =	vst v63  }
0xad: {  	_ =	swait.ge [sflag:s17], $0x800  }
0xae: {  	[sflag:s17] =	ssyncset.done $0x0  }
0xaf: {  	s1 =	simm.s32 $0x0;
	[sflag:s17] =	ssyncadd.s32 $0xFFFFF800  }
0xb0: {  	s4 =	simm.s32 $0x40;
	v3 =	vld [tilespmem:s1+$0xEA80]  }
.LBB2_16:
0xb1: {  	p2 =	sne.s32 s4, $0x1FC0  }
.Ltmp9:
0xb2: {  	_ = 	snop;
	(pc) =	sbr.rel @p2 .LBB2_16-.Ltmp9, $3  }
0xb3: {  	_ =	sdelay $0x1  }
0xb4: {  	[tilespmem:s1+$0xF280] =	vst v3;
	s1 =	sshra.s32 s4, $0x2;
	s4 =	sadd.s32 $0x40, s4  }
0xb5: {  	v3 =	vld [tilespmem:s1+$0xEA80]  }
0xb6: {  	_ =	sdelay $0x3  }
0xb7: {  	[tilespmem:s1+$0xF280] =	vst v3  }
0xb8: {  	[spmem:s2] =	stream.indirect.scatter.add.f32 [tilespmem:s24], [sflag:$0x1], $0x10, s29, s23, $0xb8;
	[tilespmem:$0x10200] =	vst v63  }
.Ltmp10:
0xb9: {  	_ =	swait.ge [sflag:s17], $0x800;
	(pc) =	sbr.rel @p1 .LBB2_21-.Ltmp10, $3  }
0xba: {  	[sflag:s17] =	ssyncset.done $0x0  }
0xbb: {  	[sflag:s17] =	ssyncadd.s32 $0xFFFFF800  }
0xbc: {  	[bflag:$0x0] =	sbarrier.arrive $0xFFFF;
	_ =	sdelay $0x1  }
0xbd: {  	s1 =	simm.s32 $0xFA80  }
0xbe: {  	[tilespmem:s1], [sflag:$0x1] =	stream.linear.gather [spmem:s13], $0x280, $0x38;
	[tilespmem:$0x10200] =	vst v63  }
0xbf: {  	_ =	swait.ge [sflag:s17], $0x280  }
0xc0: {  	[sflag:s17] =	ssyncset.done $0x0  }
0xc1: {  	s4 =	simm.s32 $0x0;
	[sflag:s17] =	ssyncadd.s32 $0xFFFFFD80  }
0xc2: {  	v3 =	vld.idx.msk [tilespmem:v0+s4+$0x0 ss:$0x1], $0xffff;
	_ =	sdelay $0x4  }
0xc3: {  	v4 =	vmov s31;
	v3 =	vmax.f32 v3, $1.000000000e+00  }
0xc4: {  	v4 =	vshll.u32 v4, $0x1;
	(erf) = vrcp.f32 v3  }
0xc5: {  	v3 =	vor.u32 v2, v4  }
0xc6: {  	v3 =	vor.u32 $0x1, v3;
	_ =	sdelay $0x2  }
0xc7: {  	v63 =	vld [tilespmem:s4+$0xFA80];
	_ =	sdelay $0x1  }
0xc8: {  	v3 =	vld.idx.msk [tilespmem:v3+s16+$0x0], $0xffff;
	_ =	sdelay $0x1  }
0xc9: {  	v5 =	vpop (erf)  }
0xca: {  	v4 =	vmul.f32 v5, v63;
	_ =	sdelay $0x1  }
0xcb: {  	v3 =	vadd.f32 v4, v3;
	_ =	sdelay $0x1  }
0xcc: {  	s30 =	simm.s32 $0x10;
	s1 =	simm.s32 $0x80;
	[tilespmem:s4+$0xFD00] =	vst v3;
	s4 =	smov.u32 s31  }
.LBB2_19:
0xcd: {  	p2 =	sne.s32 s1, $0x9C0;
	v3 =	vld.idx.msk [tilespmem:v0+s30+$0x0 ss:$0x1], $0xffff;
	_ =	sdelay $0x3  }
0xce: {  	s4 =	sadd.s32 $0x10, s4  }
0xcf: {  	v4 =	vmov s4  }
0xd0: {  	v4 =	vshll.u32 v4, $0x1;
	v3 =	vmax.f32 v3, $1.000000000e+00  }
0xd1: {  	v4 =	vor.u32 v2, v4;
	(erf) = vrcp.f32 v3  }
0xd2: {  	v3 =	vor.u32 $0x1, v4;
	_ =	sdelay $0x3  }
0xd3: {  	v4 =	vld [tilespmem:s30+$0xFA80]  }
0xd4: {  	v3 =	vld.idx.msk [tilespmem:v3+s16+$0x0], $0xffff;
	_ =	sdelay $0x2  }
0xd5: {  	v5 =	vpop (erf)  }
.Ltmp11:
0xd6: {  	v4 =	vmul.f32 v5, v4;
	(pc) =	sbr.rel @p2 .LBB2_19-.Ltmp11, $3  }
0xd7: {  	_ = 	snop  }
0xd8: {  	v3 =	vadd.f32 v4, v3;
	_ =	sdelay $0x1  }
0xd9: {  	[tilespmem:s30+$0xFD00] =	vst v3;
	s30 =	sshra.s32 s1, $0x2;
	s1 =	sadd.s32 $0x40, s1  }
.Ltmp12:
0xda: {  	_ = 	snop;
	(pc) =	sbr.rel .LBB2_20-.Ltmp12, $1  }
0xdb: {  	_ =	sdelay $0x3  }
.LBB2_22:
0xdc: {  	_ =	sfence.sel $0x180000  }
0xdd: {  	[bflag:$0x0] =	sbarrier.arrive $0xFFFF  }
0xde: {  	_ =	strace $0x9000004A  }
0xdf: {  	[bflag:$0x2] =	sbarrier.arrive $0xFFFF  }
0xe0: {  	s0 =	rddreg [dreg:$0x3]  }
0xe1: {  	s0 =	sadd.s32 @!p0 $0x100000, s0  }
0xe2: {  	[sflag:s0] =	ssyncadd.tile.s32 @!p0 $0x1;
	_ =	shalt  }
.Lfunc_end2:
_tile_overlayer_lowered:
.L_overlay_start_2:
0xe3: {  	(tag) =	ssettag $0x2  }
0xe4: {  	s0 =	rddreg [dreg:$0x0];
	s2 =	stileid.u32  }
0xe5: {  	s1 =	rddreg [dreg:$0x1];
	p0 =	sne.s32 s2, $0x0  }
0xe6: {  	s3 =	rddreg [dreg:$0x2];
	[bflag:$0x3] =	sbarrier.arrive $0xFFFF;
	s2 =	simm.s32 @!p0 $0x1C01  }
0xe7: {  	[timem:s3], [sflag:s2] =	dma.local @!p0 [hbm:s0], s1  }
0xe8: {  	s0 =	simm.s32 @!p0 $0x1  }
0xe9: {  	_ =	swait.ge @!p0 [sflag:s0], s1  }
0xea: {  	s1 =	ssub.s32 @!p0 $0x0, s1;
	[sflag:s0] =	ssyncset.done @!p0 $0x0  }
0xeb: {  	[sflag:s0] =	ssyncadd.s32 @!p0 s1  }
0xec: {  	[bflag:$0x3] =	sbarrier.arrive $0xFFFF  }
0xed: {  	_ =	shalt  }

</sc_bundles>
